<compile_context>
chip_gen: v7x
topology: tpu7x:2x2x1
jax: 0.10.2.dev20260603
libtpu: 0.0.44.dev20260713+nightly
codegen_flags: <defaults>
</compile_context>

<pallas_src>
import jax
import jax.numpy as jnp
from jax import lax
from jax.experimental import pallas as pl
from jax.experimental.pallas import tpu as pltpu
from jax.experimental.pallas import tpu_sc as plsc

N = 10000
D = 128
E = 320000
NC, NS, L = 2, 16, 16
NW = NC * NS
EB = 128
NB = 80
EPT = NB * EB
E_PAD = NW * EPT
N_PAD = 10112
NBN = N_PAD // EB
RPT = N_PAD // NS

_MESH = plsc.VectorSubcoreMesh(
    core_axis_name="c", subcore_axis_name="s", num_cores=NC, num_subcores=NS
)


def _tc_prep_body(h0_ref, h1_ref, wt_ref, was_ref, wad_ref, z_ref, ss_ref, sd_ref):
    z = jnp.dot(h0_ref[...], wt_ref[...], preferred_element_type=jnp.float32)
    z_ref[...] = z
    ss_ref[...] = jnp.dot(h1_ref[...], was_ref[...], preferred_element_type=jnp.float32)
    sd_ref[...] = jnp.dot(z, wad_ref[...], preferred_element_type=jnp.float32)


def _tc_prep(h0, h1, wt, wa_s, wa_d):
    return pl.pallas_call(
        _tc_prep_body,
        out_shape=(
            jax.ShapeDtypeStruct((N, D), jnp.float32),
            jax.ShapeDtypeStruct((N, 1), jnp.float32),
            jax.ShapeDtypeStruct((N, 1), jnp.float32),
        ),
    )(h0, h1, wt, wa_s, wa_d)


def _xlane_max(v, buf):
    for sh in (8, 4, 2, 1):
        buf[pl.ds(0, L)] = v
        idx = lax.broadcasted_iota(jnp.int32, (L,), 0) ^ sh
        v = jnp.maximum(v, plsc.load_gather(buf, [idx]))
    return v


def _p1_body(ss_hbm, sd_hbm, src_hbm, dst_hbm,
             denom_hbm, deg_hbm, ex_hbm,
             ssrc_v, sdst_v, src_v, dst_v, ex_v, db_v, ones_v, zero_v, mred_v,
             denom_sh, deg_sh):
    c = lax.axis_index("c")
    s = lax.axis_index("s")
    wid = c * NS + s
    base_e = wid * EPT

    pltpu.sync_copy(ss_hbm, ssrc_v)
    pltpu.sync_copy(sd_hbm, sdst_v)
    pltpu.sync_copy(src_hbm.at[pl.ds(base_e, EPT)], src_v)
    pltpu.sync_copy(dst_hbm.at[pl.ds(base_e, EPT)], dst_v)

    def _zloop(i, carry):
        zero_v[pl.ds(i * L, L)] = jnp.zeros((L,), jnp.float32)
        return carry
    lax.fori_loop(0, -(-RPT // L), _zloop, 0)
    for i in range(EB // L):
        ones_v[pl.ds(i * L, L)] = jnp.ones((L,), jnp.float32)

    pltpu.sync_copy(zero_v.at[pl.ds(0, RPT)], denom_sh.at[pl.ds(s * RPT, RPT)])
    pltpu.sync_copy(zero_v.at[pl.ds(0, RPT)], deg_sh.at[pl.ds(s * RPT, RPT)])
    plsc.subcore_barrier()

    def _mloop(i, carry):
        ms, md = carry
        sl = pl.ds(i * L, L)
        return jnp.maximum(ms, ssrc_v[sl]), jnp.maximum(md, sdst_v[sl])
    init = jnp.full((L,), -3e38, jnp.float32)
    ms, md = lax.fori_loop(0, N_PAD // L, _mloop, (init, init))
    m = _xlane_max(ms, mred_v) + _xlane_max(md, mred_v)
    mv = jnp.where(m > 0, m, m * 0.01)

    def _eloop(b, carry):
        sl = pl.ds(b * L, L)
        vs = plsc.load_gather(ssrc_v, [src_v[sl]])
        vd = plsc.load_gather(sdst_v, [dst_v[sl]])
        a = vs + vd
        e = jnp.where(a > 0, a, a * 0.01)
        ex_v[sl] = jnp.exp(e - mv)
        return carry
    lax.fori_loop(0, EPT // L, _eloop, 0)

    def _sloop(j, carry):
        for i in range(EB // L):
            db_v[pl.ds(i * L, L)] = dst_v[pl.ds(j * EB + i * L, L)]
        pltpu.sync_copy(ex_v.at[pl.ds(j * EB, EB)], denom_sh.at[db_v], add=True)
        pltpu.sync_copy(ones_v, deg_sh.at[db_v], add=True)
        return carry
    lax.fori_loop(0, NB, _sloop, 0)
    plsc.subcore_barrier()

    off_n = c * N_PAD + s * RPT
    pltpu.sync_copy(denom_sh.at[pl.ds(s * RPT, RPT)], zero_v.at[pl.ds(0, RPT)])
    pltpu.sync_copy(zero_v.at[pl.ds(0, RPT)], denom_hbm.at[pl.ds(off_n, RPT)])
    pltpu.sync_copy(deg_sh.at[pl.ds(s * RPT, RPT)], zero_v.at[pl.ds(0, RPT)])
    pltpu.sync_copy(zero_v.at[pl.ds(0, RPT)], deg_hbm.at[pl.ds(off_n, RPT)])
    pltpu.sync_copy(ex_v, ex_hbm.at[pl.ds(base_e, EPT)])


_sc_pass1 = pl.kernel(
    _p1_body,
    out_type=[
        jax.ShapeDtypeStruct((NC * N_PAD,), jnp.float32),
        jax.ShapeDtypeStruct((NC * N_PAD,), jnp.float32),
        jax.ShapeDtypeStruct((E_PAD,), jnp.float32),
    ],
    mesh=_MESH,
    compiler_params=pltpu.CompilerParams(needs_layout_passes=False),
    scratch_types=[
        pltpu.VMEM((N_PAD,), jnp.float32),
        pltpu.VMEM((N_PAD,), jnp.float32),
        pltpu.VMEM((EPT,), jnp.int32),
        pltpu.VMEM((EPT,), jnp.int32),
        pltpu.VMEM((EPT,), jnp.float32),
        pltpu.VMEM((EB,), jnp.int32),
        pltpu.VMEM((EB,), jnp.float32),
        pltpu.VMEM((-(-RPT // L) * L,), jnp.float32),
        pltpu.VMEM((EB,), jnp.float32),
        pltpu.VMEM_SHARED((N_PAD,), jnp.float32),
        pltpu.VMEM_SHARED((N_PAD,), jnp.float32),
    ],
)


def _tc_den_body(d_ref, o_ref):
    o_ref[...] = d_ref[0] + d_ref[1]


def _tc_den(denom2r):
    return pl.pallas_call(
        _tc_den_body,
        out_shape=jax.ShapeDtypeStruct((NBN, EB), jnp.float32),
    )(denom2r)


def _p2_body(h1_hbm, ex_hbm, src_hbm, dst_hbm, den_hbm,
             wsum_hbm,
             sbA, sbB, dbA, dbB, alA, alB, den_v, rowsA, rowsB,
             wsum_sh, semIA, semIB, semDA, semDB, semXA, semXB, semGA, semGB):
    c = lax.axis_index("c")
    s = lax.axis_index("s")
    wid = c * NS + s
    base_e = wid * EPT

    pltpu.sync_copy(den_hbm, den_v)

    def _zloop(i, carry):
        rowsA[i // (D // L), pl.ds((i % (D // L)) * L, L)] = jnp.zeros((L,), jnp.float32)
        return carry
    lax.fori_loop(0, EB * D // L, _zloop, 0)
    for k in range(-(-RPT // EB)):
        sz = min(EB, RPT - k * EB)
        pltpu.sync_copy(rowsA.at[pl.ds(0, sz)],
                        wsum_sh.at[pl.ds(s * RPT + k * EB, sz)])
    plsc.subcore_barrier()

    def _fetch_idx(b, sb, db, al, semI, semD, semX):
        off_e = base_e + b * EB
        pltpu.async_copy(src_hbm.at[pl.ds(off_e, EB)], sb, semI)
        pltpu.async_copy(dst_hbm.at[pl.ds(off_e, EB)], db, semD)
        pltpu.async_copy(ex_hbm.at[pl.ds(off_e, EB)], al, semX)

    def _wait_idx(b, sb, db, al, semI, semD, semX):
        off_e = base_e + b * EB
        pltpu.make_async_copy(src_hbm.at[pl.ds(off_e, EB)], sb, semI).wait()
        pltpu.make_async_copy(dst_hbm.at[pl.ds(off_e, EB)], db, semD).wait()
        pltpu.make_async_copy(ex_hbm.at[pl.ds(off_e, EB)], al, semX).wait()

    def _compute(b, sb, db, al, rows, semG):
        pltpu.make_async_copy(h1_hbm.at[sb], rows, semG).wait()
        for i in range(EB // L):
            sl = pl.ds(i * L, L)
            dv = plsc.load_gather(den_v, [db[sl]])
            al[sl] = al[sl] / jnp.maximum(dv, 1e-16)
        def _rloop(g, c2):
            bi = lax.broadcast_in_dim(g * 4, (L,), ())
            for u in range(4):
                av = plsc.load_gather(al, [bi + u])
                r = g * 4 + u
                for q in range(D // L):
                    sl = pl.ds(q * L, L)
                    rows[r, sl] = rows[r, sl] * av
            return c2
        lax.fori_loop(0, EB // 4, _rloop, 0)
        pltpu.sync_copy(rows, wsum_sh.at[db], add=True)

    _fetch_idx(0, sbA, dbA, alA, semIA, semDA, semXA)
    _wait_idx(0, sbA, dbA, alA, semIA, semDA, semXA)
    pltpu.async_copy(h1_hbm.at[sbA], rowsA, semGA)
    _fetch_idx(1, sbB, dbB, alB, semIB, semDB, semXB)

    def _ploop(k, carry):
        b = 2 * k
        _wait_idx(b + 1, sbB, dbB, alB, semIB, semDB, semXB)
        pltpu.async_copy(h1_hbm.at[sbB], rowsB, semGB)
        _compute(b, sbA, dbA, alA, rowsA, semGA)

        @pl.when(b + 2 < NB)
        def _():
            _fetch_idx(b + 2, sbA, dbA, alA, semIA, semDA, semXA)

        @pl.when(b + 2 < NB)
        def _():
            _wait_idx(b + 2, sbA, dbA, alA, semIA, semDA, semXA)
            pltpu.async_copy(h1_hbm.at[sbA], rowsA, semGA)
        _compute(b + 1, sbB, dbB, alB, rowsB, semGB)

        @pl.when(b + 3 < NB)
        def _():
            _fetch_idx(b + 3, sbB, dbB, alB, semIB, semDB, semXB)
        return carry
    lax.fori_loop(0, NB // 2, _ploop, 0)
    plsc.subcore_barrier()

    off_n = s * RPT
    for k in range(-(-RPT // EB)):
        sz = min(EB, RPT - k * EB)
        pltpu.sync_copy(wsum_sh.at[pl.ds(off_n + k * EB, sz)], rowsA.at[pl.ds(0, sz)])
        pltpu.sync_copy(rowsA.at[pl.ds(0, sz)], wsum_hbm.at[c].at[pl.ds(off_n + k * EB, sz)])


_sc_pass2 = pl.kernel(
    _p2_body,
    out_type=[jax.ShapeDtypeStruct((NC, N_PAD, D), jnp.float32)],
    mesh=_MESH,
    compiler_params=pltpu.CompilerParams(needs_layout_passes=False),
    scratch_types=[
        pltpu.VMEM((EB,), jnp.int32),
        pltpu.VMEM((EB,), jnp.int32),
        pltpu.VMEM((EB,), jnp.int32),
        pltpu.VMEM((EB,), jnp.int32),
        pltpu.VMEM((EB,), jnp.float32),
        pltpu.VMEM((EB,), jnp.float32),
        pltpu.VMEM((N_PAD,), jnp.float32),
        pltpu.VMEM((EB, D), jnp.float32),
        pltpu.VMEM((EB, D), jnp.float32),
        pltpu.VMEM_SHARED((N_PAD, D), jnp.float32),
        pltpu.SemaphoreType.DMA,
        pltpu.SemaphoreType.DMA,
        pltpu.SemaphoreType.DMA,
        pltpu.SemaphoreType.DMA,
        pltpu.SemaphoreType.DMA,
        pltpu.SemaphoreType.DMA,
        pltpu.SemaphoreType.DMA,
        pltpu.SemaphoreType.DMA,
    ],
)


def _tc_final_body(z_ref, w_ref, g_ref, o_ref):
    deg = g_ref[0, :N, :] + g_ref[1, :N, :]
    n = jnp.maximum(deg, 1.0)
    w = w_ref[0, :N, :] + w_ref[1, :N, :]
    o_ref[...] = (deg / (n * n)) * z_ref[...] + w


def _tc_final(z, wsum2, deg2):
    return pl.pallas_call(
        _tc_final_body,
        out_shape=jax.ShapeDtypeStruct((N, D), jnp.float32),
    )(z, wsum2, deg2)


def kernel(h0, h1, edge_index, W_fcdst, W_attn):
    src = edge_index[0].astype(jnp.int32)
    dst = edge_index[1].astype(jnp.int32)
    pad_e = E_PAD - E
    src1 = jnp.concatenate([src, jnp.zeros((pad_e,), jnp.int32)])
    dst1 = jnp.concatenate([dst, jnp.full((pad_e,), N, jnp.int32)])

    wt = W_fcdst.T
    wa_s = W_attn[0, :D].reshape(D, 1)
    wa_d = W_attn[0, D:].reshape(D, 1)

    z, ss, sd = _tc_prep(h0, h1, wt, wa_s, wa_d)
    zpad = jnp.zeros((N_PAD - N,), jnp.float32)
    ssp = jnp.concatenate([ss[:, 0], zpad])
    sdp = jnp.concatenate([sd[:, 0], zpad])

    denom2, deg2, ex1 = _sc_pass1(ssp, sdp, src1, dst1)
    den = _tc_den(denom2.reshape(NC, NBN, EB)).reshape(N_PAD)
    (wsum2,) = _sc_pass2(h1, ex1, src1, dst1, den)
    return _tc_final(z, wsum2, deg2.reshape(NC, N_PAD, 1))

# --- scband reference (transcript-rebuilt; emitter-appended) ---
"""Pipeline reference for scband-merge-layer-4956392259721 (READ-ONLY COPY).

The authoritative reference and input builder live on the scoring server;
editing this copy changes nothing except your own understanding.
"""

import jax, jax.numpy as jnp
import numpy as np

N = 10000
E = 320000
D_IN = 128
D_OUT = 128


def setup_inputs(seed: int = 0) -> dict:
    key = jax.random.key(seed)
    k1, k2, k3, k4, k5 = jax.random.split(key, 5)
    h0 = jax.random.normal(k1, (N, D_IN), dtype=jnp.float32)
    h1 = jax.random.normal(k2, (N, D_OUT), dtype=jnp.float32)
    edge_index = jax.random.randint(k3, (2, E), 0, N, dtype=jnp.int32)
    gain = float(np.sqrt(2.0))  # calculate_gain('relu')
    std_fc = gain * np.sqrt(2.0 / (D_IN + D_OUT))
    std_attn = gain * np.sqrt(2.0 / (2 * D_OUT + 1))
    W_fcdst = jax.random.normal(k4, (D_OUT, D_IN), dtype=jnp.float32) * std_fc
    W_attn = jax.random.normal(k5, (1, 2 * D_OUT), dtype=jnp.float32) * std_attn
    return {"h0": h0, "h1": h1, "edge_index": edge_index, "W_fcdst": W_fcdst, "W_attn": W_attn}


def reference(h0, h1, edge_index, W_fcdst, W_attn):
    src = edge_index[0]
    dst = edge_index[1]
    # graph.srcdata['z'] = h1 ; graph.dstdata['z'] = fcdst(h0)
    z_src = h1
    z_dst = h0 @ W_fcdst.T
    z_src_e = jnp.take(z_src, src, axis=0)   # edges.src['z']  [E, D]
    z_dst_e = jnp.take(z_dst, dst, axis=0)   # edges.dst['z']  [E, D]
    # edge_attention: leaky_relu(attn_interacts(cat([src_z, dst_z])))
    z2 = jnp.concatenate([z_src_e, z_dst_e], axis=1)          # [E, 2D]
    a = z2 @ W_attn.T                                          # [E, 1]
    e = jax.nn.leaky_relu(a, negative_slope=0.01)[:, 0]        # [E]
    # reduce: softmax of e over incoming edges of each dst node
    emax = jax.ops.segment_max(e, dst, num_segments=N)
    emax = jnp.where(jnp.isfinite(emax), emax, 0.0)
    ex = jnp.exp(e - jnp.take(emax, dst))
    denom = jax.ops.segment_sum(ex, dst, num_segments=N)
    alpha = ex / jnp.maximum(jnp.take(denom, dst), 1e-16)      # [E]
    # h = (mean(dst_z over mailbox) + n * sum(alpha * src_z)) / n
    wsum = jax.ops.segment_sum(alpha[:, None] * z_src_e, dst, num_segments=N)  # [N, D]
    dst_sum = jax.ops.segment_sum(z_dst_e, dst, num_segments=N)                # [N, D]
    deg = jax.ops.segment_sum(jnp.ones((E,), dtype=jnp.float32), dst, num_segments=N)
    n = jnp.maximum(deg, 1.0)[:, None]
    h = (dst_sum / n + n * wsum) / n
    return h

if __name__ == "__main__":
    import jax
    _d = setup_inputs()
    print(jax.jit(kernel)(*tuple(_d.values())))

</pallas_src>

<mosaic_0001>
#map = affine_map<(d0, d1) -> (0)>
module attributes {stable_mosaic.version = 14 : i64} {
  func.func @_p1_body(%arg0: i32, %arg1: i32, %arg2: memref<10112xf32, #tpu.memory_space<hbm>>, %arg3: memref<10112xf32, #tpu.memory_space<hbm>>, %arg4: memref<327680xi32, #tpu.memory_space<hbm>>, %arg5: memref<327680xi32, #tpu.memory_space<hbm>>, %arg6: memref<20224xf32, #tpu.memory_space<hbm>>, %arg7: memref<20224xf32, #tpu.memory_space<hbm>>, %arg8: memref<327680xf32, #tpu.memory_space<hbm>>, %arg9: memref<10112xf32, #tpu.memory_space<vmem>>, %arg10: memref<10112xf32, #tpu.memory_space<vmem>>, %arg11: memref<10240xi32, #tpu.memory_space<vmem>>, %arg12: memref<10240xi32, #tpu.memory_space<vmem>>, %arg13: memref<10240xf32, #tpu.memory_space<vmem>>, %arg14: memref<128xi32, #tpu.memory_space<vmem>>, %arg15: memref<128xf32, #tpu.memory_space<vmem>>, %arg16: memref<640xf32, #tpu.memory_space<vmem>>, %arg17: memref<128xf32, #tpu.memory_space<vmem>>, %arg18: memref<10112xf32, #tpu.memory_space<vmem_shared>>, %arg19: memref<10112xf32, #tpu.memory_space<vmem_shared>>) attributes {dimension_semantics = [#tpu.dimension_semantics<core_parallel>, #tpu.dimension_semantics<subcore_parallel>], iteration_bounds = array<i64: 2, 16>, scalar_prefetch = 0 : i64, scratch_operands = 11 : i64, tpu.core_type = #tpu.core_type<sc_vector_subcore>, window_params = [{transform_indices = #map}, {transform_indices = #map}, {transform_indices = #map}, {transform_indices = #map}, {transform_indices = #map}, {transform_indices = #map}, {transform_indices = #map}]} {
    %mul3A = arith.constant 16 : i32
    %mul3A_0 = arith.muli %arg0, %mul3A : i32
    %add3A = arith.addi %mul3A_0, %arg1 : i32
    %mul3A_1 = arith.constant 10240 : i32
    %mul3A_2 = arith.muli %add3A, %mul3A_1 : i32
    "tpu.region"() ({
      %run_scoped3A = tpu.sem_alloc : memref<!tpu.dma_semaphore, #tpu.memory_space<semaphore_mem>>
      tpu.enqueue_dma source(%arg2 : memref<10112xf32, #tpu.memory_space<hbm>>) target(%arg9 : memref<10112xf32, #tpu.memory_space<vmem>>) target_semaphore(%run_scoped3A : memref<!tpu.dma_semaphore, #tpu.memory_space<semaphore_mem>>)
      tpu.wait_dma2 semaphore(%run_scoped3A : memref<!tpu.dma_semaphore, #tpu.memory_space<semaphore_mem>>) src(%arg2 : memref<10112xf32, #tpu.memory_space<hbm>>) dst(%arg9 : memref<10112xf32, #tpu.memory_space<vmem>>)
      tpu.yield
    }) : () -> ()
    "tpu.region"() ({
      %run_scoped3A = tpu.sem_alloc : memref<!tpu.dma_semaphore, #tpu.memory_space<semaphore_mem>>
      tpu.enqueue_dma source(%arg3 : memref<10112xf32, #tpu.memory_space<hbm>>) target(%arg10 : memref<10112xf32, #tpu.memory_space<vmem>>) target_semaphore(%run_scoped3A : memref<!tpu.dma_semaphore, #tpu.memory_space<semaphore_mem>>)
      tpu.wait_dma2 semaphore(%run_scoped3A : memref<!tpu.dma_semaphore, #tpu.memory_space<semaphore_mem>>) src(%arg3 : memref<10112xf32, #tpu.memory_space<hbm>>) dst(%arg10 : memref<10112xf32, #tpu.memory_space<vmem>>)
      tpu.yield
    }) : () -> ()
    "tpu.region"() ({
      %run_scoped3A = tpu.sem_alloc : memref<!tpu.dma_semaphore, #tpu.memory_space<semaphore_mem>>
      %dma_start3A = tpu.memref_slice %arg4[%mul3A_2] : memref<327680xi32, #tpu.memory_space<hbm>> -> memref<10240xi32, #tpu.memory_space<hbm>>
      %dma_start3A_138 = tpu.memref_slice %arg4[%mul3A_2] : memref<327680xi32, #tpu.memory_space<hbm>> -> memref<10240xi32, #tpu.memory_space<hbm>>
      tpu.enqueue_dma source(%dma_start3A_138 : memref<10240xi32, #tpu.memory_space<hbm>>) target(%arg11 : memref<10240xi32, #tpu.memory_space<vmem>>) target_semaphore(%run_scoped3A : memref<!tpu.dma_semaphore, #tpu.memory_space<semaphore_mem>>)
      %dma_wait3A = tpu.memref_slice %arg4[%mul3A_2] : memref<327680xi32, #tpu.memory_space<hbm>> -> memref<10240xi32, #tpu.memory_space<hbm>>
      %dma_wait3A_139 = tpu.memref_slice %arg4[%mul3A_2] : memref<327680xi32, #tpu.memory_space<hbm>> -> memref<10240xi32, #tpu.memory_space<hbm>>
      tpu.wait_dma2 semaphore(%run_scoped3A : memref<!tpu.dma_semaphore, #tpu.memory_space<semaphore_mem>>) src(%dma_wait3A_139 : memref<10240xi32, #tpu.memory_space<hbm>>) dst(%arg11 : memref<10240xi32, #tpu.memory_space<vmem>>)
      tpu.yield
    }) : () -> ()
    "tpu.region"() ({
      %run_scoped3A = tpu.sem_alloc : memref<!tpu.dma_semaphore, #tpu.memory_space<semaphore_mem>>
      %dma_start3A = tpu.memref_slice %arg5[%mul3A_2] : memref<327680xi32, #tpu.memory_space<hbm>> -> memref<10240xi32, #tpu.memory_space<hbm>>
      %dma_start3A_138 = tpu.memref_slice %arg5[%mul3A_2] : memref<327680xi32, #tpu.memory_space<hbm>> -> memref<10240xi32, #tpu.memory_space<hbm>>
      tpu.enqueue_dma source(%dma_start3A_138 : memref<10240xi32, #tpu.memory_space<hbm>>) target(%arg12 : memref<10240xi32, #tpu.memory_space<vmem>>) target_semaphore(%run_scoped3A : memref<!tpu.dma_semaphore, #tpu.memory_space<semaphore_mem>>)
      %dma_wait3A = tpu.memref_slice %arg5[%mul3A_2] : memref<327680xi32, #tpu.memory_space<hbm>> -> memref<10240xi32, #tpu.memory_space<hbm>>
      %dma_wait3A_139 = tpu.memref_slice %arg5[%mul3A_2] : memref<327680xi32, #tpu.memory_space<hbm>> -> memref<10240xi32, #tpu.memory_space<hbm>>
      tpu.wait_dma2 semaphore(%run_scoped3A : memref<!tpu.dma_semaphore, #tpu.memory_space<semaphore_mem>>) src(%dma_wait3A_139 : memref<10240xi32, #tpu.memory_space<hbm>>) dst(%arg12 : memref<10240xi32, #tpu.memory_space<vmem>>)
      tpu.yield
    }) : () -> ()
    %scan3A = arith.constant 0 : i32
    %scan3A_3 = arith.constant 0 : i32
    %scan3A_4 = arith.constant 40 : i32
    %scan3A_5 = arith.addi %scan3A_3, %scan3A_4 : i32
    %scan3A_6 = arith.constant 1 : i32
    scf.for %scan3A_138 = %scan3A_3 to %scan3A_5 step %scan3A_6  : i32 {
      %broadcast_in_dim3A_139 = arith.constant 0.000000e+00 : f32
      %broadcast_in_dim3A_140 = vector.broadcast %broadcast_in_dim3A_139 : f32 to vector<16xf32>
      %mul3A_141 = arith.constant 16 : i32
      %mul3A_142 = arith.muli %scan3A_138, %mul3A_141 : i32
      %swap3A_143 = arith.index_cast %mul3A_142 : i32 to index
      %swap3A_144 = tpu.vector_load %arg16[%swap3A_143] {strides = array<i32>} : memref<640xf32, #tpu.memory_space<vmem>>, vector<16xf32>,
      tpu.vector_store %arg16[%swap3A_143], %broadcast_in_dim3A_140 {strides = array<i32>} : memref<640xf32, #tpu.memory_space<vmem>>, vector<16xf32>,
    }
    %scan3A_7 = arith.constant 40 : i32
    %broadcast_in_dim3A = arith.constant 1.000000e+00 : f32
    %broadcast_in_dim3A_8 = vector.broadcast %broadcast_in_dim3A : f32 to vector<16xf32>
    %swap3A = arith.constant 0 : index
    %swap3A_9 = tpu.vector_load %arg15[%swap3A] {strides = array<i32>} : memref<128xf32, #tpu.memory_space<vmem>>, vector<16xf32>,
    tpu.vector_store %arg15[%swap3A], %broadcast_in_dim3A_8 {strides = array<i32>} : memref<128xf32, #tpu.memory_space<vmem>>, vector<16xf32>,
    %broadcast_in_dim3A_10 = arith.constant 1.000000e+00 : f32
    %broadcast_in_dim3A_11 = vector.broadcast %broadcast_in_dim3A_10 : f32 to vector<16xf32>
    %swap3A_12 = arith.constant 16 : index
    %swap3A_13 = tpu.vector_load %arg15[%swap3A_12] {strides = array<i32>} : memref<128xf32, #tpu.memory_space<vmem>>, vector<16xf32>,
    tpu.vector_store %arg15[%swap3A_12], %broadcast_in_dim3A_11 {strides = array<i32>} : memref<128xf32, #tpu.memory_space<vmem>>, vector<16xf32>,
    %broadcast_in_dim3A_14 = arith.constant 1.000000e+00 : f32
    %broadcast_in_dim3A_15 = vector.broadcast %broadcast_in_dim3A_14 : f32 to vector<16xf32>
    %swap3A_16 = arith.constant 32 : index
    %swap3A_17 = tpu.vector_load %arg15[%swap3A_16] {strides = array<i32>} : memref<128xf32, #tpu.memory_space<vmem>>, vector<16xf32>,
    tpu.vector_store %arg15[%swap3A_16], %broadcast_in_dim3A_15 {strides = array<i32>} : memref<128xf32, #tpu.memory_space<vmem>>, vector<16xf32>,
    %broadcast_in_dim3A_18 = arith.constant 1.000000e+00 : f32
    %broadcast_in_dim3A_19 = vector.broadcast %broadcast_in_dim3A_18 : f32 to vector<16xf32>
    %swap3A_20 = arith.constant 48 : index
    %swap3A_21 = tpu.vector_load %arg15[%swap3A_20] {strides = array<i32>} : memref<128xf32, #tpu.memory_space<vmem>>, vector<16xf32>,
    tpu.vector_store %arg15[%swap3A_20], %broadcast_in_dim3A_19 {strides = array<i32>} : memref<128xf32, #tpu.memory_space<vmem>>, vector<16xf32>,
    %broadcast_in_dim3A_22 = arith.constant 1.000000e+00 : f32
    %broadcast_in_dim3A_23 = vector.broadcast %broadcast_in_dim3A_22 : f32 to vector<16xf32>
    %swap3A_24 = arith.constant 64 : index
    %swap3A_25 = tpu.vector_load %arg15[%swap3A_24] {strides = array<i32>} : memref<128xf32, #tpu.memory_space<vmem>>, vector<16xf32>,
    tpu.vector_store %arg15[%swap3A_24], %broadcast_in_dim3A_23 {strides = array<i32>} : memref<128xf32, #tpu.memory_space<vmem>>, vector<16xf32>,
    %broadcast_in_dim3A_26 = arith.constant 1.000000e+00 : f32
    %broadcast_in_dim3A_27 = vector.broadcast %broadcast_in_dim3A_26 : f32 to vector<16xf32>
    %swap3A_28 = arith.constant 80 : index
    %swap3A_29 = tpu.vector_load %arg15[%swap3A_28] {strides = array<i32>} : memref<128xf32, #tpu.memory_space<vmem>>, vector<16xf32>,
    tpu.vector_store %arg15[%swap3A_28], %broadcast_in_dim3A_27 {strides = array<i32>} : memref<128xf32, #tpu.memory_space<vmem>>, vector<16xf32>,
    %broadcast_in_dim3A_30 = arith.constant 1.000000e+00 : f32
    %broadcast_in_dim3A_31 = vector.broadcast %broadcast_in_dim3A_30 : f32 to vector<16xf32>
    %swap3A_32 = arith.constant 96 : index
    %swap3A_33 = tpu.vector_load %arg15[%swap3A_32] {strides = array<i32>} : memref<128xf32, #tpu.memory_space<vmem>>, vector<16xf32>,
    tpu.vector_store %arg15[%swap3A_32], %broadcast_in_dim3A_31 {strides = array<i32>} : memref<128xf32, #tpu.memory_space<vmem>>, vector<16xf32>,
    %broadcast_in_dim3A_34 = arith.constant 1.000000e+00 : f32
    %broadcast_in_dim3A_35 = vector.broadcast %broadcast_in_dim3A_34 : f32 to vector<16xf32>
    %swap3A_36 = arith.constant 112 : index
    %swap3A_37 = tpu.vector_load %arg15[%swap3A_36] {strides = array<i32>} : memref<128xf32, #tpu.memory_space<vmem>>, vector<16xf32>,
    tpu.vector_store %arg15[%swap3A_36], %broadcast_in_dim3A_35 {strides = array<i32>} : memref<128xf32, #tpu.memory_space<vmem>>, vector<16xf32>,
    %mul3A_38 = arith.constant 632 : i32
    %mul3A_39 = arith.muli %arg1, %mul3A_38 : i32
    "tpu.region"() ({
      %run_scoped3A = tpu.sem_alloc : memref<!tpu.dma_semaphore, #tpu.memory_space<semaphore_mem>>
      %dma_start3A = arith.constant 0 : i32
      %dma_start3A_138 = tpu.memref_slice %arg16[%dma_start3A] : memref<640xf32, #tpu.memory_space<vmem>> -> memref<632xf32, #tpu.memory_space<vmem>>
      %dma_start3A_139 = tpu.memref_slice %arg18[%mul3A_39] : memref<10112xf32, #tpu.memory_space<vmem_shared>> -> memref<632xf32, #tpu.memory_space<vmem_shared>>
      %dma_start3A_140 = tpu.memref_slice %arg18[%mul3A_39] : memref<10112xf32, #tpu.memory_space<vmem_shared>> -> memref<632xf32, #tpu.memory_space<vmem_shared>>
      %dma_start3A_141 = arith.constant 0 : i32
      %dma_start3A_142 = tpu.memref_slice %arg16[%dma_start3A_141] : memref<640xf32, #tpu.memory_space<vmem>> -> memref<632xf32, #tpu.memory_space<vmem>>
      tpu.enqueue_dma source(%dma_start3A_142 : memref<632xf32, #tpu.memory_space<vmem>>) target(%dma_start3A_140 : memref<632xf32, #tpu.memory_space<vmem_shared>>) target_semaphore(%run_scoped3A : memref<!tpu.dma_semaphore, #tpu.memory_space<semaphore_mem>>)
      %dma_wait3A = arith.constant 0 : i32
      %dma_wait3A_143 = tpu.memref_slice %arg16[%dma_wait3A] : memref<640xf32, #tpu.memory_space<vmem>> -> memref<632xf32, #tpu.memory_space<vmem>>
      %dma_wait3A_144 = tpu.memref_slice %arg18[%mul3A_39] : memref<10112xf32, #tpu.memory_space<vmem_shared>> -> memref<632xf32, #tpu.memory_space<vmem_shared>>
      %dma_wait3A_145 = tpu.memref_slice %arg18[%mul3A_39] : memref<10112xf32, #tpu.memory_space<vmem_shared>> -> memref<632xf32, #tpu.memory_space<vmem_shared>>
      %dma_wait3A_146 = arith.constant 0 : i32
      %dma_wait3A_147 = tpu.memref_slice %arg16[%dma_wait3A_146] : memref<640xf32, #tpu.memory_space<vmem>> -> memref<632xf32, #tpu.memory_space<vmem>>
      tpu.wait_dma2 semaphore(%run_scoped3A : memref<!tpu.dma_semaphore, #tpu.memory_space<semaphore_mem>>) src(%dma_wait3A_147 : memref<632xf32, #tpu.memory_space<vmem>>) dst(%dma_wait3A_145 : memref<632xf32, #tpu.memory_space<vmem_shared>>)
      tpu.yield
    }) : () -> ()
    %mul3A_40 = arith.constant 632 : i32
    %mul3A_41 = arith.muli %arg1, %mul3A_40 : i32
    "tpu.region"() ({
      %run_scoped3A = tpu.sem_alloc : memref<!tpu.dma_semaphore, #tpu.memory_space<semaphore_mem>>
      %dma_start3A = arith.constant 0 : i32
      %dma_start3A_138 = tpu.memref_slice %arg16[%dma_start3A] : memref<640xf32, #tpu.memory_space<vmem>> -> memref<632xf32, #tpu.memory_space<vmem>>
      %dma_start3A_139 = tpu.memref_slice %arg19[%mul3A_41] : memref<10112xf32, #tpu.memory_space<vmem_shared>> -> memref<632xf32, #tpu.memory_space<vmem_shared>>
      %dma_start3A_140 = tpu.memref_slice %arg19[%mul3A_41] : memref<10112xf32, #tpu.memory_space<vmem_shared>> -> memref<632xf32, #tpu.memory_space<vmem_shared>>
      %dma_start3A_141 = arith.constant 0 : i32
      %dma_start3A_142 = tpu.memref_slice %arg16[%dma_start3A_141] : memref<640xf32, #tpu.memory_space<vmem>> -> memref<632xf32, #tpu.memory_space<vmem>>
      tpu.enqueue_dma source(%dma_start3A_142 : memref<632xf32, #tpu.memory_space<vmem>>) target(%dma_start3A_140 : memref<632xf32, #tpu.memory_space<vmem_shared>>) target_semaphore(%run_scoped3A : memref<!tpu.dma_semaphore, #tpu.memory_space<semaphore_mem>>)
      %dma_wait3A = arith.constant 0 : i32
      %dma_wait3A_143 = tpu.memref_slice %arg16[%dma_wait3A] : memref<640xf32, #tpu.memory_space<vmem>> -> memref<632xf32, #tpu.memory_space<vmem>>
      %dma_wait3A_144 = tpu.memref_slice %arg19[%mul3A_41] : memref<10112xf32, #tpu.memory_space<vmem_shared>> -> memref<632xf32, #tpu.memory_space<vmem_shared>>
      %dma_wait3A_145 = tpu.memref_slice %arg19[%mul3A_41] : memref<10112xf32, #tpu.memory_space<vmem_shared>> -> memref<632xf32, #tpu.memory_space<vmem_shared>>
      %dma_wait3A_146 = arith.constant 0 : i32
      %dma_wait3A_147 = tpu.memref_slice %arg16[%dma_wait3A_146] : memref<640xf32, #tpu.memory_space<vmem>> -> memref<632xf32, #tpu.memory_space<vmem>>
      tpu.wait_dma2 semaphore(%run_scoped3A : memref<!tpu.dma_semaphore, #tpu.memory_space<semaphore_mem>>) src(%dma_wait3A_147 : memref<632xf32, #tpu.memory_space<vmem>>) dst(%dma_wait3A_145 : memref<632xf32, #tpu.memory_space<vmem_shared>>)
      tpu.yield
    }) : () -> ()
    %barrier3A = arith.constant 0 : index
    tpu.barrier barrier_id(%barrier3A)
    %broadcast_in_dim3A_42 = arith.constant -3.000000e+38 : f32
    %broadcast_in_dim3A_43 = vector.broadcast %broadcast_in_dim3A_42 : f32 to vector<16xf32>
    %scan3A_44 = arith.constant 0 : i32
    %scan3A_45 = arith.constant 632 : i32
    %scan3A_46 = arith.addi %scan3A_44, %scan3A_45 : i32
    %scan3A_47 = arith.constant 1 : i32
    %scan3A_48:2 = scf.for %scan3A_138 = %scan3A_44 to %scan3A_46 step %scan3A_47 iter_args(%scan3A_139 = %broadcast_in_dim3A_43, %scan3A_140 = %broadcast_in_dim3A_43) -> (vector<16xf32>, vector<16xf32>)  : i32 {
      %mul3A_141 = arith.constant 16 : i32
      %mul3A_142 = arith.muli %scan3A_138, %mul3A_141 : i32
      %get3A = arith.index_cast %mul3A_142 : i32 to index
      %get3A_143 = tpu.vector_load %arg9[%get3A] {strides = array<i32>} : memref<10112xf32, #tpu.memory_space<vmem>>, vector<16xf32>,
      %max3A_144 = arith.maximumf %scan3A_139, %get3A_143 : vector<16xf32>
      %get3A_145 = arith.index_cast %mul3A_142 : i32 to index
      %get3A_146 = tpu.vector_load %arg10[%get3A_145] {strides = array<i32>} : memref<10112xf32, #tpu.memory_space<vmem>>, vector<16xf32>,
      %max3A_147 = arith.maximumf %scan3A_140, %get3A_146 : vector<16xf32>
      scf.yield %max3A_144, %max3A_147 : vector<16xf32>, vector<16xf32>
    }
    %scan3A_49 = arith.constant 632 : i32
    %swap3A_50 = arith.constant 0 : index
    %swap3A_51 = tpu.vector_load %arg17[%swap3A_50] {strides = array<i32>} : memref<128xf32, #tpu.memory_space<vmem>>, vector<16xf32>,
    tpu.vector_store %arg17[%swap3A_50], %scan3A_48#0 {strides = array<i32>} : memref<128xf32, #tpu.memory_space<vmem>>, vector<16xf32>,
    %iota3A = tpu.iota {dimensions = array<i32: 0>} : vector<16xi32>
    %xor3A = arith.constant 8 : i32
    %xor3A_52 = vector.broadcast %xor3A : i32 to vector<16xi32>
    %xor3A_53 = arith.xori %iota3A, %xor3A_52 : vector<16xi32>
    %gather3A = tpu.vector_load_idx %arg17[%xor3A_53] : memref<128xf32, #tpu.memory_space<vmem>>[vector<16xi32>], vector<16xf32>,
    %max3A = arith.maximumf %scan3A_48#0, %gather3A : vector<16xf32>
    %swap3A_54 = arith.constant 0 : index
    %swap3A_55 = tpu.vector_load %arg17[%swap3A_54] {strides = array<i32>} : memref<128xf32, #tpu.memory_space<vmem>>, vector<16xf32>,
    tpu.vector_store %arg17[%swap3A_54], %max3A {strides = array<i32>} : memref<128xf32, #tpu.memory_space<vmem>>, vector<16xf32>,
    %iota3A_56 = tpu.iota {dimensions = array<i32: 0>} : vector<16xi32>
    %xor3A_57 = arith.constant 4 : i32
    %xor3A_58 = vector.broadcast %xor3A_57 : i32 to vector<16xi32>
    %xor3A_59 = arith.xori %iota3A_56, %xor3A_58 : vector<16xi32>
    %gather3A_60 = tpu.vector_load_idx %arg17[%xor3A_59] : memref<128xf32, #tpu.memory_space<vmem>>[vector<16xi32>], vector<16xf32>,
    %max3A_61 = arith.maximumf %max3A, %gather3A_60 : vector<16xf32>
    %swap3A_62 = arith.constant 0 : index
    %swap3A_63 = tpu.vector_load %arg17[%swap3A_62] {strides = array<i32>} : memref<128xf32, #tpu.memory_space<vmem>>, vector<16xf32>,
    tpu.vector_store %arg17[%swap3A_62], %max3A_61 {strides = array<i32>} : memref<128xf32, #tpu.memory_space<vmem>>, vector<16xf32>,
    %iota3A_64 = tpu.iota {dimensions = array<i32: 0>} : vector<16xi32>
    %xor3A_65 = arith.constant 2 : i32
    %xor3A_66 = vector.broadcast %xor3A_65 : i32 to vector<16xi32>
    %xor3A_67 = arith.xori %iota3A_64, %xor3A_66 : vector<16xi32>
    %gather3A_68 = tpu.vector_load_idx %arg17[%xor3A_67] : memref<128xf32, #tpu.memory_space<vmem>>[vector<16xi32>], vector<16xf32>,
    %max3A_69 = arith.maximumf %max3A_61, %gather3A_68 : vector<16xf32>
    %swap3A_70 = arith.constant 0 : index
    %swap3A_71 = tpu.vector_load %arg17[%swap3A_70] {strides = array<i32>} : memref<128xf32, #tpu.memory_space<vmem>>, vector<16xf32>,
    tpu.vector_store %arg17[%swap3A_70], %max3A_69 {strides = array<i32>} : memref<128xf32, #tpu.memory_space<vmem>>, vector<16xf32>,
    %iota3A_72 = tpu.iota {dimensions = array<i32: 0>} : vector<16xi32>
    %xor3A_73 = arith.constant 1 : i32
    %xor3A_74 = vector.broadcast %xor3A_73 : i32 to vector<16xi32>
    %xor3A_75 = arith.xori %iota3A_72, %xor3A_74 : vector<16xi32>
    %gather3A_76 = tpu.vector_load_idx %arg17[%xor3A_75] : memref<128xf32, #tpu.memory_space<vmem>>[vector<16xi32>], vector<16xf32>,
    %max3A_77 = arith.maximumf %max3A_69, %gather3A_76 : vector<16xf32>
    %swap3A_78 = arith.constant 0 : index
    %swap3A_79 = tpu.vector_load %arg17[%swap3A_78] {strides = array<i32>} : memref<128xf32, #tpu.memory_space<vmem>>, vector<16xf32>,
    tpu.vector_store %arg17[%swap3A_78], %scan3A_48#1 {strides = array<i32>} : memref<128xf32, #tpu.memory_space<vmem>>, vector<16xf32>,
    %iota3A_80 = tpu.iota {dimensions = array<i32: 0>} : vector<16xi32>
    %xor3A_81 = arith.constant 8 : i32
    %xor3A_82 = vector.broadcast %xor3A_81 : i32 to vector<16xi32>
    %xor3A_83 = arith.xori %iota3A_80, %xor3A_82 : vector<16xi32>
    %gather3A_84 = tpu.vector_load_idx %arg17[%xor3A_83] : memref<128xf32, #tpu.memory_space<vmem>>[vector<16xi32>], vector<16xf32>,
    %max3A_85 = arith.maximumf %scan3A_48#1, %gather3A_84 : vector<16xf32>
    %swap3A_86 = arith.constant 0 : index
    %swap3A_87 = tpu.vector_load %arg17[%swap3A_86] {strides = array<i32>} : memref<128xf32, #tpu.memory_space<vmem>>, vector<16xf32>,
    tpu.vector_store %arg17[%swap3A_86], %max3A_85 {strides = array<i32>} : memref<128xf32, #tpu.memory_space<vmem>>, vector<16xf32>,
    %iota3A_88 = tpu.iota {dimensions = array<i32: 0>} : vector<16xi32>
    %xor3A_89 = arith.constant 4 : i32
    %xor3A_90 = vector.broadcast %xor3A_89 : i32 to vector<16xi32>
    %xor3A_91 = arith.xori %iota3A_88, %xor3A_90 : vector<16xi32>
    %gather3A_92 = tpu.vector_load_idx %arg17[%xor3A_91] : memref<128xf32, #tpu.memory_space<vmem>>[vector<16xi32>], vector<16xf32>,
    %max3A_93 = arith.maximumf %max3A_85, %gather3A_92 : vector<16xf32>
    %swap3A_94 = arith.constant 0 : index
    %swap3A_95 = tpu.vector_load %arg17[%swap3A_94] {strides = array<i32>} : memref<128xf32, #tpu.memory_space<vmem>>, vector<16xf32>,
    tpu.vector_store %arg17[%swap3A_94], %max3A_93 {strides = array<i32>} : memref<128xf32, #tpu.memory_space<vmem>>, vector<16xf32>,
    %iota3A_96 = tpu.iota {dimensions = array<i32: 0>} : vector<16xi32>
    %xor3A_97 = arith.constant 2 : i32
    %xor3A_98 = vector.broadcast %xor3A_97 : i32 to vector<16xi32>
    %xor3A_99 = arith.xori %iota3A_96, %xor3A_98 : vector<16xi32>
    %gather3A_100 = tpu.vector_load_idx %arg17[%xor3A_99] : memref<128xf32, #tpu.memory_space<vmem>>[vector<16xi32>], vector<16xf32>,
    %max3A_101 = arith.maximumf %max3A_93, %gather3A_100 : vector<16xf32>
    %swap3A_102 = arith.constant 0 : index
    %swap3A_103 = tpu.vector_load %arg17[%swap3A_102] {strides = array<i32>} : memref<128xf32, #tpu.memory_space<vmem>>, vector<16xf32>,
    tpu.vector_store %arg17[%swap3A_102], %max3A_101 {strides = array<i32>} : memref<128xf32, #tpu.memory_space<vmem>>, vector<16xf32>,
    %iota3A_104 = tpu.iota {dimensions = array<i32: 0>} : vector<16xi32>
    %xor3A_105 = arith.constant 1 : i32
    %xor3A_106 = vector.broadcast %xor3A_105 : i32 to vector<16xi32>
    %xor3A_107 = arith.xori %iota3A_104, %xor3A_106 : vector<16xi32>
    %gather3A_108 = tpu.vector_load_idx %arg17[%xor3A_107] : memref<128xf32, #tpu.memory_space<vmem>>[vector<16xi32>], vector<16xf32>,
    %max3A_109 = arith.maximumf %max3A_101, %gather3A_108 : vector<16xf32>
    %add3A_110 = arith.addf %max3A_77, %max3A_109 : vector<16xf32>
    %gt3A = arith.constant 0.000000e+00 : f32
    %gt3A_111 = vector.broadcast %gt3A : f32 to vector<16xf32>
    %gt3A_112 = arith.cmpf ogt, %add3A_110, %gt3A_111 : vector<16xf32>
    %mul3A_113 = arith.constant 0.00999999977 : f32
    %mul3A_114 = vector.broadcast %mul3A_113 : f32 to vector<16xf32>
    %mul3A_115 = arith.mulf %add3A_110, %mul3A_114 : vector<16xf32>
    %select_n3A = arith.select %gt3A_112, %add3A_110, %mul3A_115 : vector<16xi1>, vector<16xf32>
    %scan3A_116 = arith.constant 0 : i32
    %scan3A_117 = arith.constant 0 : i32
    %scan3A_118 = arith.constant 640 : i32
    %scan3A_119 = arith.addi %scan3A_117, %scan3A_118 : i32
    %scan3A_120 = arith.constant 1 : i32
    scf.for %scan3A_138 = %scan3A_117 to %scan3A_119 step %scan3A_120  : i32 {
      %mul3A_139 = arith.constant 16 : i32
      %mul3A_140 = arith.muli %scan3A_138, %mul3A_139 : i32
      %get3A = arith.index_cast %mul3A_140 : i32 to index
      %get3A_141 = tpu.vector_load %arg11[%get3A] {strides = array<i32>} : memref<10240xi32, #tpu.memory_space<vmem>>, vector<16xi32>,
      %gather3A_142 = tpu.vector_load_idx %arg9[%get3A_141] : memref<10112xf32, #tpu.memory_space<vmem>>[vector<16xi32>], vector<16xf32>,
      %get3A_143 = arith.index_cast %mul3A_140 : i32 to index
      %get3A_144 = tpu.vector_load %arg12[%get3A_143] {strides = array<i32>} : memref<10240xi32, #tpu.memory_space<vmem>>, vector<16xi32>,
      %gather3A_145 = tpu.vector_load_idx %arg10[%get3A_144] : memref<10112xf32, #tpu.memory_space<vmem>>[vector<16xi32>], vector<16xf32>,
      %add3A_146 = arith.addf %gather3A_142, %gather3A_145 : vector<16xf32>
      %gt3A_147 = arith.constant 0.000000e+00 : f32
      %gt3A_148 = vector.broadcast %gt3A_147 : f32 to vector<16xf32>
      %gt3A_149 = arith.cmpf ogt, %add3A_146, %gt3A_148 : vector<16xf32>
      %mul3A_150 = arith.constant 0.00999999977 : f32
      %mul3A_151 = vector.broadcast %mul3A_150 : f32 to vector<16xf32>
      %mul3A_152 = arith.mulf %add3A_146, %mul3A_151 : vector<16xf32>
      %select_n3A_153 = arith.select %gt3A_149, %add3A_146, %mul3A_152 : vector<16xi1>, vector<16xf32>
      %sub3A = arith.subf %select_n3A_153, %select_n3A : vector<16xf32>
      %exp3A = math.exp %sub3A : vector<16xf32>
      %swap3A_154 = arith.index_cast %mul3A_140 : i32 to index
      %swap3A_155 = tpu.vector_load %arg13[%swap3A_154] {strides = array<i32>} : memref<10240xf32, #tpu.memory_space<vmem>>, vector<16xf32>,
      tpu.vector_store %arg13[%swap3A_154], %exp3A {strides = array<i32>} : memref<10240xf32, #tpu.memory_space<vmem>>, vector<16xf32>,
    }
    %scan3A_121 = arith.constant 640 : i32
    %scan3A_122 = arith.constant 0 : i32
    %scan3A_123 = arith.constant 0 : i32
    %scan3A_124 = arith.constant 80 : i32
    %scan3A_125 = arith.addi %scan3A_123, %scan3A_124 : i32
    %scan3A_126 = arith.constant 1 : i32
    scf.for %scan3A_138 = %scan3A_123 to %scan3A_125 step %scan3A_126  : i32 {
      %mul3A_139 = arith.constant 128 : i32
      %mul3A_140 = arith.muli %scan3A_138, %mul3A_139 : i32
      %add3A_141 = arith.constant 0 : i32
      %add3A_142 = arith.addi %mul3A_140, %add3A_141 : i32
      %get3A = arith.index_cast %add3A_142 : i32 to index
      %get3A_143 = tpu.vector_load %arg12[%get3A] {strides = array<i32>} : memref<10240xi32, #tpu.memory_space<vmem>>, vector<16xi32>,
      %swap3A_144 = arith.constant 0 : index
      %swap3A_145 = tpu.vector_load %arg14[%swap3A_144] {strides = array<i32>} : memref<128xi32, #tpu.memory_space<vmem>>, vector<16xi32>,
      tpu.vector_store %arg14[%swap3A_144], %get3A_143 {strides = array<i32>} : memref<128xi32, #tpu.memory_space<vmem>>, vector<16xi32>,
      %mul3A_146 = arith.constant 128 : i32
      %mul3A_147 = arith.muli %scan3A_138, %mul3A_146 : i32
      %add3A_148 = arith.constant 16 : i32
      %add3A_149 = arith.addi %mul3A_147, %add3A_148 : i32
      %get3A_150 = arith.index_cast %add3A_149 : i32 to index
      %get3A_151 = tpu.vector_load %arg12[%get3A_150] {strides = array<i32>} : memref<10240xi32, #tpu.memory_space<vmem>>, vector<16xi32>,
      %swap3A_152 = arith.constant 16 : index
      %swap3A_153 = tpu.vector_load %arg14[%swap3A_152] {strides = array<i32>} : memref<128xi32, #tpu.memory_space<vmem>>, vector<16xi32>,
      tpu.vector_store %arg14[%swap3A_152], %get3A_151 {strides = array<i32>} : memref<128xi32, #tpu.memory_space<vmem>>, vector<16xi32>,
      %mul3A_154 = arith.constant 128 : i32
      %mul3A_155 = arith.muli %scan3A_138, %mul3A_154 : i32
      %add3A_156 = arith.constant 32 : i32
      %add3A_157 = arith.addi %mul3A_155, %add3A_156 : i32
      %get3A_158 = arith.index_cast %add3A_157 : i32 to index
      %get3A_159 = tpu.vector_load %arg12[%get3A_158] {strides = array<i32>} : memref<10240xi32, #tpu.memory_space<vmem>>, vector<16xi32>,
      %swap3A_160 = arith.constant 32 : index
      %swap3A_161 = tpu.vector_load %arg14[%swap3A_160] {strides = array<i32>} : memref<128xi32, #tpu.memory_space<vmem>>, vector<16xi32>,
      tpu.vector_store %arg14[%swap3A_160], %get3A_159 {strides = array<i32>} : memref<128xi32, #tpu.memory_space<vmem>>, vector<16xi32>,
      %mul3A_162 = arith.constant 128 : i32
      %mul3A_163 = arith.muli %scan3A_138, %mul3A_162 : i32
      %add3A_164 = arith.constant 48 : i32
      %add3A_165 = arith.addi %mul3A_163, %add3A_164 : i32
      %get3A_166 = arith.index_cast %add3A_165 : i32 to index
      %get3A_167 = tpu.vector_load %arg12[%get3A_166] {strides = array<i32>} : memref<10240xi32, #tpu.memory_space<vmem>>, vector<16xi32>,
      %swap3A_168 = arith.constant 48 : index
      %swap3A_169 = tpu.vector_load %arg14[%swap3A_168] {strides = array<i32>} : memref<128xi32, #tpu.memory_space<vmem>>, vector<16xi32>,
      tpu.vector_store %arg14[%swap3A_168], %get3A_167 {strides = array<i32>} : memref<128xi32, #tpu.memory_space<vmem>>, vector<16xi32>,
      %mul3A_170 = arith.constant 128 : i32
      %mul3A_171 = arith.muli %scan3A_138, %mul3A_170 : i32
      %add3A_172 = arith.constant 64 : i32
      %add3A_173 = arith.addi %mul3A_171, %add3A_172 : i32
      %get3A_174 = arith.index_cast %add3A_173 : i32 to index
      %get3A_175 = tpu.vector_load %arg12[%get3A_174] {strides = array<i32>} : memref<10240xi32, #tpu.memory_space<vmem>>, vector<16xi32>,
      %swap3A_176 = arith.constant 64 : index
      %swap3A_177 = tpu.vector_load %arg14[%swap3A_176] {strides = array<i32>} : memref<128xi32, #tpu.memory_space<vmem>>, vector<16xi32>,
      tpu.vector_store %arg14[%swap3A_176], %get3A_175 {strides = array<i32>} : memref<128xi32, #tpu.memory_space<vmem>>, vector<16xi32>,
      %mul3A_178 = arith.constant 128 : i32
      %mul3A_179 = arith.muli %scan3A_138, %mul3A_178 : i32
      %add3A_180 = arith.constant 80 : i32
      %add3A_181 = arith.addi %mul3A_179, %add3A_180 : i32
      %get3A_182 = arith.index_cast %add3A_181 : i32 to index
      %get3A_183 = tpu.vector_load %arg12[%get3A_182] {strides = array<i32>} : memref<10240xi32, #tpu.memory_space<vmem>>, vector<16xi32>,
      %swap3A_184 = arith.constant 80 : index
      %swap3A_185 = tpu.vector_load %arg14[%swap3A_184] {strides = array<i32>} : memref<128xi32, #tpu.memory_space<vmem>>, vector<16xi32>,
      tpu.vector_store %arg14[%swap3A_184], %get3A_183 {strides = array<i32>} : memref<128xi32, #tpu.memory_space<vmem>>, vector<16xi32>,
      %mul3A_186 = arith.constant 128 : i32
      %mul3A_187 = arith.muli %scan3A_138, %mul3A_186 : i32
      %add3A_188 = arith.constant 96 : i32
      %add3A_189 = arith.addi %mul3A_187, %add3A_188 : i32
      %get3A_190 = arith.index_cast %add3A_189 : i32 to index
      %get3A_191 = tpu.vector_load %arg12[%get3A_190] {strides = array<i32>} : memref<10240xi32, #tpu.memory_space<vmem>>, vector<16xi32>,
      %swap3A_192 = arith.constant 96 : index
      %swap3A_193 = tpu.vector_load %arg14[%swap3A_192] {strides = array<i32>} : memref<128xi32, #tpu.memory_space<vmem>>, vector<16xi32>,
      tpu.vector_store %arg14[%swap3A_192], %get3A_191 {strides = array<i32>} : memref<128xi32, #tpu.memory_space<vmem>>, vector<16xi32>,
      %mul3A_194 = arith.constant 128 : i32
      %mul3A_195 = arith.muli %scan3A_138, %mul3A_194 : i32
      %add3A_196 = arith.constant 112 : i32
      %add3A_197 = arith.addi %mul3A_195, %add3A_196 : i32
      %get3A_198 = arith.index_cast %add3A_197 : i32 to index
      %get3A_199 = tpu.vector_load %arg12[%get3A_198] {strides = array<i32>} : memref<10240xi32, #tpu.memory_space<vmem>>, vector<16xi32>,
      %swap3A_200 = arith.constant 112 : index
      %swap3A_201 = tpu.vector_load %arg14[%swap3A_200] {strides = array<i32>} : memref<128xi32, #tpu.memory_space<vmem>>, vector<16xi32>,
      tpu.vector_store %arg14[%swap3A_200], %get3A_199 {strides = array<i32>} : memref<128xi32, #tpu.memory_space<vmem>>, vector<16xi32>,
      %mul3A_202 = arith.constant 128 : i32
      %mul3A_203 = arith.muli %scan3A_138, %mul3A_202 : i32
      "tpu.region"() ({
        %run_scoped3A = tpu.sem_alloc : memref<!tpu.dma_semaphore, #tpu.memory_space<semaphore_mem>>
        %dma_start3A = tpu.memref_slice %arg13[%mul3A_203] : memref<10240xf32, #tpu.memory_space<vmem>> -> memref<128xf32, #tpu.memory_space<vmem>>
        %dma_start3A_204 = arith.constant 0 : i32
        %dma_start3A_205 = tpu.memref_slice %arg18[%dma_start3A_204] : memref<10112xf32, #tpu.memory_space<vmem_shared>> -> memref<10112xf32, #tpu.memory_space<vmem_shared>>
        tpu.enqueue_indirect_dma source(%dma_start3A : memref<128xf32, #tpu.memory_space<vmem>>) target(%dma_start3A_205 : memref<10112xf32, #tpu.memory_space<vmem_shared>>) offsets(%arg14 : memref<128xi32, #tpu.memory_space<vmem>>) semaphore(%run_scoped3A : memref<!tpu.dma_semaphore, #tpu.memory_space<semaphore_mem>>) {add = true}
        %dma_wait3A = tpu.memref_slice %arg13[%mul3A_203] : memref<10240xf32, #tpu.memory_space<vmem>> -> memref<128xf32, #tpu.memory_space<vmem>>
        %dma_wait3A_206 = arith.constant 0 : i32
        %dma_wait3A_207 = tpu.memref_slice %arg18[%dma_wait3A_206] : memref<10112xf32, #tpu.memory_space<vmem_shared>> -> memref<10112xf32, #tpu.memory_space<vmem_shared>>
        tpu.wait_indirect_dma semaphore(%run_scoped3A : memref<!tpu.dma_semaphore, #tpu.memory_space<semaphore_mem>>) src(%dma_wait3A : memref<128xf32, #tpu.memory_space<vmem>>) dst(%dma_wait3A_207 : memref<10112xf32, #tpu.memory_space<vmem_shared>>)
        tpu.yield
      }) : () -> ()
      "tpu.region"() ({
        %run_scoped3A = tpu.sem_alloc : memref<!tpu.dma_semaphore, #tpu.memory_space<semaphore_mem>>
        %dma_start3A = arith.constant 0 : i32
        %dma_start3A_204 = tpu.memref_slice %arg19[%dma_start3A] : memref<10112xf32, #tpu.memory_space<vmem_shared>> -> memref<10112xf32, #tpu.memory_space<vmem_shared>>
        tpu.enqueue_indirect_dma source(%arg15 : memref<128xf32, #tpu.memory_space<vmem>>) target(%dma_start3A_204 : memref<10112xf32, #tpu.memory_space<vmem_shared>>) offsets(%arg14 : memref<128xi32, #tpu.memory_space<vmem>>) semaphore(%run_scoped3A : memref<!tpu.dma_semaphore, #tpu.memory_space<semaphore_mem>>) {add = true}
        %dma_wait3A = arith.constant 0 : i32
        %dma_wait3A_205 = tpu.memref_slice %arg19[%dma_wait3A] : memref<10112xf32, #tpu.memory_space<vmem_shared>> -> memref<10112xf32, #tpu.memory_space<vmem_shared>>
        tpu.wait_indirect_dma semaphore(%run_scoped3A : memref<!tpu.dma_semaphore, #tpu.memory_space<semaphore_mem>>) src(%arg15 : memref<128xf32, #tpu.memory_space<vmem>>) dst(%dma_wait3A_205 : memref<10112xf32, #tpu.memory_space<vmem_shared>>)
        tpu.yield
      }) : () -> ()
    }
    %scan3A_127 = arith.constant 80 : i32
    %barrier3A_128 = arith.constant 0 : index
    tpu.barrier barrier_id(%barrier3A_128)
    %mul3A_129 = arith.constant 10112 : i32
    %mul3A_130 = arith.muli %arg0, %mul3A_129 : i32
    %mul3A_131 = arith.constant 632 : i32
    %mul3A_132 = arith.muli %arg1, %mul3A_131 : i32
    %add3A_133 = arith.addi %mul3A_130, %mul3A_132 : i32
    %mul3A_134 = arith.constant 632 : i32
    %mul3A_135 = arith.muli %arg1, %mul3A_134 : i32
    "tpu.region"() ({
      %run_scoped3A = tpu.sem_alloc : memref<!tpu.dma_semaphore, #tpu.memory_space<semaphore_mem>>
      %dma_start3A = arith.constant 0 : i32
      %dma_start3A_138 = tpu.memref_slice %arg16[%dma_start3A] : memref<640xf32, #tpu.memory_space<vmem>> -> memref<632xf32, #tpu.memory_space<vmem>>
      %dma_start3A_139 = tpu.memref_slice %arg18[%mul3A_135] : memref<10112xf32, #tpu.memory_space<vmem_shared>> -> memref<632xf32, #tpu.memory_space<vmem_shared>>
      %dma_start3A_140 = arith.constant 0 : i32
      %dma_start3A_141 = tpu.memref_slice %arg16[%dma_start3A_140] : memref<640xf32, #tpu.memory_space<vmem>> -> memref<632xf32, #tpu.memory_space<vmem>>
      %dma_start3A_142 = tpu.memref_slice %arg18[%mul3A_135] : memref<10112xf32, #tpu.memory_space<vmem_shared>> -> memref<632xf32, #tpu.memory_space<vmem_shared>>
      tpu.enqueue_dma source(%dma_start3A_142 : memref<632xf32, #tpu.memory_space<vmem_shared>>) target(%dma_start3A_141 : memref<632xf32, #tpu.memory_space<vmem>>) target_semaphore(%run_scoped3A : memref<!tpu.dma_semaphore, #tpu.memory_space<semaphore_mem>>)
      %dma_wait3A = arith.constant 0 : i32
      %dma_wait3A_143 = tpu.memref_slice %arg16[%dma_wait3A] : memref<640xf32, #tpu.memory_space<vmem>> -> memref<632xf32, #tpu.memory_space<vmem>>
      %dma_wait3A_144 = tpu.memref_slice %arg18[%mul3A_135] : memref<10112xf32, #tpu.memory_space<vmem_shared>> -> memref<632xf32, #tpu.memory_space<vmem_shared>>
      %dma_wait3A_145 = arith.constant 0 : i32
      %dma_wait3A_146 = tpu.memref_slice %arg16[%dma_wait3A_145] : memref<640xf32, #tpu.memory_space<vmem>> -> memref<632xf32, #tpu.memory_space<vmem>>
      %dma_wait3A_147 = tpu.memref_slice %arg18[%mul3A_135] : memref<10112xf32, #tpu.memory_space<vmem_shared>> -> memref<632xf32, #tpu.memory_space<vmem_shared>>
      tpu.wait_dma2 semaphore(%run_scoped3A : memref<!tpu.dma_semaphore, #tpu.memory_space<semaphore_mem>>) src(%dma_wait3A_147 : memref<632xf32, #tpu.memory_space<vmem_shared>>) dst(%dma_wait3A_146 : memref<632xf32, #tpu.memory_space<vmem>>)
      tpu.yield
    }) : () -> ()
    "tpu.region"() ({
      %run_scoped3A = tpu.sem_alloc : memref<!tpu.dma_semaphore, #tpu.memory_space<semaphore_mem>>
      %dma_start3A = arith.constant 0 : i32
      %dma_start3A_138 = tpu.memref_slice %arg16[%dma_start3A] : memref<640xf32, #tpu.memory_space<vmem>> -> memref<632xf32, #tpu.memory_space<vmem>>
      %dma_start3A_139 = tpu.memref_slice %arg6[%add3A_133] : memref<20224xf32, #tpu.memory_space<hbm>> -> memref<632xf32, #tpu.memory_space<hbm>>
      %dma_start3A_140 = tpu.memref_slice %arg6[%add3A_133] : memref<20224xf32, #tpu.memory_space<hbm>> -> memref<632xf32, #tpu.memory_space<hbm>>
      %dma_start3A_141 = arith.constant 0 : i32
      %dma_start3A_142 = tpu.memref_slice %arg16[%dma_start3A_141] : memref<640xf32, #tpu.memory_space<vmem>> -> memref<632xf32, #tpu.memory_space<vmem>>
      tpu.enqueue_dma source(%dma_start3A_142 : memref<632xf32, #tpu.memory_space<vmem>>) target(%dma_start3A_140 : memref<632xf32, #tpu.memory_space<hbm>>) target_semaphore(%run_scoped3A : memref<!tpu.dma_semaphore, #tpu.memory_space<semaphore_mem>>)
      %dma_wait3A = arith.constant 0 : i32
      %dma_wait3A_143 = tpu.memref_slice %arg16[%dma_wait3A] : memref<640xf32, #tpu.memory_space<vmem>> -> memref<632xf32, #tpu.memory_space<vmem>>
      %dma_wait3A_144 = tpu.memref_slice %arg6[%add3A_133] : memref<20224xf32, #tpu.memory_space<hbm>> -> memref<632xf32, #tpu.memory_space<hbm>>
      %dma_wait3A_145 = tpu.memref_slice %arg6[%add3A_133] : memref<20224xf32, #tpu.memory_space<hbm>> -> memref<632xf32, #tpu.memory_space<hbm>>
      %dma_wait3A_146 = arith.constant 0 : i32
      %dma_wait3A_147 = tpu.memref_slice %arg16[%dma_wait3A_146] : memref<640xf32, #tpu.memory_space<vmem>> -> memref<632xf32, #tpu.memory_space<vmem>>
      tpu.wait_dma2 semaphore(%run_scoped3A : memref<!tpu.dma_semaphore, #tpu.memory_space<semaphore_mem>>) src(%dma_wait3A_147 : memref<632xf32, #tpu.memory_space<vmem>>) dst(%dma_wait3A_145 : memref<632xf32, #tpu.memory_space<hbm>>)
      tpu.yield
    }) : () -> ()
    %mul3A_136 = arith.constant 632 : i32
    %mul3A_137 = arith.muli %arg1, %mul3A_136 : i32
    "tpu.region"() ({
      %run_scoped3A = tpu.sem_alloc : memref<!tpu.dma_semaphore, #tpu.memory_space<semaphore_mem>>
      %dma_start3A = arith.constant 0 : i32
      %dma_start3A_138 = tpu.memref_slice %arg16[%dma_start3A] : memref<640xf32, #tpu.memory_space<vmem>> -> memref<632xf32, #tpu.memory_space<vmem>>
      %dma_start3A_139 = tpu.memref_slice %arg19[%mul3A_137] : memref<10112xf32, #tpu.memory_space<vmem_shared>> -> memref<632xf32, #tpu.memory_space<vmem_shared>>
      %dma_start3A_140 = arith.constant 0 : i32
      %dma_start3A_141 = tpu.memref_slice %arg16[%dma_start3A_140] : memref<640xf32, #tpu.memory_space<vmem>> -> memref<632xf32, #tpu.memory_space<vmem>>
      %dma_start3A_142 = tpu.memref_slice %arg19[%mul3A_137] : memref<10112xf32, #tpu.memory_space<vmem_shared>> -> memref<632xf32, #tpu.memory_space<vmem_shared>>
      tpu.enqueue_dma source(%dma_start3A_142 : memref<632xf32, #tpu.memory_space<vmem_shared>>) target(%dma_start3A_141 : memref<632xf32, #tpu.memory_space<vmem>>) target_semaphore(%run_scoped3A : memref<!tpu.dma_semaphore, #tpu.memory_space<semaphore_mem>>)
      %dma_wait3A = arith.constant 0 : i32
      %dma_wait3A_143 = tpu.memref_slice %arg16[%dma_wait3A] : memref<640xf32, #tpu.memory_space<vmem>> -> memref<632xf32, #tpu.memory_space<vmem>>
      %dma_wait3A_144 = tpu.memref_slice %arg19[%mul3A_137] : memref<10112xf32, #tpu.memory_space<vmem_shared>> -> memref<632xf32, #tpu.memory_space<vmem_shared>>
      %dma_wait3A_145 = arith.constant 0 : i32
      %dma_wait3A_146 = tpu.memref_slice %arg16[%dma_wait3A_145] : memref<640xf32, #tpu.memory_space<vmem>> -> memref<632xf32, #tpu.memory_space<vmem>>
      %dma_wait3A_147 = tpu.memref_slice %arg19[%mul3A_137] : memref<10112xf32, #tpu.memory_space<vmem_shared>> -> memref<632xf32, #tpu.memory_space<vmem_shared>>
      tpu.wait_dma2 semaphore(%run_scoped3A : memref<!tpu.dma_semaphore, #tpu.memory_space<semaphore_mem>>) src(%dma_wait3A_147 : memref<632xf32, #tpu.memory_space<vmem_shared>>) dst(%dma_wait3A_146 : memref<632xf32, #tpu.memory_space<vmem>>)
      tpu.yield
    }) : () -> ()
    "tpu.region"() ({
      %run_scoped3A = tpu.sem_alloc : memref<!tpu.dma_semaphore, #tpu.memory_space<semaphore_mem>>
      %dma_start3A = arith.constant 0 : i32
      %dma_start3A_138 = tpu.memref_slice %arg16[%dma_start3A] : memref<640xf32, #tpu.memory_space<vmem>> -> memref<632xf32, #tpu.memory_space<vmem>>
      %dma_start3A_139 = tpu.memref_slice %arg7[%add3A_133] : memref<20224xf32, #tpu.memory_space<hbm>> -> memref<632xf32, #tpu.memory_space<hbm>>
      %dma_start3A_140 = tpu.memref_slice %arg7[%add3A_133] : memref<20224xf32, #tpu.memory_space<hbm>> -> memref<632xf32, #tpu.memory_space<hbm>>
      %dma_start3A_141 = arith.constant 0 : i32
      %dma_start3A_142 = tpu.memref_slice %arg16[%dma_start3A_141] : memref<640xf32, #tpu.memory_space<vmem>> -> memref<632xf32, #tpu.memory_space<vmem>>
      tpu.enqueue_dma source(%dma_start3A_142 : memref<632xf32, #tpu.memory_space<vmem>>) target(%dma_start3A_140 : memref<632xf32, #tpu.memory_space<hbm>>) target_semaphore(%run_scoped3A : memref<!tpu.dma_semaphore, #tpu.memory_space<semaphore_mem>>)
      %dma_wait3A = arith.constant 0 : i32
      %dma_wait3A_143 = tpu.memref_slice %arg16[%dma_wait3A] : memref<640xf32, #tpu.memory_space<vmem>> -> memref<632xf32, #tpu.memory_space<vmem>>
      %dma_wait3A_144 = tpu.memref_slice %arg7[%add3A_133] : memref<20224xf32, #tpu.memory_space<hbm>> -> memref<632xf32, #tpu.memory_space<hbm>>
      %dma_wait3A_145 = tpu.memref_slice %arg7[%add3A_133] : memref<20224xf32, #tpu.memory_space<hbm>> -> memref<632xf32, #tpu.memory_space<hbm>>
      %dma_wait3A_146 = arith.constant 0 : i32
      %dma_wait3A_147 = tpu.memref_slice %arg16[%dma_wait3A_146] : memref<640xf32, #tpu.memory_space<vmem>> -> memref<632xf32, #tpu.memory_space<vmem>>
      tpu.wait_dma2 semaphore(%run_scoped3A : memref<!tpu.dma_semaphore, #tpu.memory_space<semaphore_mem>>) src(%dma_wait3A_147 : memref<632xf32, #tpu.memory_space<vmem>>) dst(%dma_wait3A_145 : memref<632xf32, #tpu.memory_space<hbm>>)
      tpu.yield
    }) : () -> ()
    "tpu.region"() ({
      %run_scoped3A = tpu.sem_alloc : memref<!tpu.dma_semaphore, #tpu.memory_space<semaphore_mem>>
      %dma_start3A = tpu.memref_slice %arg8[%mul3A_2] : memref<327680xf32, #tpu.memory_space<hbm>> -> memref<10240xf32, #tpu.memory_space<hbm>>
      %dma_start3A_138 = tpu.memref_slice %arg8[%mul3A_2] : memref<327680xf32, #tpu.memory_space<hbm>> -> memref<10240xf32, #tpu.memory_space<hbm>>
      tpu.enqueue_dma source(%arg13 : memref<10240xf32, #tpu.memory_space<vmem>>) target(%dma_start3A_138 : memref<10240xf32, #tpu.memory_space<hbm>>) target_semaphore(%run_scoped3A : memref<!tpu.dma_semaphore, #tpu.memory_space<semaphore_mem>>)
      %dma_wait3A = tpu.memref_slice %arg8[%mul3A_2] : memref<327680xf32, #tpu.memory_space<hbm>> -> memref<10240xf32, #tpu.memory_space<hbm>>
      %dma_wait3A_139 = tpu.memref_slice %arg8[%mul3A_2] : memref<327680xf32, #tpu.memory_space<hbm>> -> memref<10240xf32, #tpu.memory_space<hbm>>
      tpu.wait_dma2 semaphore(%run_scoped3A : memref<!tpu.dma_semaphore, #tpu.memory_space<semaphore_mem>>) src(%arg13 : memref<10240xf32, #tpu.memory_space<vmem>>) dst(%dma_wait3A_139 : memref<10240xf32, #tpu.memory_space<hbm>>)
      tpu.yield
    }) : () -> ()
    return
  }
}

#map = affine_map<(d0, d1) -> (0, 0)>
#map1 = affine_map<(d0, d1) -> (0)>
#map2 = affine_map<(d0, d1) -> (0, 0, 0)>
module attributes {stable_mosaic.version = 14 : i64} {
  func.func @_p2_body(%arg0: i32, %arg1: i32, %arg2: memref<10000x128xf32, #tpu.memory_space<hbm>>, %arg3: memref<327680xf32, #tpu.memory_space<hbm>>, %arg4: memref<327680xi32, #tpu.memory_space<hbm>>, %arg5: memref<327680xi32, #tpu.memory_space<hbm>>, %arg6: memref<10112xf32, #tpu.memory_space<hbm>>, %arg7: memref<2x10112x128xf32, #tpu.memory_space<hbm>>, %arg8: memref<128xi32, #tpu.memory_space<vmem>>, %arg9: memref<128xi32, #tpu.memory_space<vmem>>, %arg10: memref<128xi32, #tpu.memory_space<vmem>>, %arg11: memref<128xi32, #tpu.memory_space<vmem>>, %arg12: memref<128xf32, #tpu.memory_space<vmem>>, %arg13: memref<128xf32, #tpu.memory_space<vmem>>, %arg14: memref<10112xf32, #tpu.memory_space<vmem>>, %arg15: memref<128x128xf32, #tpu.memory_space<vmem>>, %arg16: memref<128x128xf32, #tpu.memory_space<vmem>>, %arg17: memref<10112x128xf32, #tpu.memory_space<vmem_shared>>, %arg18: memref<!tpu.dma_semaphore, #tpu.memory_space<semaphore_mem>>, %arg19: memref<!tpu.dma_semaphore, #tpu.memory_space<semaphore_mem>>, %arg20: memref<!tpu.dma_semaphore, #tpu.memory_space<semaphore_mem>>, %arg21: memref<!tpu.dma_semaphore, #tpu.memory_space<semaphore_mem>>, %arg22: memref<!tpu.dma_semaphore, #tpu.memory_space<semaphore_mem>>, %arg23: memref<!tpu.dma_semaphore, #tpu.memory_space<semaphore_mem>>, %arg24: memref<!tpu.dma_semaphore, #tpu.memory_space<semaphore_mem>>, %arg25: memref<!tpu.dma_semaphore, #tpu.memory_space<semaphore_mem>>) attributes {dimension_semantics = [#tpu.dimension_semantics<core_parallel>, #tpu.dimension_semantics<subcore_parallel>], iteration_bounds = array<i64: 2, 16>, scalar_prefetch = 0 : i64, scratch_operands = 18 : i64, tpu.core_type = #tpu.core_type<sc_vector_subcore>, window_params = [{transform_indices = #map}, {transform_indices = #map1}, {transform_indices = #map1}, {transform_indices = #map1}, {transform_indices = #map1}, {transform_indices = #map2}]} {
    %mul3A = arith.constant 16 : i32
    %mul3A_0 = arith.muli %arg0, %mul3A : i32
    %add3A = arith.addi %mul3A_0, %arg1 : i32
    %mul3A_1 = arith.constant 10240 : i32
    %mul3A_2 = arith.muli %add3A, %mul3A_1 : i32
    "tpu.region"() ({
      %run_scoped3A = tpu.sem_alloc : memref<!tpu.dma_semaphore, #tpu.memory_space<semaphore_mem>>
      tpu.enqueue_dma source(%arg6 : memref<10112xf32, #tpu.memory_space<hbm>>) target(%arg14 : memref<10112xf32, #tpu.memory_space<vmem>>) target_semaphore(%run_scoped3A : memref<!tpu.dma_semaphore, #tpu.memory_space<semaphore_mem>>)
      tpu.wait_dma2 semaphore(%run_scoped3A : memref<!tpu.dma_semaphore, #tpu.memory_space<semaphore_mem>>) src(%arg6 : memref<10112xf32, #tpu.memory_space<hbm>>) dst(%arg14 : memref<10112xf32, #tpu.memory_space<vmem>>)
      tpu.yield
    }) : () -> ()
    %scan3A = arith.constant 0 : i32
    %scan3A_3 = arith.constant 0 : i32
    %scan3A_4 = arith.constant 1024 : i32
    %scan3A_5 = arith.addi %scan3A_3, %scan3A_4 : i32
    %scan3A_6 = arith.constant 1 : i32
    scf.for %scan3A_82 = %scan3A_3 to %scan3A_5 step %scan3A_6  : i32 {
      %broadcast_in_dim3A = arith.constant 0.000000e+00 : f32
      %broadcast_in_dim3A_83 = vector.broadcast %broadcast_in_dim3A : f32 to vector<16xf32>
      %jit3A = arith.constant 8 : i32
      %div3A = arith.divsi %scan3A_82, %jit3A : i32
      %sign3A = arith.constant 0 : i32
      %sign3A_84 = arith.cmpi sgt, %scan3A_82, %sign3A : i32
      %sign3A_85 = arith.extui %sign3A_84 : i1 to i32
      %sign3A_86 = arith.constant 0 : i32
      %sign3A_87 = arith.cmpi slt, %scan3A_82, %sign3A_86 : i32
      %sign3A_88 = arith.extui %sign3A_87 : i1 to i32
      %sign3A_89 = arith.subi %sign3A_85, %sign3A_88 : i32
      %sign3A_90 = arith.constant 0 : i32
      %sign3A_91 = arith.cmpi sgt, %jit3A, %sign3A_90 : i32
      %sign3A_92 = arith.extui %sign3A_91 : i1 to i32
      %sign3A_93 = arith.constant 0 : i32
      %sign3A_94 = arith.cmpi slt, %jit3A, %sign3A_93 : i32
      %sign3A_95 = arith.extui %sign3A_94 : i1 to i32
      %sign3A_96 = arith.subi %sign3A_92, %sign3A_95 : i32
      %ne3A = arith.cmpi ne, %sign3A_89, %sign3A_96 : i32
      %rem3A = arith.remsi %scan3A_82, %jit3A : i32
      %ne3A_97 = arith.constant 0 : i32
      %ne3A_98 = arith.cmpi ne, %rem3A, %ne3A_97 : i32
      %and3A = arith.andi %ne3A, %ne3A_98 : i1
      %sub3A = arith.constant 1 : i32
      %sub3A_99 = arith.subi %div3A, %sub3A : i32
      %select_n3A = arith.select %and3A, %sub3A_99, %div3A : i32
      %jit3A_100 = arith.constant 8 : i32
      %eq3A = arith.constant 0 : i32
      %eq3A_101 = arith.cmpi eq, %jit3A_100, %eq3A : i32
      %jit3A_102 = arith.constant 1 : i32
      %select_n3A_103 = arith.select %eq3A_101, %jit3A_102, %jit3A_100 : i32
      %rem3A_104 = arith.remsi %scan3A_82, %select_n3A_103 : i32
      %ne3A_105 = arith.constant 0 : i32
      %ne3A_106 = arith.cmpi ne, %rem3A_104, %ne3A_105 : i32
      %lt3A = arith.constant 0 : i32
      %lt3A_107 = arith.cmpi slt, %rem3A_104, %lt3A : i32
      %lt3A_108 = arith.constant 0 : i32
      %lt3A_109 = arith.cmpi slt, %select_n3A_103, %lt3A_108 : i32
      %ne3A_110 = arith.xori %lt3A_107, %lt3A_109 : i1
      %and3A_111 = arith.andi %ne3A_110, %ne3A_106 : i1
      %add3A_112 = arith.addi %rem3A_104, %select_n3A_103 : i32
      %select_n3A_113 = arith.select %and3A_111, %add3A_112, %rem3A_104 : i32
      %mul3A_114 = arith.constant 16 : i32
      %mul3A_115 = arith.muli %select_n3A_113, %mul3A_114 : i32
      %swap3A = arith.index_cast %select_n3A : i32 to index
      %swap3A_116 = arith.index_cast %mul3A_115 : i32 to index
      %swap3A_117 = tpu.vector_load %arg15[%swap3A, %swap3A_116] {strides = array<i32>} : memref<128x128xf32, #tpu.memory_space<vmem>>, vector<16xf32>,
      tpu.vector_store %arg15[%swap3A, %swap3A_116], %broadcast_in_dim3A_83 {strides = array<i32>} : memref<128x128xf32, #tpu.memory_space<vmem>>, vector<16xf32>,
    }
    %scan3A_7 = arith.constant 1024 : i32
    %mul3A_8 = arith.constant 632 : i32
    %mul3A_9 = arith.muli %arg1, %mul3A_8 : i32
    %add3A_10 = arith.constant 0 : i32
    %add3A_11 = arith.addi %mul3A_9, %add3A_10 : i32
    "tpu.region"() ({
      %run_scoped3A = tpu.sem_alloc : memref<!tpu.dma_semaphore, #tpu.memory_space<semaphore_mem>>
      %dma_start3A_82 = arith.constant 0 : i32
      %dma_start3A_83 = arith.constant 0 : i32
      %dma_start3A_84 = tpu.memref_slice %arg15[%dma_start3A_82, %dma_start3A_83] : memref<128x128xf32, #tpu.memory_space<vmem>> -> memref<128x128xf32, #tpu.memory_space<vmem>>
      %dma_start3A_85 = arith.constant 0 : i32
      %dma_start3A_86 = tpu.memref_slice %arg17[%add3A_11, %dma_start3A_85] : memref<10112x128xf32, #tpu.memory_space<vmem_shared>> -> memref<128x128xf32, #tpu.memory_space<vmem_shared>>
      %dma_start3A_87 = arith.constant 0 : i32
      %dma_start3A_88 = tpu.memref_slice %arg17[%add3A_11, %dma_start3A_87] : memref<10112x128xf32, #tpu.memory_space<vmem_shared>> -> memref<128x128xf32, #tpu.memory_space<vmem_shared>>
      %dma_start3A_89 = arith.constant 0 : i32
      %dma_start3A_90 = arith.constant 0 : i32
      %dma_start3A_91 = tpu.memref_slice %arg15[%dma_start3A_89, %dma_start3A_90] : memref<128x128xf32, #tpu.memory_space<vmem>> -> memref<128x128xf32, #tpu.memory_space<vmem>>
      tpu.enqueue_dma source(%dma_start3A_91 : memref<128x128xf32, #tpu.memory_space<vmem>>) target(%dma_start3A_88 : memref<128x128xf32, #tpu.memory_space<vmem_shared>>) target_semaphore(%run_scoped3A : memref<!tpu.dma_semaphore, #tpu.memory_space<semaphore_mem>>)
      %dma_wait3A_92 = arith.constant 0 : i32
      %dma_wait3A_93 = arith.constant 0 : i32
      %dma_wait3A_94 = tpu.memref_slice %arg15[%dma_wait3A_92, %dma_wait3A_93] : memref<128x128xf32, #tpu.memory_space<vmem>> -> memref<128x128xf32, #tpu.memory_space<vmem>>
      %dma_wait3A_95 = arith.constant 0 : i32
      %dma_wait3A_96 = tpu.memref_slice %arg17[%add3A_11, %dma_wait3A_95] : memref<10112x128xf32, #tpu.memory_space<vmem_shared>> -> memref<128x128xf32, #tpu.memory_space<vmem_shared>>
      %dma_wait3A_97 = arith.constant 0 : i32
      %dma_wait3A_98 = tpu.memref_slice %arg17[%add3A_11, %dma_wait3A_97] : memref<10112x128xf32, #tpu.memory_space<vmem_shared>> -> memref<128x128xf32, #tpu.memory_space<vmem_shared>>
      %dma_wait3A_99 = arith.constant 0 : i32
      %dma_wait3A_100 = arith.constant 0 : i32
      %dma_wait3A_101 = tpu.memref_slice %arg15[%dma_wait3A_99, %dma_wait3A_100] : memref<128x128xf32, #tpu.memory_space<vmem>> -> memref<128x128xf32, #tpu.memory_space<vmem>>
      tpu.wait_dma2 semaphore(%run_scoped3A : memref<!tpu.dma_semaphore, #tpu.memory_space<semaphore_mem>>) src(%dma_wait3A_101 : memref<128x128xf32, #tpu.memory_space<vmem>>) dst(%dma_wait3A_98 : memref<128x128xf32, #tpu.memory_space<vmem_shared>>)
      tpu.yield
    }) : () -> ()
    %mul3A_12 = arith.constant 632 : i32
    %mul3A_13 = arith.muli %arg1, %mul3A_12 : i32
    %add3A_14 = arith.constant 128 : i32
    %add3A_15 = arith.addi %mul3A_13, %add3A_14 : i32
    "tpu.region"() ({
      %run_scoped3A = tpu.sem_alloc : memref<!tpu.dma_semaphore, #tpu.memory_space<semaphore_mem>>
      %dma_start3A_82 = arith.constant 0 : i32
      %dma_start3A_83 = arith.constant 0 : i32
      %dma_start3A_84 = tpu.memref_slice %arg15[%dma_start3A_82, %dma_start3A_83] : memref<128x128xf32, #tpu.memory_space<vmem>> -> memref<128x128xf32, #tpu.memory_space<vmem>>
      %dma_start3A_85 = arith.constant 0 : i32
      %dma_start3A_86 = tpu.memref_slice %arg17[%add3A_15, %dma_start3A_85] : memref<10112x128xf32, #tpu.memory_space<vmem_shared>> -> memref<128x128xf32, #tpu.memory_space<vmem_shared>>
      %dma_start3A_87 = arith.constant 0 : i32
      %dma_start3A_88 = tpu.memref_slice %arg17[%add3A_15, %dma_start3A_87] : memref<10112x128xf32, #tpu.memory_space<vmem_shared>> -> memref<128x128xf32, #tpu.memory_space<vmem_shared>>
      %dma_start3A_89 = arith.constant 0 : i32
      %dma_start3A_90 = arith.constant 0 : i32
      %dma_start3A_91 = tpu.memref_slice %arg15[%dma_start3A_89, %dma_start3A_90] : memref<128x128xf32, #tpu.memory_space<vmem>> -> memref<128x128xf32, #tpu.memory_space<vmem>>
      tpu.enqueue_dma source(%dma_start3A_91 : memref<128x128xf32, #tpu.memory_space<vmem>>) target(%dma_start3A_88 : memref<128x128xf32, #tpu.memory_space<vmem_shared>>) target_semaphore(%run_scoped3A : memref<!tpu.dma_semaphore, #tpu.memory_space<semaphore_mem>>)
      %dma_wait3A_92 = arith.constant 0 : i32
      %dma_wait3A_93 = arith.constant 0 : i32
      %dma_wait3A_94 = tpu.memref_slice %arg15[%dma_wait3A_92, %dma_wait3A_93] : memref<128x128xf32, #tpu.memory_space<vmem>> -> memref<128x128xf32, #tpu.memory_space<vmem>>
      %dma_wait3A_95 = arith.constant 0 : i32
      %dma_wait3A_96 = tpu.memref_slice %arg17[%add3A_15, %dma_wait3A_95] : memref<10112x128xf32, #tpu.memory_space<vmem_shared>> -> memref<128x128xf32, #tpu.memory_space<vmem_shared>>
      %dma_wait3A_97 = arith.constant 0 : i32
      %dma_wait3A_98 = tpu.memref_slice %arg17[%add3A_15, %dma_wait3A_97] : memref<10112x128xf32, #tpu.memory_space<vmem_shared>> -> memref<128x128xf32, #tpu.memory_space<vmem_shared>>
      %dma_wait3A_99 = arith.constant 0 : i32
      %dma_wait3A_100 = arith.constant 0 : i32
      %dma_wait3A_101 = tpu.memref_slice %arg15[%dma_wait3A_99, %dma_wait3A_100] : memref<128x128xf32, #tpu.memory_space<vmem>> -> memref<128x128xf32, #tpu.memory_space<vmem>>
      tpu.wait_dma2 semaphore(%run_scoped3A : memref<!tpu.dma_semaphore, #tpu.memory_space<semaphore_mem>>) src(%dma_wait3A_101 : memref<128x128xf32, #tpu.memory_space<vmem>>) dst(%dma_wait3A_98 : memref<128x128xf32, #tpu.memory_space<vmem_shared>>)
      tpu.yield
    }) : () -> ()
    %mul3A_16 = arith.constant 632 : i32
    %mul3A_17 = arith.muli %arg1, %mul3A_16 : i32
    %add3A_18 = arith.constant 256 : i32
    %add3A_19 = arith.addi %mul3A_17, %add3A_18 : i32
    "tpu.region"() ({
      %run_scoped3A = tpu.sem_alloc : memref<!tpu.dma_semaphore, #tpu.memory_space<semaphore_mem>>
      %dma_start3A_82 = arith.constant 0 : i32
      %dma_start3A_83 = arith.constant 0 : i32
      %dma_start3A_84 = tpu.memref_slice %arg15[%dma_start3A_82, %dma_start3A_83] : memref<128x128xf32, #tpu.memory_space<vmem>> -> memref<128x128xf32, #tpu.memory_space<vmem>>
      %dma_start3A_85 = arith.constant 0 : i32
      %dma_start3A_86 = tpu.memref_slice %arg17[%add3A_19, %dma_start3A_85] : memref<10112x128xf32, #tpu.memory_space<vmem_shared>> -> memref<128x128xf32, #tpu.memory_space<vmem_shared>>
      %dma_start3A_87 = arith.constant 0 : i32
      %dma_start3A_88 = tpu.memref_slice %arg17[%add3A_19, %dma_start3A_87] : memref<10112x128xf32, #tpu.memory_space<vmem_shared>> -> memref<128x128xf32, #tpu.memory_space<vmem_shared>>
      %dma_start3A_89 = arith.constant 0 : i32
      %dma_start3A_90 = arith.constant 0 : i32
      %dma_start3A_91 = tpu.memref_slice %arg15[%dma_start3A_89, %dma_start3A_90] : memref<128x128xf32, #tpu.memory_space<vmem>> -> memref<128x128xf32, #tpu.memory_space<vmem>>
      tpu.enqueue_dma source(%dma_start3A_91 : memref<128x128xf32, #tpu.memory_space<vmem>>) target(%dma_start3A_88 : memref<128x128xf32, #tpu.memory_space<vmem_shared>>) target_semaphore(%run_scoped3A : memref<!tpu.dma_semaphore, #tpu.memory_space<semaphore_mem>>)
      %dma_wait3A_92 = arith.constant 0 : i32
      %dma_wait3A_93 = arith.constant 0 : i32
      %dma_wait3A_94 = tpu.memref_slice %arg15[%dma_wait3A_92, %dma_wait3A_93] : memref<128x128xf32, #tpu.memory_space<vmem>> -> memref<128x128xf32, #tpu.memory_space<vmem>>
      %dma_wait3A_95 = arith.constant 0 : i32
      %dma_wait3A_96 = tpu.memref_slice %arg17[%add3A_19, %dma_wait3A_95] : memref<10112x128xf32, #tpu.memory_space<vmem_shared>> -> memref<128x128xf32, #tpu.memory_space<vmem_shared>>
      %dma_wait3A_97 = arith.constant 0 : i32
      %dma_wait3A_98 = tpu.memref_slice %arg17[%add3A_19, %dma_wait3A_97] : memref<10112x128xf32, #tpu.memory_space<vmem_shared>> -> memref<128x128xf32, #tpu.memory_space<vmem_shared>>
      %dma_wait3A_99 = arith.constant 0 : i32
      %dma_wait3A_100 = arith.constant 0 : i32
      %dma_wait3A_101 = tpu.memref_slice %arg15[%dma_wait3A_99, %dma_wait3A_100] : memref<128x128xf32, #tpu.memory_space<vmem>> -> memref<128x128xf32, #tpu.memory_space<vmem>>
      tpu.wait_dma2 semaphore(%run_scoped3A : memref<!tpu.dma_semaphore, #tpu.memory_space<semaphore_mem>>) src(%dma_wait3A_101 : memref<128x128xf32, #tpu.memory_space<vmem>>) dst(%dma_wait3A_98 : memref<128x128xf32, #tpu.memory_space<vmem_shared>>)
      tpu.yield
    }) : () -> ()
    %mul3A_20 = arith.constant 632 : i32
    %mul3A_21 = arith.muli %arg1, %mul3A_20 : i32
    %add3A_22 = arith.constant 384 : i32
    %add3A_23 = arith.addi %mul3A_21, %add3A_22 : i32
    "tpu.region"() ({
      %run_scoped3A = tpu.sem_alloc : memref<!tpu.dma_semaphore, #tpu.memory_space<semaphore_mem>>
      %dma_start3A_82 = arith.constant 0 : i32
      %dma_start3A_83 = arith.constant 0 : i32
      %dma_start3A_84 = tpu.memref_slice %arg15[%dma_start3A_82, %dma_start3A_83] : memref<128x128xf32, #tpu.memory_space<vmem>> -> memref<128x128xf32, #tpu.memory_space<vmem>>
      %dma_start3A_85 = arith.constant 0 : i32
      %dma_start3A_86 = tpu.memref_slice %arg17[%add3A_23, %dma_start3A_85] : memref<10112x128xf32, #tpu.memory_space<vmem_shared>> -> memref<128x128xf32, #tpu.memory_space<vmem_shared>>
      %dma_start3A_87 = arith.constant 0 : i32
      %dma_start3A_88 = tpu.memref_slice %arg17[%add3A_23, %dma_start3A_87] : memref<10112x128xf32, #tpu.memory_space<vmem_shared>> -> memref<128x128xf32, #tpu.memory_space<vmem_shared>>
      %dma_start3A_89 = arith.constant 0 : i32
      %dma_start3A_90 = arith.constant 0 : i32
      %dma_start3A_91 = tpu.memref_slice %arg15[%dma_start3A_89, %dma_start3A_90] : memref<128x128xf32, #tpu.memory_space<vmem>> -> memref<128x128xf32, #tpu.memory_space<vmem>>
      tpu.enqueue_dma source(%dma_start3A_91 : memref<128x128xf32, #tpu.memory_space<vmem>>) target(%dma_start3A_88 : memref<128x128xf32, #tpu.memory_space<vmem_shared>>) target_semaphore(%run_scoped3A : memref<!tpu.dma_semaphore, #tpu.memory_space<semaphore_mem>>)
      %dma_wait3A_92 = arith.constant 0 : i32
      %dma_wait3A_93 = arith.constant 0 : i32
      %dma_wait3A_94 = tpu.memref_slice %arg15[%dma_wait3A_92, %dma_wait3A_93] : memref<128x128xf32, #tpu.memory_space<vmem>> -> memref<128x128xf32, #tpu.memory_space<vmem>>
      %dma_wait3A_95 = arith.constant 0 : i32
      %dma_wait3A_96 = tpu.memref_slice %arg17[%add3A_23, %dma_wait3A_95] : memref<10112x128xf32, #tpu.memory_space<vmem_shared>> -> memref<128x128xf32, #tpu.memory_space<vmem_shared>>
      %dma_wait3A_97 = arith.constant 0 : i32
      %dma_wait3A_98 = tpu.memref_slice %arg17[%add3A_23, %dma_wait3A_97] : memref<10112x128xf32, #tpu.memory_space<vmem_shared>> -> memref<128x128xf32, #tpu.memory_space<vmem_shared>>
      %dma_wait3A_99 = arith.constant 0 : i32
      %dma_wait3A_100 = arith.constant 0 : i32
      %dma_wait3A_101 = tpu.memref_slice %arg15[%dma_wait3A_99, %dma_wait3A_100] : memref<128x128xf32, #tpu.memory_space<vmem>> -> memref<128x128xf32, #tpu.memory_space<vmem>>
      tpu.wait_dma2 semaphore(%run_scoped3A : memref<!tpu.dma_semaphore, #tpu.memory_space<semaphore_mem>>) src(%dma_wait3A_101 : memref<128x128xf32, #tpu.memory_space<vmem>>) dst(%dma_wait3A_98 : memref<128x128xf32, #tpu.memory_space<vmem_shared>>)
      tpu.yield
    }) : () -> ()
    %mul3A_24 = arith.constant 632 : i32
    %mul3A_25 = arith.muli %arg1, %mul3A_24 : i32
    %add3A_26 = arith.constant 512 : i32
    %add3A_27 = arith.addi %mul3A_25, %add3A_26 : i32
    "tpu.region"() ({
      %run_scoped3A = tpu.sem_alloc : memref<!tpu.dma_semaphore, #tpu.memory_space<semaphore_mem>>
      %dma_start3A_82 = arith.constant 0 : i32
      %dma_start3A_83 = arith.constant 0 : i32
      %dma_start3A_84 = tpu.memref_slice %arg15[%dma_start3A_82, %dma_start3A_83] : memref<128x128xf32, #tpu.memory_space<vmem>> -> memref<120x128xf32, #tpu.memory_space<vmem>>
      %dma_start3A_85 = arith.constant 0 : i32
      %dma_start3A_86 = tpu.memref_slice %arg17[%add3A_27, %dma_start3A_85] : memref<10112x128xf32, #tpu.memory_space<vmem_shared>> -> memref<120x128xf32, #tpu.memory_space<vmem_shared>>
      %dma_start3A_87 = arith.constant 0 : i32
      %dma_start3A_88 = tpu.memref_slice %arg17[%add3A_27, %dma_start3A_87] : memref<10112x128xf32, #tpu.memory_space<vmem_shared>> -> memref<120x128xf32, #tpu.memory_space<vmem_shared>>
      %dma_start3A_89 = arith.constant 0 : i32
      %dma_start3A_90 = arith.constant 0 : i32
      %dma_start3A_91 = tpu.memref_slice %arg15[%dma_start3A_89, %dma_start3A_90] : memref<128x128xf32, #tpu.memory_space<vmem>> -> memref<120x128xf32, #tpu.memory_space<vmem>>
      tpu.enqueue_dma source(%dma_start3A_91 : memref<120x128xf32, #tpu.memory_space<vmem>>) target(%dma_start3A_88 : memref<120x128xf32, #tpu.memory_space<vmem_shared>>) target_semaphore(%run_scoped3A : memref<!tpu.dma_semaphore, #tpu.memory_space<semaphore_mem>>)
      %dma_wait3A_92 = arith.constant 0 : i32
      %dma_wait3A_93 = arith.constant 0 : i32
      %dma_wait3A_94 = tpu.memref_slice %arg15[%dma_wait3A_92, %dma_wait3A_93] : memref<128x128xf32, #tpu.memory_space<vmem>> -> memref<120x128xf32, #tpu.memory_space<vmem>>
      %dma_wait3A_95 = arith.constant 0 : i32
      %dma_wait3A_96 = tpu.memref_slice %arg17[%add3A_27, %dma_wait3A_95] : memref<10112x128xf32, #tpu.memory_space<vmem_shared>> -> memref<120x128xf32, #tpu.memory_space<vmem_shared>>
      %dma_wait3A_97 = arith.constant 0 : i32
      %dma_wait3A_98 = tpu.memref_slice %arg17[%add3A_27, %dma_wait3A_97] : memref<10112x128xf32, #tpu.memory_space<vmem_shared>> -> memref<120x128xf32, #tpu.memory_space<vmem_shared>>
      %dma_wait3A_99 = arith.constant 0 : i32
      %dma_wait3A_100 = arith.constant 0 : i32
      %dma_wait3A_101 = tpu.memref_slice %arg15[%dma_wait3A_99, %dma_wait3A_100] : memref<128x128xf32, #tpu.memory_space<vmem>> -> memref<120x128xf32, #tpu.memory_space<vmem>>
      tpu.wait_dma2 semaphore(%run_scoped3A : memref<!tpu.dma_semaphore, #tpu.memory_space<semaphore_mem>>) src(%dma_wait3A_101 : memref<120x128xf32, #tpu.memory_space<vmem>>) dst(%dma_wait3A_98 : memref<120x128xf32, #tpu.memory_space<vmem_shared>>)
      tpu.yield
    }) : () -> ()
    %barrier3A = arith.constant 0 : index
    tpu.barrier barrier_id(%barrier3A)
    %add3A_28 = arith.constant 0 : i32
    %add3A_29 = arith.addi %mul3A_2, %add3A_28 : i32
    %dma_start3A = tpu.memref_slice %arg4[%add3A_29] : memref<327680xi32, #tpu.memory_space<hbm>> -> memref<128xi32, #tpu.memory_space<hbm>>
    %dma_start3A_30 = tpu.memref_slice %arg4[%add3A_29] : memref<327680xi32, #tpu.memory_space<hbm>> -> memref<128xi32, #tpu.memory_space<hbm>>
    tpu.enqueue_dma source(%dma_start3A_30 : memref<128xi32, #tpu.memory_space<hbm>>) target(%arg8 : memref<128xi32, #tpu.memory_space<vmem>>) target_semaphore(%arg18 : memref<!tpu.dma_semaphore, #tpu.memory_space<semaphore_mem>>)
    %dma_start3A_31 = tpu.memref_slice %arg5[%add3A_29] : memref<327680xi32, #tpu.memory_space<hbm>> -> memref<128xi32, #tpu.memory_space<hbm>>
    %dma_start3A_32 = tpu.memref_slice %arg5[%add3A_29] : memref<327680xi32, #tpu.memory_space<hbm>> -> memref<128xi32, #tpu.memory_space<hbm>>
    tpu.enqueue_dma source(%dma_start3A_32 : memref<128xi32, #tpu.memory_space<hbm>>) target(%arg10 : memref<128xi32, #tpu.memory_space<vmem>>) target_semaphore(%arg20 : memref<!tpu.dma_semaphore, #tpu.memory_space<semaphore_mem>>)
    %dma_start3A_33 = tpu.memref_slice %arg3[%add3A_29] : memref<327680xf32, #tpu.memory_space<hbm>> -> memref<128xf32, #tpu.memory_space<hbm>>
    %dma_start3A_34 = tpu.memref_slice %arg3[%add3A_29] : memref<327680xf32, #tpu.memory_space<hbm>> -> memref<128xf32, #tpu.memory_space<hbm>>
    tpu.enqueue_dma source(%dma_start3A_34 : memref<128xf32, #tpu.memory_space<hbm>>) target(%arg12 : memref<128xf32, #tpu.memory_space<vmem>>) target_semaphore(%arg22 : memref<!tpu.dma_semaphore, #tpu.memory_space<semaphore_mem>>)
    %add3A_35 = arith.constant 0 : i32
    %add3A_36 = arith.addi %mul3A_2, %add3A_35 : i32
    %dma_wait3A = tpu.memref_slice %arg4[%add3A_36] : memref<327680xi32, #tpu.memory_space<hbm>> -> memref<128xi32, #tpu.memory_space<hbm>>
    %dma_wait3A_37 = tpu.memref_slice %arg4[%add3A_36] : memref<327680xi32, #tpu.memory_space<hbm>> -> memref<128xi32, #tpu.memory_space<hbm>>
    tpu.wait_dma2 semaphore(%arg18 : memref<!tpu.dma_semaphore, #tpu.memory_space<semaphore_mem>>) src(%dma_wait3A_37 : memref<128xi32, #tpu.memory_space<hbm>>) dst(%arg8 : memref<128xi32, #tpu.memory_space<vmem>>)
    %dma_wait3A_38 = tpu.memref_slice %arg5[%add3A_36] : memref<327680xi32, #tpu.memory_space<hbm>> -> memref<128xi32, #tpu.memory_space<hbm>>
    %dma_wait3A_39 = tpu.memref_slice %arg5[%add3A_36] : memref<327680xi32, #tpu.memory_space<hbm>> -> memref<128xi32, #tpu.memory_space<hbm>>
    tpu.wait_dma2 semaphore(%arg20 : memref<!tpu.dma_semaphore, #tpu.memory_space<semaphore_mem>>) src(%dma_wait3A_39 : memref<128xi32, #tpu.memory_space<hbm>>) dst(%arg10 : memref<128xi32, #tpu.memory_space<vmem>>)
    %dma_wait3A_40 = tpu.memref_slice %arg3[%add3A_36] : memref<327680xf32, #tpu.memory_space<hbm>> -> memref<128xf32, #tpu.memory_space<hbm>>
    %dma_wait3A_41 = tpu.memref_slice %arg3[%add3A_36] : memref<327680xf32, #tpu.memory_space<hbm>> -> memref<128xf32, #tpu.memory_space<hbm>>
    tpu.wait_dma2 semaphore(%arg22 : memref<!tpu.dma_semaphore, #tpu.memory_space<semaphore_mem>>) src(%dma_wait3A_41 : memref<128xf32, #tpu.memory_space<hbm>>) dst(%arg12 : memref<128xf32, #tpu.memory_space<vmem>>)
    %dma_start3A_42 = arith.constant 0 : i32
    %dma_start3A_43 = arith.constant 0 : i32
    %dma_start3A_44 = tpu.memref_slice %arg2[%dma_start3A_42, %dma_start3A_43] : memref<10000x128xf32, #tpu.memory_space<hbm>> -> memref<10000x128xf32, #tpu.memory_space<hbm>>
    tpu.enqueue_indirect_dma source(%dma_start3A_44 : memref<10000x128xf32, #tpu.memory_space<hbm>>) target(%arg15 : memref<128x128xf32, #tpu.memory_space<vmem>>) offsets(%arg8 : memref<128xi32, #tpu.memory_space<vmem>>) semaphore(%arg24 : memref<!tpu.dma_semaphore, #tpu.memory_space<semaphore_mem>>)
    %add3A_45 = arith.constant 128 : i32
    %add3A_46 = arith.addi %mul3A_2, %add3A_45 : i32
    %dma_start3A_47 = tpu.memref_slice %arg4[%add3A_46] : memref<327680xi32, #tpu.memory_space<hbm>> -> memref<128xi32, #tpu.memory_space<hbm>>
    %dma_start3A_48 = tpu.memref_slice %arg4[%add3A_46] : memref<327680xi32, #tpu.memory_space<hbm>> -> memref<128xi32, #tpu.memory_space<hbm>>
    tpu.enqueue_dma source(%dma_start3A_48 : memref<128xi32, #tpu.memory_space<hbm>>) target(%arg9 : memref<128xi32, #tpu.memory_space<vmem>>) target_semaphore(%arg19 : memref<!tpu.dma_semaphore, #tpu.memory_space<semaphore_mem>>)
    %dma_start3A_49 = tpu.memref_slice %arg5[%add3A_46] : memref<327680xi32, #tpu.memory_space<hbm>> -> memref<128xi32, #tpu.memory_space<hbm>>
    %dma_start3A_50 = tpu.memref_slice %arg5[%add3A_46] : memref<327680xi32, #tpu.memory_space<hbm>> -> memref<128xi32, #tpu.memory_space<hbm>>
    tpu.enqueue_dma source(%dma_start3A_50 : memref<128xi32, #tpu.memory_space<hbm>>) target(%arg11 : memref<128xi32, #tpu.memory_space<vmem>>) target_semaphore(%arg21 : memref<!tpu.dma_semaphore, #tpu.memory_space<semaphore_mem>>)
    %dma_start3A_51 = tpu.memref_slice %arg3[%add3A_46] : memref<327680xf32, #tpu.memory_space<hbm>> -> memref<128xf32, #tpu.memory_space<hbm>>
    %dma_start3A_52 = tpu.memref_slice %arg3[%add3A_46] : memref<327680xf32, #tpu.memory_space<hbm>> -> memref<128xf32, #tpu.memory_space<hbm>>
    tpu.enqueue_dma source(%dma_start3A_52 : memref<128xf32, #tpu.memory_space<hbm>>) target(%arg13 : memref<128xf32, #tpu.memory_space<vmem>>) target_semaphore(%arg23 : memref<!tpu.dma_semaphore, #tpu.memory_space<semaphore_mem>>)
    %scan3A_53 = arith.constant 0 : i32
    %scan3A_54 = arith.constant 0 : i32
    %scan3A_55 = arith.constant 40 : i32
    %scan3A_56 = arith.addi %scan3A_54, %scan3A_55 : i32
    %scan3A_57 = arith.constant 1 : i32
    scf.for %scan3A_82 = %scan3A_54 to %scan3A_56 step %scan3A_57  : i32 {
      %mul3A_83 = arith.constant 2 : i32
      %mul3A_84 = arith.muli %mul3A_83, %scan3A_82 : i32
      %add3A_85 = arith.constant 1 : i32
      %add3A_86 = arith.addi %mul3A_84, %add3A_85 : i32
      %mul3A_87 = arith.constant 128 : i32
      %mul3A_88 = arith.muli %add3A_86, %mul3A_87 : i32
      %add3A_89 = arith.addi %mul3A_2, %mul3A_88 : i32
      %dma_wait3A_90 = tpu.memref_slice %arg4[%add3A_89] : memref<327680xi32, #tpu.memory_space<hbm>> -> memref<128xi32, #tpu.memory_space<hbm>>
      %dma_wait3A_91 = tpu.memref_slice %arg4[%add3A_89] : memref<327680xi32, #tpu.memory_space<hbm>> -> memref<128xi32, #tpu.memory_space<hbm>>
      tpu.wait_dma2 semaphore(%arg19 : memref<!tpu.dma_semaphore, #tpu.memory_space<semaphore_mem>>) src(%dma_wait3A_91 : memref<128xi32, #tpu.memory_space<hbm>>) dst(%arg9 : memref<128xi32, #tpu.memory_space<vmem>>)
      %dma_wait3A_92 = tpu.memref_slice %arg5[%add3A_89] : memref<327680xi32, #tpu.memory_space<hbm>> -> memref<128xi32, #tpu.memory_space<hbm>>
      %dma_wait3A_93 = tpu.memref_slice %arg5[%add3A_89] : memref<327680xi32, #tpu.memory_space<hbm>> -> memref<128xi32, #tpu.memory_space<hbm>>
      tpu.wait_dma2 semaphore(%arg21 : memref<!tpu.dma_semaphore, #tpu.memory_space<semaphore_mem>>) src(%dma_wait3A_93 : memref<128xi32, #tpu.memory_space<hbm>>) dst(%arg11 : memref<128xi32, #tpu.memory_space<vmem>>)
      %dma_wait3A_94 = tpu.memref_slice %arg3[%add3A_89] : memref<327680xf32, #tpu.memory_space<hbm>> -> memref<128xf32, #tpu.memory_space<hbm>>
      %dma_wait3A_95 = tpu.memref_slice %arg3[%add3A_89] : memref<327680xf32, #tpu.memory_space<hbm>> -> memref<128xf32, #tpu.memory_space<hbm>>
      tpu.wait_dma2 semaphore(%arg23 : memref<!tpu.dma_semaphore, #tpu.memory_space<semaphore_mem>>) src(%dma_wait3A_95 : memref<128xf32, #tpu.memory_space<hbm>>) dst(%arg13 : memref<128xf32, #tpu.memory_space<vmem>>)
      %dma_start3A_96 = arith.constant 0 : i32
      %dma_start3A_97 = arith.constant 0 : i32
      %dma_start3A_98 = tpu.memref_slice %arg2[%dma_start3A_96, %dma_start3A_97] : memref<10000x128xf32, #tpu.memory_space<hbm>> -> memref<10000x128xf32, #tpu.memory_space<hbm>>
      tpu.enqueue_indirect_dma source(%dma_start3A_98 : memref<10000x128xf32, #tpu.memory_space<hbm>>) target(%arg16 : memref<128x128xf32, #tpu.memory_space<vmem>>) offsets(%arg9 : memref<128xi32, #tpu.memory_space<vmem>>) semaphore(%arg25 : memref<!tpu.dma_semaphore, #tpu.memory_space<semaphore_mem>>)
      %dma_wait3A_99 = arith.constant 0 : i32
      %dma_wait3A_100 = arith.constant 0 : i32
      %dma_wait3A_101 = tpu.memref_slice %arg2[%dma_wait3A_99, %dma_wait3A_100] : memref<10000x128xf32, #tpu.memory_space<hbm>> -> memref<10000x128xf32, #tpu.memory_space<hbm>>
      tpu.wait_indirect_dma semaphore(%arg24 : memref<!tpu.dma_semaphore, #tpu.memory_space<semaphore_mem>>) src(%dma_wait3A_101 : memref<10000x128xf32, #tpu.memory_space<hbm>>) dst(%arg15 : memref<128x128xf32, #tpu.memory_space<vmem>>)
      %get3A = arith.constant 0 : index
      %get3A_102 = tpu.vector_load %arg10[%get3A] {strides = array<i32>} : memref<128xi32, #tpu.memory_space<vmem>>, vector<16xi32>,
      %gather3A = tpu.vector_load_idx %arg14[%get3A_102] : memref<10112xf32, #tpu.memory_space<vmem>>[vector<16xi32>], vector<16xf32>,
      %get3A_103 = arith.constant 0 : index
      %get3A_104 = tpu.vector_load %arg12[%get3A_103] {strides = array<i32>} : memref<128xf32, #tpu.memory_space<vmem>>, vector<16xf32>,
      %max3A = arith.constant 1.000000e-16 : f32
      %max3A_105 = vector.broadcast %max3A : f32 to vector<16xf32>
      %max3A_106 = arith.maximumf %gather3A, %max3A_105 : vector<16xf32>
      %div3A = arith.divf %get3A_104, %max3A_106 : vector<16xf32>
      %swap3A = arith.constant 0 : index
      %swap3A_107 = tpu.vector_load %arg12[%swap3A] {strides = array<i32>} : memref<128xf32, #tpu.memory_space<vmem>>, vector<16xf32>,
      tpu.vector_store %arg12[%swap3A], %div3A {strides = array<i32>} : memref<128xf32, #tpu.memory_space<vmem>>, vector<16xf32>,
      %get3A_108 = arith.constant 16 : index
      %get3A_109 = tpu.vector_load %arg10[%get3A_108] {strides = array<i32>} : memref<128xi32, #tpu.memory_space<vmem>>, vector<16xi32>,
      %gather3A_110 = tpu.vector_load_idx %arg14[%get3A_109] : memref<10112xf32, #tpu.memory_space<vmem>>[vector<16xi32>], vector<16xf32>,
      %get3A_111 = arith.constant 16 : index
      %get3A_112 = tpu.vector_load %arg12[%get3A_111] {strides = array<i32>} : memref<128xf32, #tpu.memory_space<vmem>>, vector<16xf32>,
      %max3A_113 = arith.constant 1.000000e-16 : f32
      %max3A_114 = vector.broadcast %max3A_113 : f32 to vector<16xf32>
      %max3A_115 = arith.maximumf %gather3A_110, %max3A_114 : vector<16xf32>
      %div3A_116 = arith.divf %get3A_112, %max3A_115 : vector<16xf32>
      %swap3A_117 = arith.constant 16 : index
      %swap3A_118 = tpu.vector_load %arg12[%swap3A_117] {strides = array<i32>} : memref<128xf32, #tpu.memory_space<vmem>>, vector<16xf32>,
      tpu.vector_store %arg12[%swap3A_117], %div3A_116 {strides = array<i32>} : memref<128xf32, #tpu.memory_space<vmem>>, vector<16xf32>,
      %get3A_119 = arith.constant 32 : index
      %get3A_120 = tpu.vector_load %arg10[%get3A_119] {strides = array<i32>} : memref<128xi32, #tpu.memory_space<vmem>>, vector<16xi32>,
      %gather3A_121 = tpu.vector_load_idx %arg14[%get3A_120] : memref<10112xf32, #tpu.memory_space<vmem>>[vector<16xi32>], vector<16xf32>,
      %get3A_122 = arith.constant 32 : index
      %get3A_123 = tpu.vector_load %arg12[%get3A_122] {strides = array<i32>} : memref<128xf32, #tpu.memory_space<vmem>>, vector<16xf32>,
      %max3A_124 = arith.constant 1.000000e-16 : f32
      %max3A_125 = vector.broadcast %max3A_124 : f32 to vector<16xf32>
      %max3A_126 = arith.maximumf %gather3A_121, %max3A_125 : vector<16xf32>
      %div3A_127 = arith.divf %get3A_123, %max3A_126 : vector<16xf32>
      %swap3A_128 = arith.constant 32 : index
      %swap3A_129 = tpu.vector_load %arg12[%swap3A_128] {strides = array<i32>} : memref<128xf32, #tpu.memory_space<vmem>>, vector<16xf32>,
      tpu.vector_store %arg12[%swap3A_128], %div3A_127 {strides = array<i32>} : memref<128xf32, #tpu.memory_space<vmem>>, vector<16xf32>,
      %get3A_130 = arith.constant 48 : index
      %get3A_131 = tpu.vector_load %arg10[%get3A_130] {strides = array<i32>} : memref<128xi32, #tpu.memory_space<vmem>>, vector<16xi32>,
      %gather3A_132 = tpu.vector_load_idx %arg14[%get3A_131] : memref<10112xf32, #tpu.memory_space<vmem>>[vector<16xi32>], vector<16xf32>,
      %get3A_133 = arith.constant 48 : index
      %get3A_134 = tpu.vector_load %arg12[%get3A_133] {strides = array<i32>} : memref<128xf32, #tpu.memory_space<vmem>>, vector<16xf32>,
      %max3A_135 = arith.constant 1.000000e-16 : f32
      %max3A_136 = vector.broadcast %max3A_135 : f32 to vector<16xf32>
      %max3A_137 = arith.maximumf %gather3A_132, %max3A_136 : vector<16xf32>
      %div3A_138 = arith.divf %get3A_134, %max3A_137 : vector<16xf32>
      %swap3A_139 = arith.constant 48 : index
      %swap3A_140 = tpu.vector_load %arg12[%swap3A_139] {strides = array<i32>} : memref<128xf32, #tpu.memory_space<vmem>>, vector<16xf32>,
      tpu.vector_store %arg12[%swap3A_139], %div3A_138 {strides = array<i32>} : memref<128xf32, #tpu.memory_space<vmem>>, vector<16xf32>,
      %get3A_141 = arith.constant 64 : index
      %get3A_142 = tpu.vector_load %arg10[%get3A_141] {strides = array<i32>} : memref<128xi32, #tpu.memory_space<vmem>>, vector<16xi32>,
      %gather3A_143 = tpu.vector_load_idx %arg14[%get3A_142] : memref<10112xf32, #tpu.memory_space<vmem>>[vector<16xi32>], vector<16xf32>,
      %get3A_144 = arith.constant 64 : index
      %get3A_145 = tpu.vector_load %arg12[%get3A_144] {strides = array<i32>} : memref<128xf32, #tpu.memory_space<vmem>>, vector<16xf32>,
      %max3A_146 = arith.constant 1.000000e-16 : f32
      %max3A_147 = vector.broadcast %max3A_146 : f32 to vector<16xf32>
      %max3A_148 = arith.maximumf %gather3A_143, %max3A_147 : vector<16xf32>
      %div3A_149 = arith.divf %get3A_145, %max3A_148 : vector<16xf32>
      %swap3A_150 = arith.constant 64 : index
      %swap3A_151 = tpu.vector_load %arg12[%swap3A_150] {strides = array<i32>} : memref<128xf32, #tpu.memory_space<vmem>>, vector<16xf32>,
      tpu.vector_store %arg12[%swap3A_150], %div3A_149 {strides = array<i32>} : memref<128xf32, #tpu.memory_space<vmem>>, vector<16xf32>,
      %get3A_152 = arith.constant 80 : index
      %get3A_153 = tpu.vector_load %arg10[%get3A_152] {strides = array<i32>} : memref<128xi32, #tpu.memory_space<vmem>>, vector<16xi32>,
      %gather3A_154 = tpu.vector_load_idx %arg14[%get3A_153] : memref<10112xf32, #tpu.memory_space<vmem>>[vector<16xi32>], vector<16xf32>,
      %get3A_155 = arith.constant 80 : index
      %get3A_156 = tpu.vector_load %arg12[%get3A_155] {strides = array<i32>} : memref<128xf32, #tpu.memory_space<vmem>>, vector<16xf32>,
      %max3A_157 = arith.constant 1.000000e-16 : f32
      %max3A_158 = vector.broadcast %max3A_157 : f32 to vector<16xf32>
      %max3A_159 = arith.maximumf %gather3A_154, %max3A_158 : vector<16xf32>
      %div3A_160 = arith.divf %get3A_156, %max3A_159 : vector<16xf32>
      %swap3A_161 = arith.constant 80 : index
      %swap3A_162 = tpu.vector_load %arg12[%swap3A_161] {strides = array<i32>} : memref<128xf32, #tpu.memory_space<vmem>>, vector<16xf32>,
      tpu.vector_store %arg12[%swap3A_161], %div3A_160 {strides = array<i32>} : memref<128xf32, #tpu.memory_space<vmem>>, vector<16xf32>,
      %get3A_163 = arith.constant 96 : index
      %get3A_164 = tpu.vector_load %arg10[%get3A_163] {strides = array<i32>} : memref<128xi32, #tpu.memory_space<vmem>>, vector<16xi32>,
      %gather3A_165 = tpu.vector_load_idx %arg14[%get3A_164] : memref<10112xf32, #tpu.memory_space<vmem>>[vector<16xi32>], vector<16xf32>,
      %get3A_166 = arith.constant 96 : index
      %get3A_167 = tpu.vector_load %arg12[%get3A_166] {strides = array<i32>} : memref<128xf32, #tpu.memory_space<vmem>>, vector<16xf32>,
      %max3A_168 = arith.constant 1.000000e-16 : f32
      %max3A_169 = vector.broadcast %max3A_168 : f32 to vector<16xf32>
      %max3A_170 = arith.maximumf %gather3A_165, %max3A_169 : vector<16xf32>
      %div3A_171 = arith.divf %get3A_167, %max3A_170 : vector<16xf32>
      %swap3A_172 = arith.constant 96 : index
      %swap3A_173 = tpu.vector_load %arg12[%swap3A_172] {strides = array<i32>} : memref<128xf32, #tpu.memory_space<vmem>>, vector<16xf32>,
      tpu.vector_store %arg12[%swap3A_172], %div3A_171 {strides = array<i32>} : memref<128xf32, #tpu.memory_space<vmem>>, vector<16xf32>,
      %get3A_174 = arith.constant 112 : index
      %get3A_175 = tpu.vector_load %arg10[%get3A_174] {strides = array<i32>} : memref<128xi32, #tpu.memory_space<vmem>>, vector<16xi32>,
      %gather3A_176 = tpu.vector_load_idx %arg14[%get3A_175] : memref<10112xf32, #tpu.memory_space<vmem>>[vector<16xi32>], vector<16xf32>,
      %get3A_177 = arith.constant 112 : index
      %get3A_178 = tpu.vector_load %arg12[%get3A_177] {strides = array<i32>} : memref<128xf32, #tpu.memory_space<vmem>>, vector<16xf32>,
      %max3A_179 = arith.constant 1.000000e-16 : f32
      %max3A_180 = vector.broadcast %max3A_179 : f32 to vector<16xf32>
      %max3A_181 = arith.maximumf %gather3A_176, %max3A_180 : vector<16xf32>
      %div3A_182 = arith.divf %get3A_178, %max3A_181 : vector<16xf32>
      %swap3A_183 = arith.constant 112 : index
      %swap3A_184 = tpu.vector_load %arg12[%swap3A_183] {strides = array<i32>} : memref<128xf32, #tpu.memory_space<vmem>>, vector<16xf32>,
      tpu.vector_store %arg12[%swap3A_183], %div3A_182 {strides = array<i32>} : memref<128xf32, #tpu.memory_space<vmem>>, vector<16xf32>,
      %scan3A_185 = arith.constant 0 : i32
      %scan3A_186 = arith.constant 0 : i32
      %scan3A_187 = arith.constant 32 : i32
      %scan3A_188 = arith.addi %scan3A_186, %scan3A_187 : i32
      %scan3A_189 = arith.constant 1 : i32
      scf.for %scan3A_308 = %scan3A_186 to %scan3A_188 step %scan3A_189  : i32 {
        %mul3A_309 = arith.constant 4 : i32
        %mul3A_310 = arith.muli %scan3A_308, %mul3A_309 : i32
        %broadcast_in_dim3A = vector.broadcast %mul3A_310 : i32 to vector<16xi32>
        %add3A_311 = arith.constant 0 : i32
        %add3A_312 = vector.broadcast %add3A_311 : i32 to vector<16xi32>
        %add3A_313 = arith.addi %broadcast_in_dim3A, %add3A_312 : vector<16xi32>
        %gather3A_314 = tpu.vector_load_idx %arg12[%add3A_313] : memref<128xf32, #tpu.memory_space<vmem>>[vector<16xi32>], vector<16xf32>,
        %mul3A_315 = arith.constant 4 : i32
        %mul3A_316 = arith.muli %scan3A_308, %mul3A_315 : i32
        %add3A_317 = arith.constant 0 : i32
        %add3A_318 = arith.addi %mul3A_316, %add3A_317 : i32
        %get3A_319 = arith.index_cast %add3A_318 : i32 to index
        %get3A_320 = arith.constant 0 : index
        %get3A_321 = tpu.vector_load %arg15[%get3A_319, %get3A_320] {strides = array<i32>} : memref<128x128xf32, #tpu.memory_space<vmem>>, vector<16xf32>,
        %mul3A_322 = arith.mulf %get3A_321, %gather3A_314 : vector<16xf32>
        %swap3A_323 = arith.index_cast %add3A_318 : i32 to index
        %swap3A_324 = arith.constant 0 : index
        %swap3A_325 = tpu.vector_load %arg15[%swap3A_323, %swap3A_324] {strides = array<i32>} : memref<128x128xf32, #tpu.memory_space<vmem>>, vector<16xf32>,
        tpu.vector_store %arg15[%swap3A_323, %swap3A_324], %mul3A_322 {strides = array<i32>} : memref<128x128xf32, #tpu.memory_space<vmem>>, vector<16xf32>,
        %get3A_326 = arith.index_cast %add3A_318 : i32 to index
        %get3A_327 = arith.constant 16 : index
        %get3A_328 = tpu.vector_load %arg15[%get3A_326, %get3A_327] {strides = array<i32>} : memref<128x128xf32, #tpu.memory_space<vmem>>, vector<16xf32>,
        %mul3A_329 = arith.mulf %get3A_328, %gather3A_314 : vector<16xf32>
        %swap3A_330 = arith.index_cast %add3A_318 : i32 to index
        %swap3A_331 = arith.constant 16 : index
        %swap3A_332 = tpu.vector_load %arg15[%swap3A_330, %swap3A_331] {strides = array<i32>} : memref<128x128xf32, #tpu.memory_space<vmem>>, vector<16xf32>,
        tpu.vector_store %arg15[%swap3A_330, %swap3A_331], %mul3A_329 {strides = array<i32>} : memref<128x128xf32, #tpu.memory_space<vmem>>, vector<16xf32>,
        %get3A_333 = arith.index_cast %add3A_318 : i32 to index
        %get3A_334 = arith.constant 32 : index
        %get3A_335 = tpu.vector_load %arg15[%get3A_333, %get3A_334] {strides = array<i32>} : memref<128x128xf32, #tpu.memory_space<vmem>>, vector<16xf32>,
        %mul3A_336 = arith.mulf %get3A_335, %gather3A_314 : vector<16xf32>
        %swap3A_337 = arith.index_cast %add3A_318 : i32 to index
        %swap3A_338 = arith.constant 32 : index
        %swap3A_339 = tpu.vector_load %arg15[%swap3A_337, %swap3A_338] {strides = array<i32>} : memref<128x128xf32, #tpu.memory_space<vmem>>, vector<16xf32>,
        tpu.vector_store %arg15[%swap3A_337, %swap3A_338], %mul3A_336 {strides = array<i32>} : memref<128x128xf32, #tpu.memory_space<vmem>>, vector<16xf32>,
        %get3A_340 = arith.index_cast %add3A_318 : i32 to index
        %get3A_341 = arith.constant 48 : index
        %get3A_342 = tpu.vector_load %arg15[%get3A_340, %get3A_341] {strides = array<i32>} : memref<128x128xf32, #tpu.memory_space<vmem>>, vector<16xf32>,
        %mul3A_343 = arith.mulf %get3A_342, %gather3A_314 : vector<16xf32>
        %swap3A_344 = arith.index_cast %add3A_318 : i32 to index
        %swap3A_345 = arith.constant 48 : index
        %swap3A_346 = tpu.vector_load %arg15[%swap3A_344, %swap3A_345] {strides = array<i32>} : memref<128x128xf32, #tpu.memory_space<vmem>>, vector<16xf32>,
        tpu.vector_store %arg15[%swap3A_344, %swap3A_345], %mul3A_343 {strides = array<i32>} : memref<128x128xf32, #tpu.memory_space<vmem>>, vector<16xf32>,
        %get3A_347 = arith.index_cast %add3A_318 : i32 to index
        %get3A_348 = arith.constant 64 : index
        %get3A_349 = tpu.vector_load %arg15[%get3A_347, %get3A_348] {strides = array<i32>} : memref<128x128xf32, #tpu.memory_space<vmem>>, vector<16xf32>,
        %mul3A_350 = arith.mulf %get3A_349, %gather3A_314 : vector<16xf32>
        %swap3A_351 = arith.index_cast %add3A_318 : i32 to index
        %swap3A_352 = arith.constant 64 : index
        %swap3A_353 = tpu.vector_load %arg15[%swap3A_351, %swap3A_352] {strides = array<i32>} : memref<128x128xf32, #tpu.memory_space<vmem>>, vector<16xf32>,
        tpu.vector_store %arg15[%swap3A_351, %swap3A_352], %mul3A_350 {strides = array<i32>} : memref<128x128xf32, #tpu.memory_space<vmem>>, vector<16xf32>,
        %get3A_354 = arith.index_cast %add3A_318 : i32 to index
        %get3A_355 = arith.constant 80 : index
        %get3A_356 = tpu.vector_load %arg15[%get3A_354, %get3A_355] {strides = array<i32>} : memref<128x128xf32, #tpu.memory_space<vmem>>, vector<16xf32>,
        %mul3A_357 = arith.mulf %get3A_356, %gather3A_314 : vector<16xf32>
        %swap3A_358 = arith.index_cast %add3A_318 : i32 to index
        %swap3A_359 = arith.constant 80 : index
        %swap3A_360 = tpu.vector_load %arg15[%swap3A_358, %swap3A_359] {strides = array<i32>} : memref<128x128xf32, #tpu.memory_space<vmem>>, vector<16xf32>,
        tpu.vector_store %arg15[%swap3A_358, %swap3A_359], %mul3A_357 {strides = array<i32>} : memref<128x128xf32, #tpu.memory_space<vmem>>, vector<16xf32>,
        %get3A_361 = arith.index_cast %add3A_318 : i32 to index
        %get3A_362 = arith.constant 96 : index
        %get3A_363 = tpu.vector_load %arg15[%get3A_361, %get3A_362] {strides = array<i32>} : memref<128x128xf32, #tpu.memory_space<vmem>>, vector<16xf32>,
        %mul3A_364 = arith.mulf %get3A_363, %gather3A_314 : vector<16xf32>
        %swap3A_365 = arith.index_cast %add3A_318 : i32 to index
        %swap3A_366 = arith.constant 96 : index
        %swap3A_367 = tpu.vector_load %arg15[%swap3A_365, %swap3A_366] {strides = array<i32>} : memref<128x128xf32, #tpu.memory_space<vmem>>, vector<16xf32>,
        tpu.vector_store %arg15[%swap3A_365, %swap3A_366], %mul3A_364 {strides = array<i32>} : memref<128x128xf32, #tpu.memory_space<vmem>>, vector<16xf32>,
        %get3A_368 = arith.index_cast %add3A_318 : i32 to index
        %get3A_369 = arith.constant 112 : index
        %get3A_370 = tpu.vector_load %arg15[%get3A_368, %get3A_369] {strides = array<i32>} : memref<128x128xf32, #tpu.memory_space<vmem>>, vector<16xf32>,
        %mul3A_371 = arith.mulf %get3A_370, %gather3A_314 : vector<16xf32>
        %swap3A_372 = arith.index_cast %add3A_318 : i32 to index
        %swap3A_373 = arith.constant 112 : index
        %swap3A_374 = tpu.vector_load %arg15[%swap3A_372, %swap3A_373] {strides = array<i32>} : memref<128x128xf32, #tpu.memory_space<vmem>>, vector<16xf32>,
        tpu.vector_store %arg15[%swap3A_372, %swap3A_373], %mul3A_371 {strides = array<i32>} : memref<128x128xf32, #tpu.memory_space<vmem>>, vector<16xf32>,
        %add3A_375 = arith.constant 1 : i32
        %add3A_376 = vector.broadcast %add3A_375 : i32 to vector<16xi32>
        %add3A_377 = arith.addi %broadcast_in_dim3A, %add3A_376 : vector<16xi32>
        %gather3A_378 = tpu.vector_load_idx %arg12[%add3A_377] : memref<128xf32, #tpu.memory_space<vmem>>[vector<16xi32>], vector<16xf32>,
        %mul3A_379 = arith.constant 4 : i32
        %mul3A_380 = arith.muli %scan3A_308, %mul3A_379 : i32
        %add3A_381 = arith.constant 1 : i32
        %add3A_382 = arith.addi %mul3A_380, %add3A_381 : i32
        %get3A_383 = arith.index_cast %add3A_382 : i32 to index
        %get3A_384 = arith.constant 0 : index
        %get3A_385 = tpu.vector_load %arg15[%get3A_383, %get3A_384] {strides = array<i32>} : memref<128x128xf32, #tpu.memory_space<vmem>>, vector<16xf32>,
        %mul3A_386 = arith.mulf %get3A_385, %gather3A_378 : vector<16xf32>
        %swap3A_387 = arith.index_cast %add3A_382 : i32 to index
        %swap3A_388 = arith.constant 0 : index
        %swap3A_389 = tpu.vector_load %arg15[%swap3A_387, %swap3A_388] {strides = array<i32>} : memref<128x128xf32, #tpu.memory_space<vmem>>, vector<16xf32>,
        tpu.vector_store %arg15[%swap3A_387, %swap3A_388], %mul3A_386 {strides = array<i32>} : memref<128x128xf32, #tpu.memory_space<vmem>>, vector<16xf32>,
        %get3A_390 = arith.index_cast %add3A_382 : i32 to index
        %get3A_391 = arith.constant 16 : index
        %get3A_392 = tpu.vector_load %arg15[%get3A_390, %get3A_391] {strides = array<i32>} : memref<128x128xf32, #tpu.memory_space<vmem>>, vector<16xf32>,
        %mul3A_393 = arith.mulf %get3A_392, %gather3A_378 : vector<16xf32>
        %swap3A_394 = arith.index_cast %add3A_382 : i32 to index
        %swap3A_395 = arith.constant 16 : index
        %swap3A_396 = tpu.vector_load %arg15[%swap3A_394, %swap3A_395] {strides = array<i32>} : memref<128x128xf32, #tpu.memory_space<vmem>>, vector<16xf32>,
        tpu.vector_store %arg15[%swap3A_394, %swap3A_395], %mul3A_393 {strides = array<i32>} : memref<128x128xf32, #tpu.memory_space<vmem>>, vector<16xf32>,
        %get3A_397 = arith.index_cast %add3A_382 : i32 to index
        %get3A_398 = arith.constant 32 : index
        %get3A_399 = tpu.vector_load %arg15[%get3A_397, %get3A_398] {strides = array<i32>} : memref<128x128xf32, #tpu.memory_space<vmem>>, vector<16xf32>,
        %mul3A_400 = arith.mulf %get3A_399, %gather3A_378 : vector<16xf32>
        %swap3A_401 = arith.index_cast %add3A_382 : i32 to index
        %swap3A_402 = arith.constant 32 : index
        %swap3A_403 = tpu.vector_load %arg15[%swap3A_401, %swap3A_402] {strides = array<i32>} : memref<128x128xf32, #tpu.memory_space<vmem>>, vector<16xf32>,
        tpu.vector_store %arg15[%swap3A_401, %swap3A_402], %mul3A_400 {strides = array<i32>} : memref<128x128xf32, #tpu.memory_space<vmem>>, vector<16xf32>,
        %get3A_404 = arith.index_cast %add3A_382 : i32 to index
        %get3A_405 = arith.constant 48 : index
        %get3A_406 = tpu.vector_load %arg15[%get3A_404, %get3A_405] {strides = array<i32>} : memref<128x128xf32, #tpu.memory_space<vmem>>, vector<16xf32>,
        %mul3A_407 = arith.mulf %get3A_406, %gather3A_378 : vector<16xf32>
        %swap3A_408 = arith.index_cast %add3A_382 : i32 to index
        %swap3A_409 = arith.constant 48 : index
        %swap3A_410 = tpu.vector_load %arg15[%swap3A_408, %swap3A_409] {strides = array<i32>} : memref<128x128xf32, #tpu.memory_space<vmem>>, vector<16xf32>,
        tpu.vector_store %arg15[%swap3A_408, %swap3A_409], %mul3A_407 {strides = array<i32>} : memref<128x128xf32, #tpu.memory_space<vmem>>, vector<16xf32>,
        %get3A_411 = arith.index_cast %add3A_382 : i32 to index
        %get3A_412 = arith.constant 64 : index
        %get3A_413 = tpu.vector_load %arg15[%get3A_411, %get3A_412] {strides = array<i32>} : memref<128x128xf32, #tpu.memory_space<vmem>>, vector<16xf32>,
        %mul3A_414 = arith.mulf %get3A_413, %gather3A_378 : vector<16xf32>
        %swap3A_415 = arith.index_cast %add3A_382 : i32 to index
        %swap3A_416 = arith.constant 64 : index
        %swap3A_417 = tpu.vector_load %arg15[%swap3A_415, %swap3A_416] {strides = array<i32>} : memref<128x128xf32, #tpu.memory_space<vmem>>, vector<16xf32>,
        tpu.vector_store %arg15[%swap3A_415, %swap3A_416], %mul3A_414 {strides = array<i32>} : memref<128x128xf32, #tpu.memory_space<vmem>>, vector<16xf32>,
        %get3A_418 = arith.index_cast %add3A_382 : i32 to index
        %get3A_419 = arith.constant 80 : index
        %get3A_420 = tpu.vector_load %arg15[%get3A_418, %get3A_419] {strides = array<i32>} : memref<128x128xf32, #tpu.memory_space<vmem>>, vector<16xf32>,
        %mul3A_421 = arith.mulf %get3A_420, %gather3A_378 : vector<16xf32>
        %swap3A_422 = arith.index_cast %add3A_382 : i32 to index
        %swap3A_423 = arith.constant 80 : index
        %swap3A_424 = tpu.vector_load %arg15[%swap3A_422, %swap3A_423] {strides = array<i32>} : memref<128x128xf32, #tpu.memory_space<vmem>>, vector<16xf32>,
        tpu.vector_store %arg15[%swap3A_422, %swap3A_423], %mul3A_421 {strides = array<i32>} : memref<128x128xf32, #tpu.memory_space<vmem>>, vector<16xf32>,
        %get3A_425 = arith.index_cast %add3A_382 : i32 to index
        %get3A_426 = arith.constant 96 : index
        %get3A_427 = tpu.vector_load %arg15[%get3A_425, %get3A_426] {strides = array<i32>} : memref<128x128xf32, #tpu.memory_space<vmem>>, vector<16xf32>,
        %mul3A_428 = arith.mulf %get3A_427, %gather3A_378 : vector<16xf32>
        %swap3A_429 = arith.index_cast %add3A_382 : i32 to index
        %swap3A_430 = arith.constant 96 : index
        %swap3A_431 = tpu.vector_load %arg15[%swap3A_429, %swap3A_430] {strides = array<i32>} : memref<128x128xf32, #tpu.memory_space<vmem>>, vector<16xf32>,
        tpu.vector_store %arg15[%swap3A_429, %swap3A_430], %mul3A_428 {strides = array<i32>} : memref<128x128xf32, #tpu.memory_space<vmem>>, vector<16xf32>,
        %get3A_432 = arith.index_cast %add3A_382 : i32 to index
        %get3A_433 = arith.constant 112 : index
        %get3A_434 = tpu.vector_load %arg15[%get3A_432, %get3A_433] {strides = array<i32>} : memref<128x128xf32, #tpu.memory_space<vmem>>, vector<16xf32>,
        %mul3A_435 = arith.mulf %get3A_434, %gather3A_378 : vector<16xf32>
        %swap3A_436 = arith.index_cast %add3A_382 : i32 to index
        %swap3A_437 = arith.constant 112 : index
        %swap3A_438 = tpu.vector_load %arg15[%swap3A_436, %swap3A_437] {strides = array<i32>} : memref<128x128xf32, #tpu.memory_space<vmem>>, vector<16xf32>,
        tpu.vector_store %arg15[%swap3A_436, %swap3A_437], %mul3A_435 {strides = array<i32>} : memref<128x128xf32, #tpu.memory_space<vmem>>, vector<16xf32>,
        %add3A_439 = arith.constant 2 : i32
        %add3A_440 = vector.broadcast %add3A_439 : i32 to vector<16xi32>
        %add3A_441 = arith.addi %broadcast_in_dim3A, %add3A_440 : vector<16xi32>
        %gather3A_442 = tpu.vector_load_idx %arg12[%add3A_441] : memref<128xf32, #tpu.memory_space<vmem>>[vector<16xi32>], vector<16xf32>,
        %mul3A_443 = arith.constant 4 : i32
        %mul3A_444 = arith.muli %scan3A_308, %mul3A_443 : i32
        %add3A_445 = arith.constant 2 : i32
        %add3A_446 = arith.addi %mul3A_444, %add3A_445 : i32
        %get3A_447 = arith.index_cast %add3A_446 : i32 to index
        %get3A_448 = arith.constant 0 : index
        %get3A_449 = tpu.vector_load %arg15[%get3A_447, %get3A_448] {strides = array<i32>} : memref<128x128xf32, #tpu.memory_space<vmem>>, vector<16xf32>,
        %mul3A_450 = arith.mulf %get3A_449, %gather3A_442 : vector<16xf32>
        %swap3A_451 = arith.index_cast %add3A_446 : i32 to index
        %swap3A_452 = arith.constant 0 : index
        %swap3A_453 = tpu.vector_load %arg15[%swap3A_451, %swap3A_452] {strides = array<i32>} : memref<128x128xf32, #tpu.memory_space<vmem>>, vector<16xf32>,
        tpu.vector_store %arg15[%swap3A_451, %swap3A_452], %mul3A_450 {strides = array<i32>} : memref<128x128xf32, #tpu.memory_space<vmem>>, vector<16xf32>,
        %get3A_454 = arith.index_cast %add3A_446 : i32 to index
        %get3A_455 = arith.constant 16 : index
        %get3A_456 = tpu.vector_load %arg15[%get3A_454, %get3A_455] {strides = array<i32>} : memref<128x128xf32, #tpu.memory_space<vmem>>, vector<16xf32>,
        %mul3A_457 = arith.mulf %get3A_456, %gather3A_442 : vector<16xf32>
        %swap3A_458 = arith.index_cast %add3A_446 : i32 to index
        %swap3A_459 = arith.constant 16 : index
        %swap3A_460 = tpu.vector_load %arg15[%swap3A_458, %swap3A_459] {strides = array<i32>} : memref<128x128xf32, #tpu.memory_space<vmem>>, vector<16xf32>,
        tpu.vector_store %arg15[%swap3A_458, %swap3A_459], %mul3A_457 {strides = array<i32>} : memref<128x128xf32, #tpu.memory_space<vmem>>, vector<16xf32>,
        %get3A_461 = arith.index_cast %add3A_446 : i32 to index
        %get3A_462 = arith.constant 32 : index
        %get3A_463 = tpu.vector_load %arg15[%get3A_461, %get3A_462] {strides = array<i32>} : memref<128x128xf32, #tpu.memory_space<vmem>>, vector<16xf32>,
        %mul3A_464 = arith.mulf %get3A_463, %gather3A_442 : vector<16xf32>
        %swap3A_465 = arith.index_cast %add3A_446 : i32 to index
        %swap3A_466 = arith.constant 32 : index
        %swap3A_467 = tpu.vector_load %arg15[%swap3A_465, %swap3A_466] {strides = array<i32>} : memref<128x128xf32, #tpu.memory_space<vmem>>, vector<16xf32>,
        tpu.vector_store %arg15[%swap3A_465, %swap3A_466], %mul3A_464 {strides = array<i32>} : memref<128x128xf32, #tpu.memory_space<vmem>>, vector<16xf32>,
        %get3A_468 = arith.index_cast %add3A_446 : i32 to index
        %get3A_469 = arith.constant 48 : index
        %get3A_470 = tpu.vector_load %arg15[%get3A_468, %get3A_469] {strides = array<i32>} : memref<128x128xf32, #tpu.memory_space<vmem>>, vector<16xf32>,
        %mul3A_471 = arith.mulf %get3A_470, %gather3A_442 : vector<16xf32>
        %swap3A_472 = arith.index_cast %add3A_446 : i32 to index
        %swap3A_473 = arith.constant 48 : index
        %swap3A_474 = tpu.vector_load %arg15[%swap3A_472, %swap3A_473] {strides = array<i32>} : memref<128x128xf32, #tpu.memory_space<vmem>>, vector<16xf32>,
        tpu.vector_store %arg15[%swap3A_472, %swap3A_473], %mul3A_471 {strides = array<i32>} : memref<128x128xf32, #tpu.memory_space<vmem>>, vector<16xf32>,
        %get3A_475 = arith.index_cast %add3A_446 : i32 to index
        %get3A_476 = arith.constant 64 : index
        %get3A_477 = tpu.vector_load %arg15[%get3A_475, %get3A_476] {strides = array<i32>} : memref<128x128xf32, #tpu.memory_space<vmem>>, vector<16xf32>,
        %mul3A_478 = arith.mulf %get3A_477, %gather3A_442 : vector<16xf32>
        %swap3A_479 = arith.index_cast %add3A_446 : i32 to index
        %swap3A_480 = arith.constant 64 : index
        %swap3A_481 = tpu.vector_load %arg15[%swap3A_479, %swap3A_480] {strides = array<i32>} : memref<128x128xf32, #tpu.memory_space<vmem>>, vector<16xf32>,
        tpu.vector_store %arg15[%swap3A_479, %swap3A_480], %mul3A_478 {strides = array<i32>} : memref<128x128xf32, #tpu.memory_space<vmem>>, vector<16xf32>,
        %get3A_482 = arith.index_cast %add3A_446 : i32 to index
        %get3A_483 = arith.constant 80 : index
        %get3A_484 = tpu.vector_load %arg15[%get3A_482, %get3A_483] {strides = array<i32>} : memref<128x128xf32, #tpu.memory_space<vmem>>, vector<16xf32>,
        %mul3A_485 = arith.mulf %get3A_484, %gather3A_442 : vector<16xf32>
        %swap3A_486 = arith.index_cast %add3A_446 : i32 to index
        %swap3A_487 = arith.constant 80 : index
        %swap3A_488 = tpu.vector_load %arg15[%swap3A_486, %swap3A_487] {strides = array<i32>} : memref<128x128xf32, #tpu.memory_space<vmem>>, vector<16xf32>,
        tpu.vector_store %arg15[%swap3A_486, %swap3A_487], %mul3A_485 {strides = array<i32>} : memref<128x128xf32, #tpu.memory_space<vmem>>, vector<16xf32>,
        %get3A_489 = arith.index_cast %add3A_446 : i32 to index
        %get3A_490 = arith.constant 96 : index
        %get3A_491 = tpu.vector_load %arg15[%get3A_489, %get3A_490] {strides = array<i32>} : memref<128x128xf32, #tpu.memory_space<vmem>>, vector<16xf32>,
        %mul3A_492 = arith.mulf %get3A_491, %gather3A_442 : vector<16xf32>
        %swap3A_493 = arith.index_cast %add3A_446 : i32 to index
        %swap3A_494 = arith.constant 96 : index
        %swap3A_495 = tpu.vector_load %arg15[%swap3A_493, %swap3A_494] {strides = array<i32>} : memref<128x128xf32, #tpu.memory_space<vmem>>, vector<16xf32>,
        tpu.vector_store %arg15[%swap3A_493, %swap3A_494], %mul3A_492 {strides = array<i32>} : memref<128x128xf32, #tpu.memory_space<vmem>>, vector<16xf32>,
        %get3A_496 = arith.index_cast %add3A_446 : i32 to index
        %get3A_497 = arith.constant 112 : index
        %get3A_498 = tpu.vector_load %arg15[%get3A_496, %get3A_497] {strides = array<i32>} : memref<128x128xf32, #tpu.memory_space<vmem>>, vector<16xf32>,
        %mul3A_499 = arith.mulf %get3A_498, %gather3A_442 : vector<16xf32>
        %swap3A_500 = arith.index_cast %add3A_446 : i32 to index
        %swap3A_501 = arith.constant 112 : index
        %swap3A_502 = tpu.vector_load %arg15[%swap3A_500, %swap3A_501] {strides = array<i32>} : memref<128x128xf32, #tpu.memory_space<vmem>>, vector<16xf32>,
        tpu.vector_store %arg15[%swap3A_500, %swap3A_501], %mul3A_499 {strides = array<i32>} : memref<128x128xf32, #tpu.memory_space<vmem>>, vector<16xf32>,
        %add3A_503 = arith.constant 3 : i32
        %add3A_504 = vector.broadcast %add3A_503 : i32 to vector<16xi32>
        %add3A_505 = arith.addi %broadcast_in_dim3A, %add3A_504 : vector<16xi32>
        %gather3A_506 = tpu.vector_load_idx %arg12[%add3A_505] : memref<128xf32, #tpu.memory_space<vmem>>[vector<16xi32>], vector<16xf32>,
        %mul3A_507 = arith.constant 4 : i32
        %mul3A_508 = arith.muli %scan3A_308, %mul3A_507 : i32
        %add3A_509 = arith.constant 3 : i32
        %add3A_510 = arith.addi %mul3A_508, %add3A_509 : i32
        %get3A_511 = arith.index_cast %add3A_510 : i32 to index
        %get3A_512 = arith.constant 0 : index
        %get3A_513 = tpu.vector_load %arg15[%get3A_511, %get3A_512] {strides = array<i32>} : memref<128x128xf32, #tpu.memory_space<vmem>>, vector<16xf32>,
        %mul3A_514 = arith.mulf %get3A_513, %gather3A_506 : vector<16xf32>
        %swap3A_515 = arith.index_cast %add3A_510 : i32 to index
        %swap3A_516 = arith.constant 0 : index
        %swap3A_517 = tpu.vector_load %arg15[%swap3A_515, %swap3A_516] {strides = array<i32>} : memref<128x128xf32, #tpu.memory_space<vmem>>, vector<16xf32>,
        tpu.vector_store %arg15[%swap3A_515, %swap3A_516], %mul3A_514 {strides = array<i32>} : memref<128x128xf32, #tpu.memory_space<vmem>>, vector<16xf32>,
        %get3A_518 = arith.index_cast %add3A_510 : i32 to index
        %get3A_519 = arith.constant 16 : index
        %get3A_520 = tpu.vector_load %arg15[%get3A_518, %get3A_519] {strides = array<i32>} : memref<128x128xf32, #tpu.memory_space<vmem>>, vector<16xf32>,
        %mul3A_521 = arith.mulf %get3A_520, %gather3A_506 : vector<16xf32>
        %swap3A_522 = arith.index_cast %add3A_510 : i32 to index
        %swap3A_523 = arith.constant 16 : index
        %swap3A_524 = tpu.vector_load %arg15[%swap3A_522, %swap3A_523] {strides = array<i32>} : memref<128x128xf32, #tpu.memory_space<vmem>>, vector<16xf32>,
        tpu.vector_store %arg15[%swap3A_522, %swap3A_523], %mul3A_521 {strides = array<i32>} : memref<128x128xf32, #tpu.memory_space<vmem>>, vector<16xf32>,
        %get3A_525 = arith.index_cast %add3A_510 : i32 to index
        %get3A_526 = arith.constant 32 : index
        %get3A_527 = tpu.vector_load %arg15[%get3A_525, %get3A_526] {strides = array<i32>} : memref<128x128xf32, #tpu.memory_space<vmem>>, vector<16xf32>,
        %mul3A_528 = arith.mulf %get3A_527, %gather3A_506 : vector<16xf32>
        %swap3A_529 = arith.index_cast %add3A_510 : i32 to index
        %swap3A_530 = arith.constant 32 : index
        %swap3A_531 = tpu.vector_load %arg15[%swap3A_529, %swap3A_530] {strides = array<i32>} : memref<128x128xf32, #tpu.memory_space<vmem>>, vector<16xf32>,
        tpu.vector_store %arg15[%swap3A_529, %swap3A_530], %mul3A_528 {strides = array<i32>} : memref<128x128xf32, #tpu.memory_space<vmem>>, vector<16xf32>,
        %get3A_532 = arith.index_cast %add3A_510 : i32 to index
        %get3A_533 = arith.constant 48 : index
        %get3A_534 = tpu.vector_load %arg15[%get3A_532, %get3A_533] {strides = array<i32>} : memref<128x128xf32, #tpu.memory_space<vmem>>, vector<16xf32>,
        %mul3A_535 = arith.mulf %get3A_534, %gather3A_506 : vector<16xf32>
        %swap3A_536 = arith.index_cast %add3A_510 : i32 to index
        %swap3A_537 = arith.constant 48 : index
        %swap3A_538 = tpu.vector_load %arg15[%swap3A_536, %swap3A_537] {strides = array<i32>} : memref<128x128xf32, #tpu.memory_space<vmem>>, vector<16xf32>,
        tpu.vector_store %arg15[%swap3A_536, %swap3A_537], %mul3A_535 {strides = array<i32>} : memref<128x128xf32, #tpu.memory_space<vmem>>, vector<16xf32>,
        %get3A_539 = arith.index_cast %add3A_510 : i32 to index
        %get3A_540 = arith.constant 64 : index
        %get3A_541 = tpu.vector_load %arg15[%get3A_539, %get3A_540] {strides = array<i32>} : memref<128x128xf32, #tpu.memory_space<vmem>>, vector<16xf32>,
        %mul3A_542 = arith.mulf %get3A_541, %gather3A_506 : vector<16xf32>
        %swap3A_543 = arith.index_cast %add3A_510 : i32 to index
        %swap3A_544 = arith.constant 64 : index
        %swap3A_545 = tpu.vector_load %arg15[%swap3A_543, %swap3A_544] {strides = array<i32>} : memref<128x128xf32, #tpu.memory_space<vmem>>, vector<16xf32>,
        tpu.vector_store %arg15[%swap3A_543, %swap3A_544], %mul3A_542 {strides = array<i32>} : memref<128x128xf32, #tpu.memory_space<vmem>>, vector<16xf32>,
        %get3A_546 = arith.index_cast %add3A_510 : i32 to index
        %get3A_547 = arith.constant 80 : index
        %get3A_548 = tpu.vector_load %arg15[%get3A_546, %get3A_547] {strides = array<i32>} : memref<128x128xf32, #tpu.memory_space<vmem>>, vector<16xf32>,
        %mul3A_549 = arith.mulf %get3A_548, %gather3A_506 : vector<16xf32>
        %swap3A_550 = arith.index_cast %add3A_510 : i32 to index
        %swap3A_551 = arith.constant 80 : index
        %swap3A_552 = tpu.vector_load %arg15[%swap3A_550, %swap3A_551] {strides = array<i32>} : memref<128x128xf32, #tpu.memory_space<vmem>>, vector<16xf32>,
        tpu.vector_store %arg15[%swap3A_550, %swap3A_551], %mul3A_549 {strides = array<i32>} : memref<128x128xf32, #tpu.memory_space<vmem>>, vector<16xf32>,
        %get3A_553 = arith.index_cast %add3A_510 : i32 to index
        %get3A_554 = arith.constant 96 : index
        %get3A_555 = tpu.vector_load %arg15[%get3A_553, %get3A_554] {strides = array<i32>} : memref<128x128xf32, #tpu.memory_space<vmem>>, vector<16xf32>,
        %mul3A_556 = arith.mulf %get3A_555, %gather3A_506 : vector<16xf32>
        %swap3A_557 = arith.index_cast %add3A_510 : i32 to index
        %swap3A_558 = arith.constant 96 : index
        %swap3A_559 = tpu.vector_load %arg15[%swap3A_557, %swap3A_558] {strides = array<i32>} : memref<128x128xf32, #tpu.memory_space<vmem>>, vector<16xf32>,
        tpu.vector_store %arg15[%swap3A_557, %swap3A_558], %mul3A_556 {strides = array<i32>} : memref<128x128xf32, #tpu.memory_space<vmem>>, vector<16xf32>,
        %get3A_560 = arith.index_cast %add3A_510 : i32 to index
        %get3A_561 = arith.constant 112 : index
        %get3A_562 = tpu.vector_load %arg15[%get3A_560, %get3A_561] {strides = array<i32>} : memref<128x128xf32, #tpu.memory_space<vmem>>, vector<16xf32>,
        %mul3A_563 = arith.mulf %get3A_562, %gather3A_506 : vector<16xf32>
        %swap3A_564 = arith.index_cast %add3A_510 : i32 to index
        %swap3A_565 = arith.constant 112 : index
        %swap3A_566 = tpu.vector_load %arg15[%swap3A_564, %swap3A_565] {strides = array<i32>} : memref<128x128xf32, #tpu.memory_space<vmem>>, vector<16xf32>,
        tpu.vector_store %arg15[%swap3A_564, %swap3A_565], %mul3A_563 {strides = array<i32>} : memref<128x128xf32, #tpu.memory_space<vmem>>, vector<16xf32>,
      }
      %scan3A_190 = arith.constant 32 : i32
      "tpu.region"() ({
        %run_scoped3A = tpu.sem_alloc : memref<!tpu.dma_semaphore, #tpu.memory_space<semaphore_mem>>
        %dma_start3A_308 = arith.constant 0 : i32
        %dma_start3A_309 = arith.constant 0 : i32
        %dma_start3A_310 = tpu.memref_slice %arg17[%dma_start3A_308, %dma_start3A_309] : memref<10112x128xf32, #tpu.memory_space<vmem_shared>> -> memref<10112x128xf32, #tpu.memory_space<vmem_shared>>
        tpu.enqueue_indirect_dma source(%arg15 : memref<128x128xf32, #tpu.memory_space<vmem>>) target(%dma_start3A_310 : memref<10112x128xf32, #tpu.memory_space<vmem_shared>>) offsets(%arg10 : memref<128xi32, #tpu.memory_space<vmem>>) semaphore(%run_scoped3A : memref<!tpu.dma_semaphore, #tpu.memory_space<semaphore_mem>>) {add = true}
        %dma_wait3A_311 = arith.constant 0 : i32
        %dma_wait3A_312 = arith.constant 0 : i32
        %dma_wait3A_313 = tpu.memref_slice %arg17[%dma_wait3A_311, %dma_wait3A_312] : memref<10112x128xf32, #tpu.memory_space<vmem_shared>> -> memref<10112x128xf32, #tpu.memory_space<vmem_shared>>
        tpu.wait_indirect_dma semaphore(%run_scoped3A : memref<!tpu.dma_semaphore, #tpu.memory_space<semaphore_mem>>) src(%arg15 : memref<128x128xf32, #tpu.memory_space<vmem>>) dst(%dma_wait3A_313 : memref<10112x128xf32, #tpu.memory_space<vmem_shared>>)
        tpu.yield
      }) : () -> ()
      %add3A_191 = arith.constant 2 : i32
      %add3A_192 = arith.addi %mul3A_84, %add3A_191 : i32
      %lt3A = arith.constant 80 : i32
      %lt3A_193 = arith.cmpi slt, %add3A_192, %lt3A : i32
      %convert_element_type3A = arith.extui %lt3A_193 : i1 to i32
      %cond3A = arith.constant 0 : i32
      %cond3A_194 = arith.cmpi ne, %convert_element_type3A, %cond3A : i32
      scf.if %cond3A_194 {
        %add3A_308 = arith.constant 2 : i32
        %add3A_309 = arith.addi %mul3A_84, %add3A_308 : i32
        %mul3A_310 = arith.constant 128 : i32
        %mul3A_311 = arith.muli %add3A_309, %mul3A_310 : i32
        %add3A_312 = arith.addi %mul3A_2, %mul3A_311 : i32
        %dma_start3A_313 = tpu.memref_slice %arg4[%add3A_312] : memref<327680xi32, #tpu.memory_space<hbm>> -> memref<128xi32, #tpu.memory_space<hbm>>
        %dma_start3A_314 = tpu.memref_slice %arg4[%add3A_312] : memref<327680xi32, #tpu.memory_space<hbm>> -> memref<128xi32, #tpu.memory_space<hbm>>
        tpu.enqueue_dma source(%dma_start3A_314 : memref<128xi32, #tpu.memory_space<hbm>>) target(%arg8 : memref<128xi32, #tpu.memory_space<vmem>>) target_semaphore(%arg18 : memref<!tpu.dma_semaphore, #tpu.memory_space<semaphore_mem>>)
        %dma_start3A_315 = tpu.memref_slice %arg5[%add3A_312] : memref<327680xi32, #tpu.memory_space<hbm>> -> memref<128xi32, #tpu.memory_space<hbm>>
        %dma_start3A_316 = tpu.memref_slice %arg5[%add3A_312] : memref<327680xi32, #tpu.memory_space<hbm>> -> memref<128xi32, #tpu.memory_space<hbm>>
        tpu.enqueue_dma source(%dma_start3A_316 : memref<128xi32, #tpu.memory_space<hbm>>) target(%arg10 : memref<128xi32, #tpu.memory_space<vmem>>) target_semaphore(%arg20 : memref<!tpu.dma_semaphore, #tpu.memory_space<semaphore_mem>>)
        %dma_start3A_317 = tpu.memref_slice %arg3[%add3A_312] : memref<327680xf32, #tpu.memory_space<hbm>> -> memref<128xf32, #tpu.memory_space<hbm>>
        %dma_start3A_318 = tpu.memref_slice %arg3[%add3A_312] : memref<327680xf32, #tpu.memory_space<hbm>> -> memref<128xf32, #tpu.memory_space<hbm>>
        tpu.enqueue_dma source(%dma_start3A_318 : memref<128xf32, #tpu.memory_space<hbm>>) target(%arg12 : memref<128xf32, #tpu.memory_space<vmem>>) target_semaphore(%arg22 : memref<!tpu.dma_semaphore, #tpu.memory_space<semaphore_mem>>)
      } else {
      }
      %add3A_195 = arith.constant 2 : i32
      %add3A_196 = arith.addi %mul3A_84, %add3A_195 : i32
      %lt3A_197 = arith.constant 80 : i32
      %lt3A_198 = arith.cmpi slt, %add3A_196, %lt3A_197 : i32
      %convert_element_type3A_199 = arith.extui %lt3A_198 : i1 to i32
      %cond3A_200 = arith.constant 0 : i32
      %cond3A_201 = arith.cmpi ne, %convert_element_type3A_199, %cond3A_200 : i32
      scf.if %cond3A_201 {
        %add3A_308 = arith.constant 2 : i32
        %add3A_309 = arith.addi %mul3A_84, %add3A_308 : i32
        %mul3A_310 = arith.constant 128 : i32
        %mul3A_311 = arith.muli %add3A_309, %mul3A_310 : i32
        %add3A_312 = arith.addi %mul3A_2, %mul3A_311 : i32
        %dma_wait3A_313 = tpu.memref_slice %arg4[%add3A_312] : memref<327680xi32, #tpu.memory_space<hbm>> -> memref<128xi32, #tpu.memory_space<hbm>>
        %dma_wait3A_314 = tpu.memref_slice %arg4[%add3A_312] : memref<327680xi32, #tpu.memory_space<hbm>> -> memref<128xi32, #tpu.memory_space<hbm>>
        tpu.wait_dma2 semaphore(%arg18 : memref<!tpu.dma_semaphore, #tpu.memory_space<semaphore_mem>>) src(%dma_wait3A_314 : memref<128xi32, #tpu.memory_space<hbm>>) dst(%arg8 : memref<128xi32, #tpu.memory_space<vmem>>)
        %dma_wait3A_315 = tpu.memref_slice %arg5[%add3A_312] : memref<327680xi32, #tpu.memory_space<hbm>> -> memref<128xi32, #tpu.memory_space<hbm>>
        %dma_wait3A_316 = tpu.memref_slice %arg5[%add3A_312] : memref<327680xi32, #tpu.memory_space<hbm>> -> memref<128xi32, #tpu.memory_space<hbm>>
        tpu.wait_dma2 semaphore(%arg20 : memref<!tpu.dma_semaphore, #tpu.memory_space<semaphore_mem>>) src(%dma_wait3A_316 : memref<128xi32, #tpu.memory_space<hbm>>) dst(%arg10 : memref<128xi32, #tpu.memory_space<vmem>>)
        %dma_wait3A_317 = tpu.memref_slice %arg3[%add3A_312] : memref<327680xf32, #tpu.memory_space<hbm>> -> memref<128xf32, #tpu.memory_space<hbm>>
        %dma_wait3A_318 = tpu.memref_slice %arg3[%add3A_312] : memref<327680xf32, #tpu.memory_space<hbm>> -> memref<128xf32, #tpu.memory_space<hbm>>
        tpu.wait_dma2 semaphore(%arg22 : memref<!tpu.dma_semaphore, #tpu.memory_space<semaphore_mem>>) src(%dma_wait3A_318 : memref<128xf32, #tpu.memory_space<hbm>>) dst(%arg12 : memref<128xf32, #tpu.memory_space<vmem>>)
        %dma_start3A_319 = arith.constant 0 : i32
        %dma_start3A_320 = arith.constant 0 : i32
        %dma_start3A_321 = tpu.memref_slice %arg2[%dma_start3A_319, %dma_start3A_320] : memref<10000x128xf32, #tpu.memory_space<hbm>> -> memref<10000x128xf32, #tpu.memory_space<hbm>>
        tpu.enqueue_indirect_dma source(%dma_start3A_321 : memref<10000x128xf32, #tpu.memory_space<hbm>>) target(%arg15 : memref<128x128xf32, #tpu.memory_space<vmem>>) offsets(%arg8 : memref<128xi32, #tpu.memory_space<vmem>>) semaphore(%arg24 : memref<!tpu.dma_semaphore, #tpu.memory_space<semaphore_mem>>)
      } else {
      }
      %add3A_202 = arith.constant 1 : i32
      %add3A_203 = arith.addi %mul3A_84, %add3A_202 : i32
      %dma_wait3A_204 = arith.constant 0 : i32
      %dma_wait3A_205 = arith.constant 0 : i32
      %dma_wait3A_206 = tpu.memref_slice %arg2[%dma_wait3A_204, %dma_wait3A_205] : memref<10000x128xf32, #tpu.memory_space<hbm>> -> memref<10000x128xf32, #tpu.memory_space<hbm>>
      tpu.wait_indirect_dma semaphore(%arg25 : memref<!tpu.dma_semaphore, #tpu.memory_space<semaphore_mem>>) src(%dma_wait3A_206 : memref<10000x128xf32, #tpu.memory_space<hbm>>) dst(%arg16 : memref<128x128xf32, #tpu.memory_space<vmem>>)
      %get3A_207 = arith.constant 0 : index
      %get3A_208 = tpu.vector_load %arg11[%get3A_207] {strides = array<i32>} : memref<128xi32, #tpu.memory_space<vmem>>, vector<16xi32>,
      %gather3A_209 = tpu.vector_load_idx %arg14[%get3A_208] : memref<10112xf32, #tpu.memory_space<vmem>>[vector<16xi32>], vector<16xf32>,
      %get3A_210 = arith.constant 0 : index
      %get3A_211 = tpu.vector_load %arg13[%get3A_210] {strides = array<i32>} : memref<128xf32, #tpu.memory_space<vmem>>, vector<16xf32>,
      %max3A_212 = arith.constant 1.000000e-16 : f32
      %max3A_213 = vector.broadcast %max3A_212 : f32 to vector<16xf32>
      %max3A_214 = arith.maximumf %gather3A_209, %max3A_213 : vector<16xf32>
      %div3A_215 = arith.divf %get3A_211, %max3A_214 : vector<16xf32>
      %swap3A_216 = arith.constant 0 : index
      %swap3A_217 = tpu.vector_load %arg13[%swap3A_216] {strides = array<i32>} : memref<128xf32, #tpu.memory_space<vmem>>, vector<16xf32>,
      tpu.vector_store %arg13[%swap3A_216], %div3A_215 {strides = array<i32>} : memref<128xf32, #tpu.memory_space<vmem>>, vector<16xf32>,
      %get3A_218 = arith.constant 16 : index
      %get3A_219 = tpu.vector_load %arg11[%get3A_218] {strides = array<i32>} : memref<128xi32, #tpu.memory_space<vmem>>, vector<16xi32>,
      %gather3A_220 = tpu.vector_load_idx %arg14[%get3A_219] : memref<10112xf32, #tpu.memory_space<vmem>>[vector<16xi32>], vector<16xf32>,
      %get3A_221 = arith.constant 16 : index
      %get3A_222 = tpu.vector_load %arg13[%get3A_221] {strides = array<i32>} : memref<128xf32, #tpu.memory_space<vmem>>, vector<16xf32>,
      %max3A_223 = arith.constant 1.000000e-16 : f32
      %max3A_224 = vector.broadcast %max3A_223 : f32 to vector<16xf32>
      %max3A_225 = arith.maximumf %gather3A_220, %max3A_224 : vector<16xf32>
      %div3A_226 = arith.divf %get3A_222, %max3A_225 : vector<16xf32>
      %swap3A_227 = arith.constant 16 : index
      %swap3A_228 = tpu.vector_load %arg13[%swap3A_227] {strides = array<i32>} : memref<128xf32, #tpu.memory_space<vmem>>, vector<16xf32>,
      tpu.vector_store %arg13[%swap3A_227], %div3A_226 {strides = array<i32>} : memref<128xf32, #tpu.memory_space<vmem>>, vector<16xf32>,
      %get3A_229 = arith.constant 32 : index
      %get3A_230 = tpu.vector_load %arg11[%get3A_229] {strides = array<i32>} : memref<128xi32, #tpu.memory_space<vmem>>, vector<16xi32>,
      %gather3A_231 = tpu.vector_load_idx %arg14[%get3A_230] : memref<10112xf32, #tpu.memory_space<vmem>>[vector<16xi32>], vector<16xf32>,
      %get3A_232 = arith.constant 32 : index
      %get3A_233 = tpu.vector_load %arg13[%get3A_232] {strides = array<i32>} : memref<128xf32, #tpu.memory_space<vmem>>, vector<16xf32>,
      %max3A_234 = arith.constant 1.000000e-16 : f32
      %max3A_235 = vector.broadcast %max3A_234 : f32 to vector<16xf32>
      %max3A_236 = arith.maximumf %gather3A_231, %max3A_235 : vector<16xf32>
      %div3A_237 = arith.divf %get3A_233, %max3A_236 : vector<16xf32>
      %swap3A_238 = arith.constant 32 : index
      %swap3A_239 = tpu.vector_load %arg13[%swap3A_238] {strides = array<i32>} : memref<128xf32, #tpu.memory_space<vmem>>, vector<16xf32>,
      tpu.vector_store %arg13[%swap3A_238], %div3A_237 {strides = array<i32>} : memref<128xf32, #tpu.memory_space<vmem>>, vector<16xf32>,
      %get3A_240 = arith.constant 48 : index
      %get3A_241 = tpu.vector_load %arg11[%get3A_240] {strides = array<i32>} : memref<128xi32, #tpu.memory_space<vmem>>, vector<16xi32>,
      %gather3A_242 = tpu.vector_load_idx %arg14[%get3A_241] : memref<10112xf32, #tpu.memory_space<vmem>>[vector<16xi32>], vector<16xf32>,
      %get3A_243 = arith.constant 48 : index
      %get3A_244 = tpu.vector_load %arg13[%get3A_243] {strides = array<i32>} : memref<128xf32, #tpu.memory_space<vmem>>, vector<16xf32>,
      %max3A_245 = arith.constant 1.000000e-16 : f32
      %max3A_246 = vector.broadcast %max3A_245 : f32 to vector<16xf32>
      %max3A_247 = arith.maximumf %gather3A_242, %max3A_246 : vector<16xf32>
      %div3A_248 = arith.divf %get3A_244, %max3A_247 : vector<16xf32>
      %swap3A_249 = arith.constant 48 : index
      %swap3A_250 = tpu.vector_load %arg13[%swap3A_249] {strides = array<i32>} : memref<128xf32, #tpu.memory_space<vmem>>, vector<16xf32>,
      tpu.vector_store %arg13[%swap3A_249], %div3A_248 {strides = array<i32>} : memref<128xf32, #tpu.memory_space<vmem>>, vector<16xf32>,
      %get3A_251 = arith.constant 64 : index
      %get3A_252 = tpu.vector_load %arg11[%get3A_251] {strides = array<i32>} : memref<128xi32, #tpu.memory_space<vmem>>, vector<16xi32>,
      %gather3A_253 = tpu.vector_load_idx %arg14[%get3A_252] : memref<10112xf32, #tpu.memory_space<vmem>>[vector<16xi32>], vector<16xf32>,
      %get3A_254 = arith.constant 64 : index
      %get3A_255 = tpu.vector_load %arg13[%get3A_254] {strides = array<i32>} : memref<128xf32, #tpu.memory_space<vmem>>, vector<16xf32>,
      %max3A_256 = arith.constant 1.000000e-16 : f32
      %max3A_257 = vector.broadcast %max3A_256 : f32 to vector<16xf32>
      %max3A_258 = arith.maximumf %gather3A_253, %max3A_257 : vector<16xf32>
      %div3A_259 = arith.divf %get3A_255, %max3A_258 : vector<16xf32>
      %swap3A_260 = arith.constant 64 : index
      %swap3A_261 = tpu.vector_load %arg13[%swap3A_260] {strides = array<i32>} : memref<128xf32, #tpu.memory_space<vmem>>, vector<16xf32>,
      tpu.vector_store %arg13[%swap3A_260], %div3A_259 {strides = array<i32>} : memref<128xf32, #tpu.memory_space<vmem>>, vector<16xf32>,
      %get3A_262 = arith.constant 80 : index
      %get3A_263 = tpu.vector_load %arg11[%get3A_262] {strides = array<i32>} : memref<128xi32, #tpu.memory_space<vmem>>, vector<16xi32>,
      %gather3A_264 = tpu.vector_load_idx %arg14[%get3A_263] : memref<10112xf32, #tpu.memory_space<vmem>>[vector<16xi32>], vector<16xf32>,
      %get3A_265 = arith.constant 80 : index
      %get3A_266 = tpu.vector_load %arg13[%get3A_265] {strides = array<i32>} : memref<128xf32, #tpu.memory_space<vmem>>, vector<16xf32>,
      %max3A_267 = arith.constant 1.000000e-16 : f32
      %max3A_268 = vector.broadcast %max3A_267 : f32 to vector<16xf32>
      %max3A_269 = arith.maximumf %gather3A_264, %max3A_268 : vector<16xf32>
      %div3A_270 = arith.divf %get3A_266, %max3A_269 : vector<16xf32>
      %swap3A_271 = arith.constant 80 : index
      %swap3A_272 = tpu.vector_load %arg13[%swap3A_271] {strides = array<i32>} : memref<128xf32, #tpu.memory_space<vmem>>, vector<16xf32>,
      tpu.vector_store %arg13[%swap3A_271], %div3A_270 {strides = array<i32>} : memref<128xf32, #tpu.memory_space<vmem>>, vector<16xf32>,
      %get3A_273 = arith.constant 96 : index
      %get3A_274 = tpu.vector_load %arg11[%get3A_273] {strides = array<i32>} : memref<128xi32, #tpu.memory_space<vmem>>, vector<16xi32>,
      %gather3A_275 = tpu.vector_load_idx %arg14[%get3A_274] : memref<10112xf32, #tpu.memory_space<vmem>>[vector<16xi32>], vector<16xf32>,
      %get3A_276 = arith.constant 96 : index
      %get3A_277 = tpu.vector_load %arg13[%get3A_276] {strides = array<i32>} : memref<128xf32, #tpu.memory_space<vmem>>, vector<16xf32>,
      %max3A_278 = arith.constant 1.000000e-16 : f32
      %max3A_279 = vector.broadcast %max3A_278 : f32 to vector<16xf32>
      %max3A_280 = arith.maximumf %gather3A_275, %max3A_279 : vector<16xf32>
      %div3A_281 = arith.divf %get3A_277, %max3A_280 : vector<16xf32>
      %swap3A_282 = arith.constant 96 : index
      %swap3A_283 = tpu.vector_load %arg13[%swap3A_282] {strides = array<i32>} : memref<128xf32, #tpu.memory_space<vmem>>, vector<16xf32>,
      tpu.vector_store %arg13[%swap3A_282], %div3A_281 {strides = array<i32>} : memref<128xf32, #tpu.memory_space<vmem>>, vector<16xf32>,
      %get3A_284 = arith.constant 112 : index
      %get3A_285 = tpu.vector_load %arg11[%get3A_284] {strides = array<i32>} : memref<128xi32, #tpu.memory_space<vmem>>, vector<16xi32>,
      %gather3A_286 = tpu.vector_load_idx %arg14[%get3A_285] : memref<10112xf32, #tpu.memory_space<vmem>>[vector<16xi32>], vector<16xf32>,
      %get3A_287 = arith.constant 112 : index
      %get3A_288 = tpu.vector_load %arg13[%get3A_287] {strides = array<i32>} : memref<128xf32, #tpu.memory_space<vmem>>, vector<16xf32>,
      %max3A_289 = arith.constant 1.000000e-16 : f32
      %max3A_290 = vector.broadcast %max3A_289 : f32 to vector<16xf32>
      %max3A_291 = arith.maximumf %gather3A_286, %max3A_290 : vector<16xf32>
      %div3A_292 = arith.divf %get3A_288, %max3A_291 : vector<16xf32>
      %swap3A_293 = arith.constant 112 : index
      %swap3A_294 = tpu.vector_load %arg13[%swap3A_293] {strides = array<i32>} : memref<128xf32, #tpu.memory_space<vmem>>, vector<16xf32>,
      tpu.vector_store %arg13[%swap3A_293], %div3A_292 {strides = array<i32>} : memref<128xf32, #tpu.memory_space<vmem>>, vector<16xf32>,
      %scan3A_295 = arith.constant 0 : i32
      %scan3A_296 = arith.constant 0 : i32
      %scan3A_297 = arith.constant 32 : i32
      %scan3A_298 = arith.addi %scan3A_296, %scan3A_297 : i32
      %scan3A_299 = arith.constant 1 : i32
      scf.for %scan3A_308 = %scan3A_296 to %scan3A_298 step %scan3A_299  : i32 {
        %mul3A_309 = arith.constant 4 : i32
        %mul3A_310 = arith.muli %scan3A_308, %mul3A_309 : i32
        %broadcast_in_dim3A = vector.broadcast %mul3A_310 : i32 to vector<16xi32>
        %add3A_311 = arith.constant 0 : i32
        %add3A_312 = vector.broadcast %add3A_311 : i32 to vector<16xi32>
        %add3A_313 = arith.addi %broadcast_in_dim3A, %add3A_312 : vector<16xi32>
        %gather3A_314 = tpu.vector_load_idx %arg13[%add3A_313] : memref<128xf32, #tpu.memory_space<vmem>>[vector<16xi32>], vector<16xf32>,
        %mul3A_315 = arith.constant 4 : i32
        %mul3A_316 = arith.muli %scan3A_308, %mul3A_315 : i32
        %add3A_317 = arith.constant 0 : i32
        %add3A_318 = arith.addi %mul3A_316, %add3A_317 : i32
        %get3A_319 = arith.index_cast %add3A_318 : i32 to index
        %get3A_320 = arith.constant 0 : index
        %get3A_321 = tpu.vector_load %arg16[%get3A_319, %get3A_320] {strides = array<i32>} : memref<128x128xf32, #tpu.memory_space<vmem>>, vector<16xf32>,
        %mul3A_322 = arith.mulf %get3A_321, %gather3A_314 : vector<16xf32>
        %swap3A_323 = arith.index_cast %add3A_318 : i32 to index
        %swap3A_324 = arith.constant 0 : index
        %swap3A_325 = tpu.vector_load %arg16[%swap3A_323, %swap3A_324] {strides = array<i32>} : memref<128x128xf32, #tpu.memory_space<vmem>>, vector<16xf32>,
        tpu.vector_store %arg16[%swap3A_323, %swap3A_324], %mul3A_322 {strides = array<i32>} : memref<128x128xf32, #tpu.memory_space<vmem>>, vector<16xf32>,
        %get3A_326 = arith.index_cast %add3A_318 : i32 to index
        %get3A_327 = arith.constant 16 : index
        %get3A_328 = tpu.vector_load %arg16[%get3A_326, %get3A_327] {strides = array<i32>} : memref<128x128xf32, #tpu.memory_space<vmem>>, vector<16xf32>,
        %mul3A_329 = arith.mulf %get3A_328, %gather3A_314 : vector<16xf32>
        %swap3A_330 = arith.index_cast %add3A_318 : i32 to index
        %swap3A_331 = arith.constant 16 : index
        %swap3A_332 = tpu.vector_load %arg16[%swap3A_330, %swap3A_331] {strides = array<i32>} : memref<128x128xf32, #tpu.memory_space<vmem>>, vector<16xf32>,
        tpu.vector_store %arg16[%swap3A_330, %swap3A_331], %mul3A_329 {strides = array<i32>} : memref<128x128xf32, #tpu.memory_space<vmem>>, vector<16xf32>,
        %get3A_333 = arith.index_cast %add3A_318 : i32 to index
        %get3A_334 = arith.constant 32 : index
        %get3A_335 = tpu.vector_load %arg16[%get3A_333, %get3A_334] {strides = array<i32>} : memref<128x128xf32, #tpu.memory_space<vmem>>, vector<16xf32>,
        %mul3A_336 = arith.mulf %get3A_335, %gather3A_314 : vector<16xf32>
        %swap3A_337 = arith.index_cast %add3A_318 : i32 to index
        %swap3A_338 = arith.constant 32 : index
        %swap3A_339 = tpu.vector_load %arg16[%swap3A_337, %swap3A_338] {strides = array<i32>} : memref<128x128xf32, #tpu.memory_space<vmem>>, vector<16xf32>,
        tpu.vector_store %arg16[%swap3A_337, %swap3A_338], %mul3A_336 {strides = array<i32>} : memref<128x128xf32, #tpu.memory_space<vmem>>, vector<16xf32>,
        %get3A_340 = arith.index_cast %add3A_318 : i32 to index
        %get3A_341 = arith.constant 48 : index
        %get3A_342 = tpu.vector_load %arg16[%get3A_340, %get3A_341] {strides = array<i32>} : memref<128x128xf32, #tpu.memory_space<vmem>>, vector<16xf32>,
        %mul3A_343 = arith.mulf %get3A_342, %gather3A_314 : vector<16xf32>
        %swap3A_344 = arith.index_cast %add3A_318 : i32 to index
        %swap3A_345 = arith.constant 48 : index
        %swap3A_346 = tpu.vector_load %arg16[%swap3A_344, %swap3A_345] {strides = array<i32>} : memref<128x128xf32, #tpu.memory_space<vmem>>, vector<16xf32>,
        tpu.vector_store %arg16[%swap3A_344, %swap3A_345], %mul3A_343 {strides = array<i32>} : memref<128x128xf32, #tpu.memory_space<vmem>>, vector<16xf32>,
        %get3A_347 = arith.index_cast %add3A_318 : i32 to index
        %get3A_348 = arith.constant 64 : index
        %get3A_349 = tpu.vector_load %arg16[%get3A_347, %get3A_348] {strides = array<i32>} : memref<128x128xf32, #tpu.memory_space<vmem>>, vector<16xf32>,
        %mul3A_350 = arith.mulf %get3A_349, %gather3A_314 : vector<16xf32>
        %swap3A_351 = arith.index_cast %add3A_318 : i32 to index
        %swap3A_352 = arith.constant 64 : index
        %swap3A_353 = tpu.vector_load %arg16[%swap3A_351, %swap3A_352] {strides = array<i32>} : memref<128x128xf32, #tpu.memory_space<vmem>>, vector<16xf32>,
        tpu.vector_store %arg16[%swap3A_351, %swap3A_352], %mul3A_350 {strides = array<i32>} : memref<128x128xf32, #tpu.memory_space<vmem>>, vector<16xf32>,
        %get3A_354 = arith.index_cast %add3A_318 : i32 to index
        %get3A_355 = arith.constant 80 : index
        %get3A_356 = tpu.vector_load %arg16[%get3A_354, %get3A_355] {strides = array<i32>} : memref<128x128xf32, #tpu.memory_space<vmem>>, vector<16xf32>,
        %mul3A_357 = arith.mulf %get3A_356, %gather3A_314 : vector<16xf32>
        %swap3A_358 = arith.index_cast %add3A_318 : i32 to index
        %swap3A_359 = arith.constant 80 : index
        %swap3A_360 = tpu.vector_load %arg16[%swap3A_358, %swap3A_359] {strides = array<i32>} : memref<128x128xf32, #tpu.memory_space<vmem>>, vector<16xf32>,
        tpu.vector_store %arg16[%swap3A_358, %swap3A_359], %mul3A_357 {strides = array<i32>} : memref<128x128xf32, #tpu.memory_space<vmem>>, vector<16xf32>,
        %get3A_361 = arith.index_cast %add3A_318 : i32 to index
        %get3A_362 = arith.constant 96 : index
        %get3A_363 = tpu.vector_load %arg16[%get3A_361, %get3A_362] {strides = array<i32>} : memref<128x128xf32, #tpu.memory_space<vmem>>, vector<16xf32>,
        %mul3A_364 = arith.mulf %get3A_363, %gather3A_314 : vector<16xf32>
        %swap3A_365 = arith.index_cast %add3A_318 : i32 to index
        %swap3A_366 = arith.constant 96 : index
        %swap3A_367 = tpu.vector_load %arg16[%swap3A_365, %swap3A_366] {strides = array<i32>} : memref<128x128xf32, #tpu.memory_space<vmem>>, vector<16xf32>,
        tpu.vector_store %arg16[%swap3A_365, %swap3A_366], %mul3A_364 {strides = array<i32>} : memref<128x128xf32, #tpu.memory_space<vmem>>, vector<16xf32>,
        %get3A_368 = arith.index_cast %add3A_318 : i32 to index
        %get3A_369 = arith.constant 112 : index
        %get3A_370 = tpu.vector_load %arg16[%get3A_368, %get3A_369] {strides = array<i32>} : memref<128x128xf32, #tpu.memory_space<vmem>>, vector<16xf32>,
        %mul3A_371 = arith.mulf %get3A_370, %gather3A_314 : vector<16xf32>
        %swap3A_372 = arith.index_cast %add3A_318 : i32 to index
        %swap3A_373 = arith.constant 112 : index
        %swap3A_374 = tpu.vector_load %arg16[%swap3A_372, %swap3A_373] {strides = array<i32>} : memref<128x128xf32, #tpu.memory_space<vmem>>, vector<16xf32>,
        tpu.vector_store %arg16[%swap3A_372, %swap3A_373], %mul3A_371 {strides = array<i32>} : memref<128x128xf32, #tpu.memory_space<vmem>>, vector<16xf32>,
        %add3A_375 = arith.constant 1 : i32
        %add3A_376 = vector.broadcast %add3A_375 : i32 to vector<16xi32>
        %add3A_377 = arith.addi %broadcast_in_dim3A, %add3A_376 : vector<16xi32>
        %gather3A_378 = tpu.vector_load_idx %arg13[%add3A_377] : memref<128xf32, #tpu.memory_space<vmem>>[vector<16xi32>], vector<16xf32>,
        %mul3A_379 = arith.constant 4 : i32
        %mul3A_380 = arith.muli %scan3A_308, %mul3A_379 : i32
        %add3A_381 = arith.constant 1 : i32
        %add3A_382 = arith.addi %mul3A_380, %add3A_381 : i32
        %get3A_383 = arith.index_cast %add3A_382 : i32 to index
        %get3A_384 = arith.constant 0 : index
        %get3A_385 = tpu.vector_load %arg16[%get3A_383, %get3A_384] {strides = array<i32>} : memref<128x128xf32, #tpu.memory_space<vmem>>, vector<16xf32>,
        %mul3A_386 = arith.mulf %get3A_385, %gather3A_378 : vector<16xf32>
        %swap3A_387 = arith.index_cast %add3A_382 : i32 to index
        %swap3A_388 = arith.constant 0 : index
        %swap3A_389 = tpu.vector_load %arg16[%swap3A_387, %swap3A_388] {strides = array<i32>} : memref<128x128xf32, #tpu.memory_space<vmem>>, vector<16xf32>,
        tpu.vector_store %arg16[%swap3A_387, %swap3A_388], %mul3A_386 {strides = array<i32>} : memref<128x128xf32, #tpu.memory_space<vmem>>, vector<16xf32>,
        %get3A_390 = arith.index_cast %add3A_382 : i32 to index
        %get3A_391 = arith.constant 16 : index
        %get3A_392 = tpu.vector_load %arg16[%get3A_390, %get3A_391] {strides = array<i32>} : memref<128x128xf32, #tpu.memory_space<vmem>>, vector<16xf32>,
        %mul3A_393 = arith.mulf %get3A_392, %gather3A_378 : vector<16xf32>
        %swap3A_394 = arith.index_cast %add3A_382 : i32 to index
        %swap3A_395 = arith.constant 16 : index
        %swap3A_396 = tpu.vector_load %arg16[%swap3A_394, %swap3A_395] {strides = array<i32>} : memref<128x128xf32, #tpu.memory_space<vmem>>, vector<16xf32>,
        tpu.vector_store %arg16[%swap3A_394, %swap3A_395], %mul3A_393 {strides = array<i32>} : memref<128x128xf32, #tpu.memory_space<vmem>>, vector<16xf32>,
        %get3A_397 = arith.index_cast %add3A_382 : i32 to index
        %get3A_398 = arith.constant 32 : index
        %get3A_399 = tpu.vector_load %arg16[%get3A_397, %get3A_398] {strides = array<i32>} : memref<128x128xf32, #tpu.memory_space<vmem>>, vector<16xf32>,
        %mul3A_400 = arith.mulf %get3A_399, %gather3A_378 : vector<16xf32>
        %swap3A_401 = arith.index_cast %add3A_382 : i32 to index
        %swap3A_402 = arith.constant 32 : index
        %swap3A_403 = tpu.vector_load %arg16[%swap3A_401, %swap3A_402] {strides = array<i32>} : memref<128x128xf32, #tpu.memory_space<vmem>>, vector<16xf32>,
        tpu.vector_store %arg16[%swap3A_401, %swap3A_402], %mul3A_400 {strides = array<i32>} : memref<128x128xf32, #tpu.memory_space<vmem>>, vector<16xf32>,
        %get3A_404 = arith.index_cast %add3A_382 : i32 to index
        %get3A_405 = arith.constant 48 : index
        %get3A_406 = tpu.vector_load %arg16[%get3A_404, %get3A_405] {strides = array<i32>} : memref<128x128xf32, #tpu.memory_space<vmem>>, vector<16xf32>,
        %mul3A_407 = arith.mulf %get3A_406, %gather3A_378 : vector<16xf32>
        %swap3A_408 = arith.index_cast %add3A_382 : i32 to index
        %swap3A_409 = arith.constant 48 : index
        %swap3A_410 = tpu.vector_load %arg16[%swap3A_408, %swap3A_409] {strides = array<i32>} : memref<128x128xf32, #tpu.memory_space<vmem>>, vector<16xf32>,
        tpu.vector_store %arg16[%swap3A_408, %swap3A_409], %mul3A_407 {strides = array<i32>} : memref<128x128xf32, #tpu.memory_space<vmem>>, vector<16xf32>,
        %get3A_411 = arith.index_cast %add3A_382 : i32 to index
        %get3A_412 = arith.constant 64 : index
        %get3A_413 = tpu.vector_load %arg16[%get3A_411, %get3A_412] {strides = array<i32>} : memref<128x128xf32, #tpu.memory_space<vmem>>, vector<16xf32>,
        %mul3A_414 = arith.mulf %get3A_413, %gather3A_378 : vector<16xf32>
        %swap3A_415 = arith.index_cast %add3A_382 : i32 to index
        %swap3A_416 = arith.constant 64 : index
        %swap3A_417 = tpu.vector_load %arg16[%swap3A_415, %swap3A_416] {strides = array<i32>} : memref<128x128xf32, #tpu.memory_space<vmem>>, vector<16xf32>,
        tpu.vector_store %arg16[%swap3A_415, %swap3A_416], %mul3A_414 {strides = array<i32>} : memref<128x128xf32, #tpu.memory_space<vmem>>, vector<16xf32>,
        %get3A_418 = arith.index_cast %add3A_382 : i32 to index
        %get3A_419 = arith.constant 80 : index
        %get3A_420 = tpu.vector_load %arg16[%get3A_418, %get3A_419] {strides = array<i32>} : memref<128x128xf32, #tpu.memory_space<vmem>>, vector<16xf32>,
        %mul3A_421 = arith.mulf %get3A_420, %gather3A_378 : vector<16xf32>
        %swap3A_422 = arith.index_cast %add3A_382 : i32 to index
        %swap3A_423 = arith.constant 80 : index
        %swap3A_424 = tpu.vector_load %arg16[%swap3A_422, %swap3A_423] {strides = array<i32>} : memref<128x128xf32, #tpu.memory_space<vmem>>, vector<16xf32>,
        tpu.vector_store %arg16[%swap3A_422, %swap3A_423], %mul3A_421 {strides = array<i32>} : memref<128x128xf32, #tpu.memory_space<vmem>>, vector<16xf32>,
        %get3A_425 = arith.index_cast %add3A_382 : i32 to index
        %get3A_426 = arith.constant 96 : index
        %get3A_427 = tpu.vector_load %arg16[%get3A_425, %get3A_426] {strides = array<i32>} : memref<128x128xf32, #tpu.memory_space<vmem>>, vector<16xf32>,
        %mul3A_428 = arith.mulf %get3A_427, %gather3A_378 : vector<16xf32>
        %swap3A_429 = arith.index_cast %add3A_382 : i32 to index
        %swap3A_430 = arith.constant 96 : index
        %swap3A_431 = tpu.vector_load %arg16[%swap3A_429, %swap3A_430] {strides = array<i32>} : memref<128x128xf32, #tpu.memory_space<vmem>>, vector<16xf32>,
        tpu.vector_store %arg16[%swap3A_429, %swap3A_430], %mul3A_428 {strides = array<i32>} : memref<128x128xf32, #tpu.memory_space<vmem>>, vector<16xf32>,
        %get3A_432 = arith.index_cast %add3A_382 : i32 to index
        %get3A_433 = arith.constant 112 : index
        %get3A_434 = tpu.vector_load %arg16[%get3A_432, %get3A_433] {strides = array<i32>} : memref<128x128xf32, #tpu.memory_space<vmem>>, vector<16xf32>,
        %mul3A_435 = arith.mulf %get3A_434, %gather3A_378 : vector<16xf32>
        %swap3A_436 = arith.index_cast %add3A_382 : i32 to index
        %swap3A_437 = arith.constant 112 : index
        %swap3A_438 = tpu.vector_load %arg16[%swap3A_436, %swap3A_437] {strides = array<i32>} : memref<128x128xf32, #tpu.memory_space<vmem>>, vector<16xf32>,
        tpu.vector_store %arg16[%swap3A_436, %swap3A_437], %mul3A_435 {strides = array<i32>} : memref<128x128xf32, #tpu.memory_space<vmem>>, vector<16xf32>,
        %add3A_439 = arith.constant 2 : i32
        %add3A_440 = vector.broadcast %add3A_439 : i32 to vector<16xi32>
        %add3A_441 = arith.addi %broadcast_in_dim3A, %add3A_440 : vector<16xi32>
        %gather3A_442 = tpu.vector_load_idx %arg13[%add3A_441] : memref<128xf32, #tpu.memory_space<vmem>>[vector<16xi32>], vector<16xf32>,
        %mul3A_443 = arith.constant 4 : i32
        %mul3A_444 = arith.muli %scan3A_308, %mul3A_443 : i32
        %add3A_445 = arith.constant 2 : i32
        %add3A_446 = arith.addi %mul3A_444, %add3A_445 : i32
        %get3A_447 = arith.index_cast %add3A_446 : i32 to index
        %get3A_448 = arith.constant 0 : index
        %get3A_449 = tpu.vector_load %arg16[%get3A_447, %get3A_448] {strides = array<i32>} : memref<128x128xf32, #tpu.memory_space<vmem>>, vector<16xf32>,
        %mul3A_450 = arith.mulf %get3A_449, %gather3A_442 : vector<16xf32>
        %swap3A_451 = arith.index_cast %add3A_446 : i32 to index
        %swap3A_452 = arith.constant 0 : index
        %swap3A_453 = tpu.vector_load %arg16[%swap3A_451, %swap3A_452] {strides = array<i32>} : memref<128x128xf32, #tpu.memory_space<vmem>>, vector<16xf32>,
        tpu.vector_store %arg16[%swap3A_451, %swap3A_452], %mul3A_450 {strides = array<i32>} : memref<128x128xf32, #tpu.memory_space<vmem>>, vector<16xf32>,
        %get3A_454 = arith.index_cast %add3A_446 : i32 to index
        %get3A_455 = arith.constant 16 : index
        %get3A_456 = tpu.vector_load %arg16[%get3A_454, %get3A_455] {strides = array<i32>} : memref<128x128xf32, #tpu.memory_space<vmem>>, vector<16xf32>,
        %mul3A_457 = arith.mulf %get3A_456, %gather3A_442 : vector<16xf32>
        %swap3A_458 = arith.index_cast %add3A_446 : i32 to index
        %swap3A_459 = arith.constant 16 : index
        %swap3A_460 = tpu.vector_load %arg16[%swap3A_458, %swap3A_459] {strides = array<i32>} : memref<128x128xf32, #tpu.memory_space<vmem>>, vector<16xf32>,
        tpu.vector_store %arg16[%swap3A_458, %swap3A_459], %mul3A_457 {strides = array<i32>} : memref<128x128xf32, #tpu.memory_space<vmem>>, vector<16xf32>,
        %get3A_461 = arith.index_cast %add3A_446 : i32 to index
        %get3A_462 = arith.constant 32 : index
        %get3A_463 = tpu.vector_load %arg16[%get3A_461, %get3A_462] {strides = array<i32>} : memref<128x128xf32, #tpu.memory_space<vmem>>, vector<16xf32>,
        %mul3A_464 = arith.mulf %get3A_463, %gather3A_442 : vector<16xf32>
        %swap3A_465 = arith.index_cast %add3A_446 : i32 to index
        %swap3A_466 = arith.constant 32 : index
        %swap3A_467 = tpu.vector_load %arg16[%swap3A_465, %swap3A_466] {strides = array<i32>} : memref<128x128xf32, #tpu.memory_space<vmem>>, vector<16xf32>,
        tpu.vector_store %arg16[%swap3A_465, %swap3A_466], %mul3A_464 {strides = array<i32>} : memref<128x128xf32, #tpu.memory_space<vmem>>, vector<16xf32>,
        %get3A_468 = arith.index_cast %add3A_446 : i32 to index
        %get3A_469 = arith.constant 48 : index
        %get3A_470 = tpu.vector_load %arg16[%get3A_468, %get3A_469] {strides = array<i32>} : memref<128x128xf32, #tpu.memory_space<vmem>>, vector<16xf32>,
        %mul3A_471 = arith.mulf %get3A_470, %gather3A_442 : vector<16xf32>
        %swap3A_472 = arith.index_cast %add3A_446 : i32 to index
        %swap3A_473 = arith.constant 48 : index
        %swap3A_474 = tpu.vector_load %arg16[%swap3A_472, %swap3A_473] {strides = array<i32>} : memref<128x128xf32, #tpu.memory_space<vmem>>, vector<16xf32>,
        tpu.vector_store %arg16[%swap3A_472, %swap3A_473], %mul3A_471 {strides = array<i32>} : memref<128x128xf32, #tpu.memory_space<vmem>>, vector<16xf32>,
        %get3A_475 = arith.index_cast %add3A_446 : i32 to index
        %get3A_476 = arith.constant 64 : index
        %get3A_477 = tpu.vector_load %arg16[%get3A_475, %get3A_476] {strides = array<i32>} : memref<128x128xf32, #tpu.memory_space<vmem>>, vector<16xf32>,
        %mul3A_478 = arith.mulf %get3A_477, %gather3A_442 : vector<16xf32>
        %swap3A_479 = arith.index_cast %add3A_446 : i32 to index
        %swap3A_480 = arith.constant 64 : index
        %swap3A_481 = tpu.vector_load %arg16[%swap3A_479, %swap3A_480] {strides = array<i32>} : memref<128x128xf32, #tpu.memory_space<vmem>>, vector<16xf32>,
        tpu.vector_store %arg16[%swap3A_479, %swap3A_480], %mul3A_478 {strides = array<i32>} : memref<128x128xf32, #tpu.memory_space<vmem>>, vector<16xf32>,
        %get3A_482 = arith.index_cast %add3A_446 : i32 to index
        %get3A_483 = arith.constant 80 : index
        %get3A_484 = tpu.vector_load %arg16[%get3A_482, %get3A_483] {strides = array<i32>} : memref<128x128xf32, #tpu.memory_space<vmem>>, vector<16xf32>,
        %mul3A_485 = arith.mulf %get3A_484, %gather3A_442 : vector<16xf32>
        %swap3A_486 = arith.index_cast %add3A_446 : i32 to index
        %swap3A_487 = arith.constant 80 : index
        %swap3A_488 = tpu.vector_load %arg16[%swap3A_486, %swap3A_487] {strides = array<i32>} : memref<128x128xf32, #tpu.memory_space<vmem>>, vector<16xf32>,
        tpu.vector_store %arg16[%swap3A_486, %swap3A_487], %mul3A_485 {strides = array<i32>} : memref<128x128xf32, #tpu.memory_space<vmem>>, vector<16xf32>,
        %get3A_489 = arith.index_cast %add3A_446 : i32 to index
        %get3A_490 = arith.constant 96 : index
        %get3A_491 = tpu.vector_load %arg16[%get3A_489, %get3A_490] {strides = array<i32>} : memref<128x128xf32, #tpu.memory_space<vmem>>, vector<16xf32>,
        %mul3A_492 = arith.mulf %get3A_491, %gather3A_442 : vector<16xf32>
        %swap3A_493 = arith.index_cast %add3A_446 : i32 to index
        %swap3A_494 = arith.constant 96 : index
        %swap3A_495 = tpu.vector_load %arg16[%swap3A_493, %swap3A_494] {strides = array<i32>} : memref<128x128xf32, #tpu.memory_space<vmem>>, vector<16xf32>,
        tpu.vector_store %arg16[%swap3A_493, %swap3A_494], %mul3A_492 {strides = array<i32>} : memref<128x128xf32, #tpu.memory_space<vmem>>, vector<16xf32>,
        %get3A_496 = arith.index_cast %add3A_446 : i32 to index
        %get3A_497 = arith.constant 112 : index
        %get3A_498 = tpu.vector_load %arg16[%get3A_496, %get3A_497] {strides = array<i32>} : memref<128x128xf32, #tpu.memory_space<vmem>>, vector<16xf32>,
        %mul3A_499 = arith.mulf %get3A_498, %gather3A_442 : vector<16xf32>
        %swap3A_500 = arith.index_cast %add3A_446 : i32 to index
        %swap3A_501 = arith.constant 112 : index
        %swap3A_502 = tpu.vector_load %arg16[%swap3A_500, %swap3A_501] {strides = array<i32>} : memref<128x128xf32, #tpu.memory_space<vmem>>, vector<16xf32>,
        tpu.vector_store %arg16[%swap3A_500, %swap3A_501], %mul3A_499 {strides = array<i32>} : memref<128x128xf32, #tpu.memory_space<vmem>>, vector<16xf32>,
        %add3A_503 = arith.constant 3 : i32
        %add3A_504 = vector.broadcast %add3A_503 : i32 to vector<16xi32>
        %add3A_505 = arith.addi %broadcast_in_dim3A, %add3A_504 : vector<16xi32>
        %gather3A_506 = tpu.vector_load_idx %arg13[%add3A_505] : memref<128xf32, #tpu.memory_space<vmem>>[vector<16xi32>], vector<16xf32>,
        %mul3A_507 = arith.constant 4 : i32
        %mul3A_508 = arith.muli %scan3A_308, %mul3A_507 : i32
        %add3A_509 = arith.constant 3 : i32
        %add3A_510 = arith.addi %mul3A_508, %add3A_509 : i32
        %get3A_511 = arith.index_cast %add3A_510 : i32 to index
        %get3A_512 = arith.constant 0 : index
        %get3A_513 = tpu.vector_load %arg16[%get3A_511, %get3A_512] {strides = array<i32>} : memref<128x128xf32, #tpu.memory_space<vmem>>, vector<16xf32>,
        %mul3A_514 = arith.mulf %get3A_513, %gather3A_506 : vector<16xf32>
        %swap3A_515 = arith.index_cast %add3A_510 : i32 to index
        %swap3A_516 = arith.constant 0 : index
        %swap3A_517 = tpu.vector_load %arg16[%swap3A_515, %swap3A_516] {strides = array<i32>} : memref<128x128xf32, #tpu.memory_space<vmem>>, vector<16xf32>,
        tpu.vector_store %arg16[%swap3A_515, %swap3A_516], %mul3A_514 {strides = array<i32>} : memref<128x128xf32, #tpu.memory_space<vmem>>, vector<16xf32>,
        %get3A_518 = arith.index_cast %add3A_510 : i32 to index
        %get3A_519 = arith.constant 16 : index
        %get3A_520 = tpu.vector_load %arg16[%get3A_518, %get3A_519] {strides = array<i32>} : memref<128x128xf32, #tpu.memory_space<vmem>>, vector<16xf32>,
        %mul3A_521 = arith.mulf %get3A_520, %gather3A_506 : vector<16xf32>
        %swap3A_522 = arith.index_cast %add3A_510 : i32 to index
        %swap3A_523 = arith.constant 16 : index
        %swap3A_524 = tpu.vector_load %arg16[%swap3A_522, %swap3A_523] {strides = array<i32>} : memref<128x128xf32, #tpu.memory_space<vmem>>, vector<16xf32>,
        tpu.vector_store %arg16[%swap3A_522, %swap3A_523], %mul3A_521 {strides = array<i32>} : memref<128x128xf32, #tpu.memory_space<vmem>>, vector<16xf32>,
        %get3A_525 = arith.index_cast %add3A_510 : i32 to index
        %get3A_526 = arith.constant 32 : index
        %get3A_527 = tpu.vector_load %arg16[%get3A_525, %get3A_526] {strides = array<i32>} : memref<128x128xf32, #tpu.memory_space<vmem>>, vector<16xf32>,
        %mul3A_528 = arith.mulf %get3A_527, %gather3A_506 : vector<16xf32>
        %swap3A_529 = arith.index_cast %add3A_510 : i32 to index
        %swap3A_530 = arith.constant 32 : index
        %swap3A_531 = tpu.vector_load %arg16[%swap3A_529, %swap3A_530] {strides = array<i32>} : memref<128x128xf32, #tpu.memory_space<vmem>>, vector<16xf32>,
        tpu.vector_store %arg16[%swap3A_529, %swap3A_530], %mul3A_528 {strides = array<i32>} : memref<128x128xf32, #tpu.memory_space<vmem>>, vector<16xf32>,
        %get3A_532 = arith.index_cast %add3A_510 : i32 to index
        %get3A_533 = arith.constant 48 : index
        %get3A_534 = tpu.vector_load %arg16[%get3A_532, %get3A_533] {strides = array<i32>} : memref<128x128xf32, #tpu.memory_space<vmem>>, vector<16xf32>,
        %mul3A_535 = arith.mulf %get3A_534, %gather3A_506 : vector<16xf32>
        %swap3A_536 = arith.index_cast %add3A_510 : i32 to index
        %swap3A_537 = arith.constant 48 : index
        %swap3A_538 = tpu.vector_load %arg16[%swap3A_536, %swap3A_537] {strides = array<i32>} : memref<128x128xf32, #tpu.memory_space<vmem>>, vector<16xf32>,
        tpu.vector_store %arg16[%swap3A_536, %swap3A_537], %mul3A_535 {strides = array<i32>} : memref<128x128xf32, #tpu.memory_space<vmem>>, vector<16xf32>,
        %get3A_539 = arith.index_cast %add3A_510 : i32 to index
        %get3A_540 = arith.constant 64 : index
        %get3A_541 = tpu.vector_load %arg16[%get3A_539, %get3A_540] {strides = array<i32>} : memref<128x128xf32, #tpu.memory_space<vmem>>, vector<16xf32>,
        %mul3A_542 = arith.mulf %get3A_541, %gather3A_506 : vector<16xf32>
        %swap3A_543 = arith.index_cast %add3A_510 : i32 to index
        %swap3A_544 = arith.constant 64 : index
        %swap3A_545 = tpu.vector_load %arg16[%swap3A_543, %swap3A_544] {strides = array<i32>} : memref<128x128xf32, #tpu.memory_space<vmem>>, vector<16xf32>,
        tpu.vector_store %arg16[%swap3A_543, %swap3A_544], %mul3A_542 {strides = array<i32>} : memref<128x128xf32, #tpu.memory_space<vmem>>, vector<16xf32>,
        %get3A_546 = arith.index_cast %add3A_510 : i32 to index
        %get3A_547 = arith.constant 80 : index
        %get3A_548 = tpu.vector_load %arg16[%get3A_546, %get3A_547] {strides = array<i32>} : memref<128x128xf32, #tpu.memory_space<vmem>>, vector<16xf32>,
        %mul3A_549 = arith.mulf %get3A_548, %gather3A_506 : vector<16xf32>
        %swap3A_550 = arith.index_cast %add3A_510 : i32 to index
        %swap3A_551 = arith.constant 80 : index
        %swap3A_552 = tpu.vector_load %arg16[%swap3A_550, %swap3A_551] {strides = array<i32>} : memref<128x128xf32, #tpu.memory_space<vmem>>, vector<16xf32>,
        tpu.vector_store %arg16[%swap3A_550, %swap3A_551], %mul3A_549 {strides = array<i32>} : memref<128x128xf32, #tpu.memory_space<vmem>>, vector<16xf32>,
        %get3A_553 = arith.index_cast %add3A_510 : i32 to index
        %get3A_554 = arith.constant 96 : index
        %get3A_555 = tpu.vector_load %arg16[%get3A_553, %get3A_554] {strides = array<i32>} : memref<128x128xf32, #tpu.memory_space<vmem>>, vector<16xf32>,
        %mul3A_556 = arith.mulf %get3A_555, %gather3A_506 : vector<16xf32>
        %swap3A_557 = arith.index_cast %add3A_510 : i32 to index
        %swap3A_558 = arith.constant 96 : index
        %swap3A_559 = tpu.vector_load %arg16[%swap3A_557, %swap3A_558] {strides = array<i32>} : memref<128x128xf32, #tpu.memory_space<vmem>>, vector<16xf32>,
        tpu.vector_store %arg16[%swap3A_557, %swap3A_558], %mul3A_556 {strides = array<i32>} : memref<128x128xf32, #tpu.memory_space<vmem>>, vector<16xf32>,
        %get3A_560 = arith.index_cast %add3A_510 : i32 to index
        %get3A_561 = arith.constant 112 : index
        %get3A_562 = tpu.vector_load %arg16[%get3A_560, %get3A_561] {strides = array<i32>} : memref<128x128xf32, #tpu.memory_space<vmem>>, vector<16xf32>,
        %mul3A_563 = arith.mulf %get3A_562, %gather3A_506 : vector<16xf32>
        %swap3A_564 = arith.index_cast %add3A_510 : i32 to index
        %swap3A_565 = arith.constant 112 : index
        %swap3A_566 = tpu.vector_load %arg16[%swap3A_564, %swap3A_565] {strides = array<i32>} : memref<128x128xf32, #tpu.memory_space<vmem>>, vector<16xf32>,
        tpu.vector_store %arg16[%swap3A_564, %swap3A_565], %mul3A_563 {strides = array<i32>} : memref<128x128xf32, #tpu.memory_space<vmem>>, vector<16xf32>,
      }
      %scan3A_300 = arith.constant 32 : i32
      "tpu.region"() ({
        %run_scoped3A = tpu.sem_alloc : memref<!tpu.dma_semaphore, #tpu.memory_space<semaphore_mem>>
        %dma_start3A_308 = arith.constant 0 : i32
        %dma_start3A_309 = arith.constant 0 : i32
        %dma_start3A_310 = tpu.memref_slice %arg17[%dma_start3A_308, %dma_start3A_309] : memref<10112x128xf32, #tpu.memory_space<vmem_shared>> -> memref<10112x128xf32, #tpu.memory_space<vmem_shared>>
        tpu.enqueue_indirect_dma source(%arg16 : memref<128x128xf32, #tpu.memory_space<vmem>>) target(%dma_start3A_310 : memref<10112x128xf32, #tpu.memory_space<vmem_shared>>) offsets(%arg11 : memref<128xi32, #tpu.memory_space<vmem>>) semaphore(%run_scoped3A : memref<!tpu.dma_semaphore, #tpu.memory_space<semaphore_mem>>) {add = true}
        %dma_wait3A_311 = arith.constant 0 : i32
        %dma_wait3A_312 = arith.constant 0 : i32
        %dma_wait3A_313 = tpu.memref_slice %arg17[%dma_wait3A_311, %dma_wait3A_312] : memref<10112x128xf32, #tpu.memory_space<vmem_shared>> -> memref<10112x128xf32, #tpu.memory_space<vmem_shared>>
        tpu.wait_indirect_dma semaphore(%run_scoped3A : memref<!tpu.dma_semaphore, #tpu.memory_space<semaphore_mem>>) src(%arg16 : memref<128x128xf32, #tpu.memory_space<vmem>>) dst(%dma_wait3A_313 : memref<10112x128xf32, #tpu.memory_space<vmem_shared>>)
        tpu.yield
      }) : () -> ()
      %add3A_301 = arith.constant 3 : i32
      %add3A_302 = arith.addi %mul3A_84, %add3A_301 : i32
      %lt3A_303 = arith.constant 80 : i32
      %lt3A_304 = arith.cmpi slt, %add3A_302, %lt3A_303 : i32
      %convert_element_type3A_305 = arith.extui %lt3A_304 : i1 to i32
      %cond3A_306 = arith.constant 0 : i32
      %cond3A_307 = arith.cmpi ne, %convert_element_type3A_305, %cond3A_306 : i32
      scf.if %cond3A_307 {
        %add3A_308 = arith.constant 3 : i32
        %add3A_309 = arith.addi %mul3A_84, %add3A_308 : i32
        %mul3A_310 = arith.constant 128 : i32
        %mul3A_311 = arith.muli %add3A_309, %mul3A_310 : i32
        %add3A_312 = arith.addi %mul3A_2, %mul3A_311 : i32
        %dma_start3A_313 = tpu.memref_slice %arg4[%add3A_312] : memref<327680xi32, #tpu.memory_space<hbm>> -> memref<128xi32, #tpu.memory_space<hbm>>
        %dma_start3A_314 = tpu.memref_slice %arg4[%add3A_312] : memref<327680xi32, #tpu.memory_space<hbm>> -> memref<128xi32, #tpu.memory_space<hbm>>
        tpu.enqueue_dma source(%dma_start3A_314 : memref<128xi32, #tpu.memory_space<hbm>>) target(%arg9 : memref<128xi32, #tpu.memory_space<vmem>>) target_semaphore(%arg19 : memref<!tpu.dma_semaphore, #tpu.memory_space<semaphore_mem>>)
        %dma_start3A_315 = tpu.memref_slice %arg5[%add3A_312] : memref<327680xi32, #tpu.memory_space<hbm>> -> memref<128xi32, #tpu.memory_space<hbm>>
        %dma_start3A_316 = tpu.memref_slice %arg5[%add3A_312] : memref<327680xi32, #tpu.memory_space<hbm>> -> memref<128xi32, #tpu.memory_space<hbm>>
        tpu.enqueue_dma source(%dma_start3A_316 : memref<128xi32, #tpu.memory_space<hbm>>) target(%arg11 : memref<128xi32, #tpu.memory_space<vmem>>) target_semaphore(%arg21 : memref<!tpu.dma_semaphore, #tpu.memory_space<semaphore_mem>>)
        %dma_start3A_317 = tpu.memref_slice %arg3[%add3A_312] : memref<327680xf32, #tpu.memory_space<hbm>> -> memref<128xf32, #tpu.memory_space<hbm>>
        %dma_start3A_318 = tpu.memref_slice %arg3[%add3A_312] : memref<327680xf32, #tpu.memory_space<hbm>> -> memref<128xf32, #tpu.memory_space<hbm>>
        tpu.enqueue_dma source(%dma_start3A_318 : memref<128xf32, #tpu.memory_space<hbm>>) target(%arg13 : memref<128xf32, #tpu.memory_space<vmem>>) target_semaphore(%arg23 : memref<!tpu.dma_semaphore, #tpu.memory_space<semaphore_mem>>)
      } else {
      }
    }
    %scan3A_58 = arith.constant 40 : i32
    %barrier3A_59 = arith.constant 0 : index
    tpu.barrier barrier_id(%barrier3A_59)
    %mul3A_60 = arith.constant 632 : i32
    %mul3A_61 = arith.muli %arg1, %mul3A_60 : i32
    %add3A_62 = arith.constant 0 : i32
    %add3A_63 = arith.addi %mul3A_61, %add3A_62 : i32
    "tpu.region"() ({
      %run_scoped3A = tpu.sem_alloc : memref<!tpu.dma_semaphore, #tpu.memory_space<semaphore_mem>>
      %dma_start3A_82 = arith.constant 0 : i32
      %dma_start3A_83 = arith.constant 0 : i32
      %dma_start3A_84 = tpu.memref_slice %arg15[%dma_start3A_82, %dma_start3A_83] : memref<128x128xf32, #tpu.memory_space<vmem>> -> memref<128x128xf32, #tpu.memory_space<vmem>>
      %dma_start3A_85 = arith.constant 0 : i32
      %dma_start3A_86 = tpu.memref_slice %arg17[%add3A_63, %dma_start3A_85] : memref<10112x128xf32, #tpu.memory_space<vmem_shared>> -> memref<128x128xf32, #tpu.memory_space<vmem_shared>>
      %dma_start3A_87 = arith.constant 0 : i32
      %dma_start3A_88 = arith.constant 0 : i32
      %dma_start3A_89 = tpu.memref_slice %arg15[%dma_start3A_87, %dma_start3A_88] : memref<128x128xf32, #tpu.memory_space<vmem>> -> memref<128x128xf32, #tpu.memory_space<vmem>>
      %dma_start3A_90 = arith.constant 0 : i32
      %dma_start3A_91 = tpu.memref_slice %arg17[%add3A_63, %dma_start3A_90] : memref<10112x128xf32, #tpu.memory_space<vmem_shared>> -> memref<128x128xf32, #tpu.memory_space<vmem_shared>>
      tpu.enqueue_dma source(%dma_start3A_91 : memref<128x128xf32, #tpu.memory_space<vmem_shared>>) target(%dma_start3A_89 : memref<128x128xf32, #tpu.memory_space<vmem>>) target_semaphore(%run_scoped3A : memref<!tpu.dma_semaphore, #tpu.memory_space<semaphore_mem>>)
      %dma_wait3A_92 = arith.constant 0 : i32
      %dma_wait3A_93 = arith.constant 0 : i32
      %dma_wait3A_94 = tpu.memref_slice %arg15[%dma_wait3A_92, %dma_wait3A_93] : memref<128x128xf32, #tpu.memory_space<vmem>> -> memref<128x128xf32, #tpu.memory_space<vmem>>
      %dma_wait3A_95 = arith.constant 0 : i32
      %dma_wait3A_96 = tpu.memref_slice %arg17[%add3A_63, %dma_wait3A_95] : memref<10112x128xf32, #tpu.memory_space<vmem_shared>> -> memref<128x128xf32, #tpu.memory_space<vmem_shared>>
      %dma_wait3A_97 = arith.constant 0 : i32
      %dma_wait3A_98 = arith.constant 0 : i32
      %dma_wait3A_99 = tpu.memref_slice %arg15[%dma_wait3A_97, %dma_wait3A_98] : memref<128x128xf32, #tpu.memory_space<vmem>> -> memref<128x128xf32, #tpu.memory_space<vmem>>
      %dma_wait3A_100 = arith.constant 0 : i32
      %dma_wait3A_101 = tpu.memref_slice %arg17[%add3A_63, %dma_wait3A_100] : memref<10112x128xf32, #tpu.memory_space<vmem_shared>> -> memref<128x128xf32, #tpu.memory_space<vmem_shared>>
      tpu.wait_dma2 semaphore(%run_scoped3A : memref<!tpu.dma_semaphore, #tpu.memory_space<semaphore_mem>>) src(%dma_wait3A_101 : memref<128x128xf32, #tpu.memory_space<vmem_shared>>) dst(%dma_wait3A_99 : memref<128x128xf32, #tpu.memory_space<vmem>>)
      tpu.yield
    }) : () -> ()
    %add3A_64 = arith.constant 0 : i32
    %add3A_65 = arith.addi %mul3A_61, %add3A_64 : i32
    "tpu.region"() ({
      %run_scoped3A = tpu.sem_alloc : memref<!tpu.dma_semaphore, #tpu.memory_space<semaphore_mem>>
      %dma_start3A_82 = arith.constant 0 : i32
      %dma_start3A_83 = arith.constant 0 : i32
      %dma_start3A_84 = tpu.memref_slice %arg15[%dma_start3A_82, %dma_start3A_83] : memref<128x128xf32, #tpu.memory_space<vmem>> -> memref<128x128xf32, #tpu.memory_space<vmem>>
      %dma_start3A_85 = arith.constant 0 : i32
      %dma_start3A_86 = arith.constant 0 : i32
      %dma_start3A_87 = tpu.memref_slice %arg7[%arg0, %dma_start3A_85, %dma_start3A_86] : memref<2x10112x128xf32, #tpu.memory_space<hbm>> -> memref<1x10112x128xf32, #tpu.memory_space<hbm>>
      %dma_start3A_88 = tpu.memref_squeeze %dma_start3A_87 : memref<1x10112x128xf32, #tpu.memory_space<hbm>> -> memref<10112x128xf32, #tpu.memory_space<hbm>>
      %dma_start3A_89 = arith.constant 0 : i32
      %dma_start3A_90 = tpu.memref_slice %dma_start3A_88[%add3A_65, %dma_start3A_89] : memref<10112x128xf32, #tpu.memory_space<hbm>> -> memref<128x128xf32, #tpu.memory_space<hbm>>
      %dma_start3A_91 = arith.constant 0 : i32
      %dma_start3A_92 = arith.constant 0 : i32
      %dma_start3A_93 = tpu.memref_slice %arg7[%arg0, %dma_start3A_91, %dma_start3A_92] : memref<2x10112x128xf32, #tpu.memory_space<hbm>> -> memref<1x10112x128xf32, #tpu.memory_space<hbm>>
      %dma_start3A_94 = tpu.memref_squeeze %dma_start3A_93 : memref<1x10112x128xf32, #tpu.memory_space<hbm>> -> memref<10112x128xf32, #tpu.memory_space<hbm>>
      %dma_start3A_95 = arith.constant 0 : i32
      %dma_start3A_96 = tpu.memref_slice %dma_start3A_94[%add3A_65, %dma_start3A_95] : memref<10112x128xf32, #tpu.memory_space<hbm>> -> memref<128x128xf32, #tpu.memory_space<hbm>>
      %dma_start3A_97 = arith.constant 0 : i32
      %dma_start3A_98 = arith.constant 0 : i32
      %dma_start3A_99 = tpu.memref_slice %arg15[%dma_start3A_97, %dma_start3A_98] : memref<128x128xf32, #tpu.memory_space<vmem>> -> memref<128x128xf32, #tpu.memory_space<vmem>>
      tpu.enqueue_dma source(%dma_start3A_99 : memref<128x128xf32, #tpu.memory_space<vmem>>) target(%dma_start3A_96 : memref<128x128xf32, #tpu.memory_space<hbm>>) target_semaphore(%run_scoped3A : memref<!tpu.dma_semaphore, #tpu.memory_space<semaphore_mem>>)
      %dma_wait3A_100 = arith.constant 0 : i32
      %dma_wait3A_101 = arith.constant 0 : i32
      %dma_wait3A_102 = tpu.memref_slice %arg15[%dma_wait3A_100, %dma_wait3A_101] : memref<128x128xf32, #tpu.memory_space<vmem>> -> memref<128x128xf32, #tpu.memory_space<vmem>>
      %dma_wait3A_103 = arith.constant 0 : i32
      %dma_wait3A_104 = arith.constant 0 : i32
      %dma_wait3A_105 = tpu.memref_slice %arg7[%arg0, %dma_wait3A_103, %dma_wait3A_104] : memref<2x10112x128xf32, #tpu.memory_space<hbm>> -> memref<1x10112x128xf32, #tpu.memory_space<hbm>>
      %dma_wait3A_106 = tpu.memref_squeeze %dma_wait3A_105 : memref<1x10112x128xf32, #tpu.memory_space<hbm>> -> memref<10112x128xf32, #tpu.memory_space<hbm>>
      %dma_wait3A_107 = arith.constant 0 : i32
      %dma_wait3A_108 = tpu.memref_slice %dma_wait3A_106[%add3A_65, %dma_wait3A_107] : memref<10112x128xf32, #tpu.memory_space<hbm>> -> memref<128x128xf32, #tpu.memory_space<hbm>>
      %dma_wait3A_109 = arith.constant 0 : i32
      %dma_wait3A_110 = arith.constant 0 : i32
      %dma_wait3A_111 = tpu.memref_slice %arg7[%arg0, %dma_wait3A_109, %dma_wait3A_110] : memref<2x10112x128xf32, #tpu.memory_space<hbm>> -> memref<1x10112x128xf32, #tpu.memory_space<hbm>>
      %dma_wait3A_112 = tpu.memref_squeeze %dma_wait3A_111 : memref<1x10112x128xf32, #tpu.memory_space<hbm>> -> memref<10112x128xf32, #tpu.memory_space<hbm>>
      %dma_wait3A_113 = arith.constant 0 : i32
      %dma_wait3A_114 = tpu.memref_slice %dma_wait3A_112[%add3A_65, %dma_wait3A_113] : memref<10112x128xf32, #tpu.memory_space<hbm>> -> memref<128x128xf32, #tpu.memory_space<hbm>>
      %dma_wait3A_115 = arith.constant 0 : i32
      %dma_wait3A_116 = arith.constant 0 : i32
      %dma_wait3A_117 = tpu.memref_slice %arg15[%dma_wait3A_115, %dma_wait3A_116] : memref<128x128xf32, #tpu.memory_space<vmem>> -> memref<128x128xf32, #tpu.memory_space<vmem>>
      tpu.wait_dma2 semaphore(%run_scoped3A : memref<!tpu.dma_semaphore, #tpu.memory_space<semaphore_mem>>) src(%dma_wait3A_117 : memref<128x128xf32, #tpu.memory_space<vmem>>) dst(%dma_wait3A_114 : memref<128x128xf32, #tpu.memory_space<hbm>>)
      tpu.yield
    }) : () -> ()
    %add3A_66 = arith.constant 128 : i32
    %add3A_67 = arith.addi %mul3A_61, %add3A_66 : i32
    "tpu.region"() ({
      %run_scoped3A = tpu.sem_alloc : memref<!tpu.dma_semaphore, #tpu.memory_space<semaphore_mem>>
      %dma_start3A_82 = arith.constant 0 : i32
      %dma_start3A_83 = arith.constant 0 : i32
      %dma_start3A_84 = tpu.memref_slice %arg15[%dma_start3A_82, %dma_start3A_83] : memref<128x128xf32, #tpu.memory_space<vmem>> -> memref<128x128xf32, #tpu.memory_space<vmem>>
      %dma_start3A_85 = arith.constant 0 : i32
      %dma_start3A_86 = tpu.memref_slice %arg17[%add3A_67, %dma_start3A_85] : memref<10112x128xf32, #tpu.memory_space<vmem_shared>> -> memref<128x128xf32, #tpu.memory_space<vmem_shared>>
      %dma_start3A_87 = arith.constant 0 : i32
      %dma_start3A_88 = arith.constant 0 : i32
      %dma_start3A_89 = tpu.memref_slice %arg15[%dma_start3A_87, %dma_start3A_88] : memref<128x128xf32, #tpu.memory_space<vmem>> -> memref<128x128xf32, #tpu.memory_space<vmem>>
      %dma_start3A_90 = arith.constant 0 : i32
      %dma_start3A_91 = tpu.memref_slice %arg17[%add3A_67, %dma_start3A_90] : memref<10112x128xf32, #tpu.memory_space<vmem_shared>> -> memref<128x128xf32, #tpu.memory_space<vmem_shared>>
      tpu.enqueue_dma source(%dma_start3A_91 : memref<128x128xf32, #tpu.memory_space<vmem_shared>>) target(%dma_start3A_89 : memref<128x128xf32, #tpu.memory_space<vmem>>) target_semaphore(%run_scoped3A : memref<!tpu.dma_semaphore, #tpu.memory_space<semaphore_mem>>)
      %dma_wait3A_92 = arith.constant 0 : i32
      %dma_wait3A_93 = arith.constant 0 : i32
      %dma_wait3A_94 = tpu.memref_slice %arg15[%dma_wait3A_92, %dma_wait3A_93] : memref<128x128xf32, #tpu.memory_space<vmem>> -> memref<128x128xf32, #tpu.memory_space<vmem>>
      %dma_wait3A_95 = arith.constant 0 : i32
      %dma_wait3A_96 = tpu.memref_slice %arg17[%add3A_67, %dma_wait3A_95] : memref<10112x128xf32, #tpu.memory_space<vmem_shared>> -> memref<128x128xf32, #tpu.memory_space<vmem_shared>>
      %dma_wait3A_97 = arith.constant 0 : i32
      %dma_wait3A_98 = arith.constant 0 : i32
      %dma_wait3A_99 = tpu.memref_slice %arg15[%dma_wait3A_97, %dma_wait3A_98] : memref<128x128xf32, #tpu.memory_space<vmem>> -> memref<128x128xf32, #tpu.memory_space<vmem>>
      %dma_wait3A_100 = arith.constant 0 : i32
      %dma_wait3A_101 = tpu.memref_slice %arg17[%add3A_67, %dma_wait3A_100] : memref<10112x128xf32, #tpu.memory_space<vmem_shared>> -> memref<128x128xf32, #tpu.memory_space<vmem_shared>>
      tpu.wait_dma2 semaphore(%run_scoped3A : memref<!tpu.dma_semaphore, #tpu.memory_space<semaphore_mem>>) src(%dma_wait3A_101 : memref<128x128xf32, #tpu.memory_space<vmem_shared>>) dst(%dma_wait3A_99 : memref<128x128xf32, #tpu.memory_space<vmem>>)
      tpu.yield
    }) : () -> ()
    %add3A_68 = arith.constant 128 : i32
    %add3A_69 = arith.addi %mul3A_61, %add3A_68 : i32
    "tpu.region"() ({
      %run_scoped3A = tpu.sem_alloc : memref<!tpu.dma_semaphore, #tpu.memory_space<semaphore_mem>>
      %dma_start3A_82 = arith.constant 0 : i32
      %dma_start3A_83 = arith.constant 0 : i32
      %dma_start3A_84 = tpu.memref_slice %arg15[%dma_start3A_82, %dma_start3A_83] : memref<128x128xf32, #tpu.memory_space<vmem>> -> memref<128x128xf32, #tpu.memory_space<vmem>>
      %dma_start3A_85 = arith.constant 0 : i32
      %dma_start3A_86 = arith.constant 0 : i32
      %dma_start3A_87 = tpu.memref_slice %arg7[%arg0, %dma_start3A_85, %dma_start3A_86] : memref<2x10112x128xf32, #tpu.memory_space<hbm>> -> memref<1x10112x128xf32, #tpu.memory_space<hbm>>
      %dma_start3A_88 = tpu.memref_squeeze %dma_start3A_87 : memref<1x10112x128xf32, #tpu.memory_space<hbm>> -> memref<10112x128xf32, #tpu.memory_space<hbm>>
      %dma_start3A_89 = arith.constant 0 : i32
      %dma_start3A_90 = tpu.memref_slice %dma_start3A_88[%add3A_69, %dma_start3A_89] : memref<10112x128xf32, #tpu.memory_space<hbm>> -> memref<128x128xf32, #tpu.memory_space<hbm>>
      %dma_start3A_91 = arith.constant 0 : i32
      %dma_start3A_92 = arith.constant 0 : i32
      %dma_start3A_93 = tpu.memref_slice %arg7[%arg0, %dma_start3A_91, %dma_start3A_92] : memref<2x10112x128xf32, #tpu.memory_space<hbm>> -> memref<1x10112x128xf32, #tpu.memory_space<hbm>>
      %dma_start3A_94 = tpu.memref_squeeze %dma_start3A_93 : memref<1x10112x128xf32, #tpu.memory_space<hbm>> -> memref<10112x128xf32, #tpu.memory_space<hbm>>
      %dma_start3A_95 = arith.constant 0 : i32
      %dma_start3A_96 = tpu.memref_slice %dma_start3A_94[%add3A_69, %dma_start3A_95] : memref<10112x128xf32, #tpu.memory_space<hbm>> -> memref<128x128xf32, #tpu.memory_space<hbm>>
      %dma_start3A_97 = arith.constant 0 : i32
      %dma_start3A_98 = arith.constant 0 : i32
      %dma_start3A_99 = tpu.memref_slice %arg15[%dma_start3A_97, %dma_start3A_98] : memref<128x128xf32, #tpu.memory_space<vmem>> -> memref<128x128xf32, #tpu.memory_space<vmem>>
      tpu.enqueue_dma source(%dma_start3A_99 : memref<128x128xf32, #tpu.memory_space<vmem>>) target(%dma_start3A_96 : memref<128x128xf32, #tpu.memory_space<hbm>>) target_semaphore(%run_scoped3A : memref<!tpu.dma_semaphore, #tpu.memory_space<semaphore_mem>>)
      %dma_wait3A_100 = arith.constant 0 : i32
      %dma_wait3A_101 = arith.constant 0 : i32
      %dma_wait3A_102 = tpu.memref_slice %arg15[%dma_wait3A_100, %dma_wait3A_101] : memref<128x128xf32, #tpu.memory_space<vmem>> -> memref<128x128xf32, #tpu.memory_space<vmem>>
      %dma_wait3A_103 = arith.constant 0 : i32
      %dma_wait3A_104 = arith.constant 0 : i32
      %dma_wait3A_105 = tpu.memref_slice %arg7[%arg0, %dma_wait3A_103, %dma_wait3A_104] : memref<2x10112x128xf32, #tpu.memory_space<hbm>> -> memref<1x10112x128xf32, #tpu.memory_space<hbm>>
      %dma_wait3A_106 = tpu.memref_squeeze %dma_wait3A_105 : memref<1x10112x128xf32, #tpu.memory_space<hbm>> -> memref<10112x128xf32, #tpu.memory_space<hbm>>
      %dma_wait3A_107 = arith.constant 0 : i32
      %dma_wait3A_108 = tpu.memref_slice %dma_wait3A_106[%add3A_69, %dma_wait3A_107] : memref<10112x128xf32, #tpu.memory_space<hbm>> -> memref<128x128xf32, #tpu.memory_space<hbm>>
      %dma_wait3A_109 = arith.constant 0 : i32
      %dma_wait3A_110 = arith.constant 0 : i32
      %dma_wait3A_111 = tpu.memref_slice %arg7[%arg0, %dma_wait3A_109, %dma_wait3A_110] : memref<2x10112x128xf32, #tpu.memory_space<hbm>> -> memref<1x10112x128xf32, #tpu.memory_space<hbm>>
      %dma_wait3A_112 = tpu.memref_squeeze %dma_wait3A_111 : memref<1x10112x128xf32, #tpu.memory_space<hbm>> -> memref<10112x128xf32, #tpu.memory_space<hbm>>
      %dma_wait3A_113 = arith.constant 0 : i32
      %dma_wait3A_114 = tpu.memref_slice %dma_wait3A_112[%add3A_69, %dma_wait3A_113] : memref<10112x128xf32, #tpu.memory_space<hbm>> -> memref<128x128xf32, #tpu.memory_space<hbm>>
      %dma_wait3A_115 = arith.constant 0 : i32
      %dma_wait3A_116 = arith.constant 0 : i32
      %dma_wait3A_117 = tpu.memref_slice %arg15[%dma_wait3A_115, %dma_wait3A_116] : memref<128x128xf32, #tpu.memory_space<vmem>> -> memref<128x128xf32, #tpu.memory_space<vmem>>
      tpu.wait_dma2 semaphore(%run_scoped3A : memref<!tpu.dma_semaphore, #tpu.memory_space<semaphore_mem>>) src(%dma_wait3A_117 : memref<128x128xf32, #tpu.memory_space<vmem>>) dst(%dma_wait3A_114 : memref<128x128xf32, #tpu.memory_space<hbm>>)
      tpu.yield
    }) : () -> ()
    %add3A_70 = arith.constant 256 : i32
    %add3A_71 = arith.addi %mul3A_61, %add3A_70 : i32
    "tpu.region"() ({
      %run_scoped3A = tpu.sem_alloc : memref<!tpu.dma_semaphore, #tpu.memory_space<semaphore_mem>>
      %dma_start3A_82 = arith.constant 0 : i32
      %dma_start3A_83 = arith.constant 0 : i32
      %dma_start3A_84 = tpu.memref_slice %arg15[%dma_start3A_82, %dma_start3A_83] : memref<128x128xf32, #tpu.memory_space<vmem>> -> memref<128x128xf32, #tpu.memory_space<vmem>>
      %dma_start3A_85 = arith.constant 0 : i32
      %dma_start3A_86 = tpu.memref_slice %arg17[%add3A_71, %dma_start3A_85] : memref<10112x128xf32, #tpu.memory_space<vmem_shared>> -> memref<128x128xf32, #tpu.memory_space<vmem_shared>>
      %dma_start3A_87 = arith.constant 0 : i32
      %dma_start3A_88 = arith.constant 0 : i32
      %dma_start3A_89 = tpu.memref_slice %arg15[%dma_start3A_87, %dma_start3A_88] : memref<128x128xf32, #tpu.memory_space<vmem>> -> memref<128x128xf32, #tpu.memory_space<vmem>>
      %dma_start3A_90 = arith.constant 0 : i32
      %dma_start3A_91 = tpu.memref_slice %arg17[%add3A_71, %dma_start3A_90] : memref<10112x128xf32, #tpu.memory_space<vmem_shared>> -> memref<128x128xf32, #tpu.memory_space<vmem_shared>>
      tpu.enqueue_dma source(%dma_start3A_91 : memref<128x128xf32, #tpu.memory_space<vmem_shared>>) target(%dma_start3A_89 : memref<128x128xf32, #tpu.memory_space<vmem>>) target_semaphore(%run_scoped3A : memref<!tpu.dma_semaphore, #tpu.memory_space<semaphore_mem>>)
      %dma_wait3A_92 = arith.constant 0 : i32
      %dma_wait3A_93 = arith.constant 0 : i32
      %dma_wait3A_94 = tpu.memref_slice %arg15[%dma_wait3A_92, %dma_wait3A_93] : memref<128x128xf32, #tpu.memory_space<vmem>> -> memref<128x128xf32, #tpu.memory_space<vmem>>
      %dma_wait3A_95 = arith.constant 0 : i32
      %dma_wait3A_96 = tpu.memref_slice %arg17[%add3A_71, %dma_wait3A_95] : memref<10112x128xf32, #tpu.memory_space<vmem_shared>> -> memref<128x128xf32, #tpu.memory_space<vmem_shared>>
      %dma_wait3A_97 = arith.constant 0 : i32
      %dma_wait3A_98 = arith.constant 0 : i32
      %dma_wait3A_99 = tpu.memref_slice %arg15[%dma_wait3A_97, %dma_wait3A_98] : memref<128x128xf32, #tpu.memory_space<vmem>> -> memref<128x128xf32, #tpu.memory_space<vmem>>
      %dma_wait3A_100 = arith.constant 0 : i32
      %dma_wait3A_101 = tpu.memref_slice %arg17[%add3A_71, %dma_wait3A_100] : memref<10112x128xf32, #tpu.memory_space<vmem_shared>> -> memref<128x128xf32, #tpu.memory_space<vmem_shared>>
      tpu.wait_dma2 semaphore(%run_scoped3A : memref<!tpu.dma_semaphore, #tpu.memory_space<semaphore_mem>>) src(%dma_wait3A_101 : memref<128x128xf32, #tpu.memory_space<vmem_shared>>) dst(%dma_wait3A_99 : memref<128x128xf32, #tpu.memory_space<vmem>>)
      tpu.yield
    }) : () -> ()
    %add3A_72 = arith.constant 256 : i32
    %add3A_73 = arith.addi %mul3A_61, %add3A_72 : i32
    "tpu.region"() ({
      %run_scoped3A = tpu.sem_alloc : memref<!tpu.dma_semaphore, #tpu.memory_space<semaphore_mem>>
      %dma_start3A_82 = arith.constant 0 : i32
      %dma_start3A_83 = arith.constant 0 : i32
      %dma_start3A_84 = tpu.memref_slice %arg15[%dma_start3A_82, %dma_start3A_83] : memref<128x128xf32, #tpu.memory_space<vmem>> -> memref<128x128xf32, #tpu.memory_space<vmem>>
      %dma_start3A_85 = arith.constant 0 : i32
      %dma_start3A_86 = arith.constant 0 : i32
      %dma_start3A_87 = tpu.memref_slice %arg7[%arg0, %dma_start3A_85, %dma_start3A_86] : memref<2x10112x128xf32, #tpu.memory_space<hbm>> -> memref<1x10112x128xf32, #tpu.memory_space<hbm>>
      %dma_start3A_88 = tpu.memref_squeeze %dma_start3A_87 : memref<1x10112x128xf32, #tpu.memory_space<hbm>> -> memref<10112x128xf32, #tpu.memory_space<hbm>>
      %dma_start3A_89 = arith.constant 0 : i32
      %dma_start3A_90 = tpu.memref_slice %dma_start3A_88[%add3A_73, %dma_start3A_89] : memref<10112x128xf32, #tpu.memory_space<hbm>> -> memref<128x128xf32, #tpu.memory_space<hbm>>
      %dma_start3A_91 = arith.constant 0 : i32
      %dma_start3A_92 = arith.constant 0 : i32
      %dma_start3A_93 = tpu.memref_slice %arg7[%arg0, %dma_start3A_91, %dma_start3A_92] : memref<2x10112x128xf32, #tpu.memory_space<hbm>> -> memref<1x10112x128xf32, #tpu.memory_space<hbm>>
      %dma_start3A_94 = tpu.memref_squeeze %dma_start3A_93 : memref<1x10112x128xf32, #tpu.memory_space<hbm>> -> memref<10112x128xf32, #tpu.memory_space<hbm>>
      %dma_start3A_95 = arith.constant 0 : i32
      %dma_start3A_96 = tpu.memref_slice %dma_start3A_94[%add3A_73, %dma_start3A_95] : memref<10112x128xf32, #tpu.memory_space<hbm>> -> memref<128x128xf32, #tpu.memory_space<hbm>>
      %dma_start3A_97 = arith.constant 0 : i32
      %dma_start3A_98 = arith.constant 0 : i32
      %dma_start3A_99 = tpu.memref_slice %arg15[%dma_start3A_97, %dma_start3A_98] : memref<128x128xf32, #tpu.memory_space<vmem>> -> memref<128x128xf32, #tpu.memory_space<vmem>>
      tpu.enqueue_dma source(%dma_start3A_99 : memref<128x128xf32, #tpu.memory_space<vmem>>) target(%dma_start3A_96 : memref<128x128xf32, #tpu.memory_space<hbm>>) target_semaphore(%run_scoped3A : memref<!tpu.dma_semaphore, #tpu.memory_space<semaphore_mem>>)
      %dma_wait3A_100 = arith.constant 0 : i32
      %dma_wait3A_101 = arith.constant 0 : i32
      %dma_wait3A_102 = tpu.memref_slice %arg15[%dma_wait3A_100, %dma_wait3A_101] : memref<128x128xf32, #tpu.memory_space<vmem>> -> memref<128x128xf32, #tpu.memory_space<vmem>>
      %dma_wait3A_103 = arith.constant 0 : i32
      %dma_wait3A_104 = arith.constant 0 : i32
      %dma_wait3A_105 = tpu.memref_slice %arg7[%arg0, %dma_wait3A_103, %dma_wait3A_104] : memref<2x10112x128xf32, #tpu.memory_space<hbm>> -> memref<1x10112x128xf32, #tpu.memory_space<hbm>>
      %dma_wait3A_106 = tpu.memref_squeeze %dma_wait3A_105 : memref<1x10112x128xf32, #tpu.memory_space<hbm>> -> memref<10112x128xf32, #tpu.memory_space<hbm>>
      %dma_wait3A_107 = arith.constant 0 : i32
      %dma_wait3A_108 = tpu.memref_slice %dma_wait3A_106[%add3A_73, %dma_wait3A_107] : memref<10112x128xf32, #tpu.memory_space<hbm>> -> memref<128x128xf32, #tpu.memory_space<hbm>>
      %dma_wait3A_109 = arith.constant 0 : i32
      %dma_wait3A_110 = arith.constant 0 : i32
      %dma_wait3A_111 = tpu.memref_slice %arg7[%arg0, %dma_wait3A_109, %dma_wait3A_110] : memref<2x10112x128xf32, #tpu.memory_space<hbm>> -> memref<1x10112x128xf32, #tpu.memory_space<hbm>>
      %dma_wait3A_112 = tpu.memref_squeeze %dma_wait3A_111 : memref<1x10112x128xf32, #tpu.memory_space<hbm>> -> memref<10112x128xf32, #tpu.memory_space<hbm>>
      %dma_wait3A_113 = arith.constant 0 : i32
      %dma_wait3A_114 = tpu.memref_slice %dma_wait3A_112[%add3A_73, %dma_wait3A_113] : memref<10112x128xf32, #tpu.memory_space<hbm>> -> memref<128x128xf32, #tpu.memory_space<hbm>>
      %dma_wait3A_115 = arith.constant 0 : i32
      %dma_wait3A_116 = arith.constant 0 : i32
      %dma_wait3A_117 = tpu.memref_slice %arg15[%dma_wait3A_115, %dma_wait3A_116] : memref<128x128xf32, #tpu.memory_space<vmem>> -> memref<128x128xf32, #tpu.memory_space<vmem>>
      tpu.wait_dma2 semaphore(%run_scoped3A : memref<!tpu.dma_semaphore, #tpu.memory_space<semaphore_mem>>) src(%dma_wait3A_117 : memref<128x128xf32, #tpu.memory_space<vmem>>) dst(%dma_wait3A_114 : memref<128x128xf32, #tpu.memory_space<hbm>>)
      tpu.yield
    }) : () -> ()
    %add3A_74 = arith.constant 384 : i32
    %add3A_75 = arith.addi %mul3A_61, %add3A_74 : i32
    "tpu.region"() ({
      %run_scoped3A = tpu.sem_alloc : memref<!tpu.dma_semaphore, #tpu.memory_space<semaphore_mem>>
      %dma_start3A_82 = arith.constant 0 : i32
      %dma_start3A_83 = arith.constant 0 : i32
      %dma_start3A_84 = tpu.memref_slice %arg15[%dma_start3A_82, %dma_start3A_83] : memref<128x128xf32, #tpu.memory_space<vmem>> -> memref<128x128xf32, #tpu.memory_space<vmem>>
      %dma_start3A_85 = arith.constant 0 : i32
      %dma_start3A_86 = tpu.memref_slice %arg17[%add3A_75, %dma_start3A_85] : memref<10112x128xf32, #tpu.memory_space<vmem_shared>> -> memref<128x128xf32, #tpu.memory_space<vmem_shared>>
      %dma_start3A_87 = arith.constant 0 : i32
      %dma_start3A_88 = arith.constant 0 : i32
      %dma_start3A_89 = tpu.memref_slice %arg15[%dma_start3A_87, %dma_start3A_88] : memref<128x128xf32, #tpu.memory_space<vmem>> -> memref<128x128xf32, #tpu.memory_space<vmem>>
      %dma_start3A_90 = arith.constant 0 : i32
      %dma_start3A_91 = tpu.memref_slice %arg17[%add3A_75, %dma_start3A_90] : memref<10112x128xf32, #tpu.memory_space<vmem_shared>> -> memref<128x128xf32, #tpu.memory_space<vmem_shared>>
      tpu.enqueue_dma source(%dma_start3A_91 : memref<128x128xf32, #tpu.memory_space<vmem_shared>>) target(%dma_start3A_89 : memref<128x128xf32, #tpu.memory_space<vmem>>) target_semaphore(%run_scoped3A : memref<!tpu.dma_semaphore, #tpu.memory_space<semaphore_mem>>)
      %dma_wait3A_92 = arith.constant 0 : i32
      %dma_wait3A_93 = arith.constant 0 : i32
      %dma_wait3A_94 = tpu.memref_slice %arg15[%dma_wait3A_92, %dma_wait3A_93] : memref<128x128xf32, #tpu.memory_space<vmem>> -> memref<128x128xf32, #tpu.memory_space<vmem>>
      %dma_wait3A_95 = arith.constant 0 : i32
      %dma_wait3A_96 = tpu.memref_slice %arg17[%add3A_75, %dma_wait3A_95] : memref<10112x128xf32, #tpu.memory_space<vmem_shared>> -> memref<128x128xf32, #tpu.memory_space<vmem_shared>>
      %dma_wait3A_97 = arith.constant 0 : i32
      %dma_wait3A_98 = arith.constant 0 : i32
      %dma_wait3A_99 = tpu.memref_slice %arg15[%dma_wait3A_97, %dma_wait3A_98] : memref<128x128xf32, #tpu.memory_space<vmem>> -> memref<128x128xf32, #tpu.memory_space<vmem>>
      %dma_wait3A_100 = arith.constant 0 : i32
      %dma_wait3A_101 = tpu.memref_slice %arg17[%add3A_75, %dma_wait3A_100] : memref<10112x128xf32, #tpu.memory_space<vmem_shared>> -> memref<128x128xf32, #tpu.memory_space<vmem_shared>>
      tpu.wait_dma2 semaphore(%run_scoped3A : memref<!tpu.dma_semaphore, #tpu.memory_space<semaphore_mem>>) src(%dma_wait3A_101 : memref<128x128xf32, #tpu.memory_space<vmem_shared>>) dst(%dma_wait3A_99 : memref<128x128xf32, #tpu.memory_space<vmem>>)
      tpu.yield
    }) : () -> ()
    %add3A_76 = arith.constant 384 : i32
    %add3A_77 = arith.addi %mul3A_61, %add3A_76 : i32
    "tpu.region"() ({
      %run_scoped3A = tpu.sem_alloc : memref<!tpu.dma_semaphore, #tpu.memory_space<semaphore_mem>>
      %dma_start3A_82 = arith.constant 0 : i32
      %dma_start3A_83 = arith.constant 0 : i32
      %dma_start3A_84 = tpu.memref_slice %arg15[%dma_start3A_82, %dma_start3A_83] : memref<128x128xf32, #tpu.memory_space<vmem>> -> memref<128x128xf32, #tpu.memory_space<vmem>>
      %dma_start3A_85 = arith.constant 0 : i32
      %dma_start3A_86 = arith.constant 0 : i32
      %dma_start3A_87 = tpu.memref_slice %arg7[%arg0, %dma_start3A_85, %dma_start3A_86] : memref<2x10112x128xf32, #tpu.memory_space<hbm>> -> memref<1x10112x128xf32, #tpu.memory_space<hbm>>
      %dma_start3A_88 = tpu.memref_squeeze %dma_start3A_87 : memref<1x10112x128xf32, #tpu.memory_space<hbm>> -> memref<10112x128xf32, #tpu.memory_space<hbm>>
      %dma_start3A_89 = arith.constant 0 : i32
      %dma_start3A_90 = tpu.memref_slice %dma_start3A_88[%add3A_77, %dma_start3A_89] : memref<10112x128xf32, #tpu.memory_space<hbm>> -> memref<128x128xf32, #tpu.memory_space<hbm>>
      %dma_start3A_91 = arith.constant 0 : i32
      %dma_start3A_92 = arith.constant 0 : i32
      %dma_start3A_93 = tpu.memref_slice %arg7[%arg0, %dma_start3A_91, %dma_start3A_92] : memref<2x10112x128xf32, #tpu.memory_space<hbm>> -> memref<1x10112x128xf32, #tpu.memory_space<hbm>>
      %dma_start3A_94 = tpu.memref_squeeze %dma_start3A_93 : memref<1x10112x128xf32, #tpu.memory_space<hbm>> -> memref<10112x128xf32, #tpu.memory_space<hbm>>
      %dma_start3A_95 = arith.constant 0 : i32
      %dma_start3A_96 = tpu.memref_slice %dma_start3A_94[%add3A_77, %dma_start3A_95] : memref<10112x128xf32, #tpu.memory_space<hbm>> -> memref<128x128xf32, #tpu.memory_space<hbm>>
      %dma_start3A_97 = arith.constant 0 : i32
      %dma_start3A_98 = arith.constant 0 : i32
      %dma_start3A_99 = tpu.memref_slice %arg15[%dma_start3A_97, %dma_start3A_98] : memref<128x128xf32, #tpu.memory_space<vmem>> -> memref<128x128xf32, #tpu.memory_space<vmem>>
      tpu.enqueue_dma source(%dma_start3A_99 : memref<128x128xf32, #tpu.memory_space<vmem>>) target(%dma_start3A_96 : memref<128x128xf32, #tpu.memory_space<hbm>>) target_semaphore(%run_scoped3A : memref<!tpu.dma_semaphore, #tpu.memory_space<semaphore_mem>>)
      %dma_wait3A_100 = arith.constant 0 : i32
      %dma_wait3A_101 = arith.constant 0 : i32
      %dma_wait3A_102 = tpu.memref_slice %arg15[%dma_wait3A_100, %dma_wait3A_101] : memref<128x128xf32, #tpu.memory_space<vmem>> -> memref<128x128xf32, #tpu.memory_space<vmem>>
      %dma_wait3A_103 = arith.constant 0 : i32
      %dma_wait3A_104 = arith.constant 0 : i32
      %dma_wait3A_105 = tpu.memref_slice %arg7[%arg0, %dma_wait3A_103, %dma_wait3A_104] : memref<2x10112x128xf32, #tpu.memory_space<hbm>> -> memref<1x10112x128xf32, #tpu.memory_space<hbm>>
      %dma_wait3A_106 = tpu.memref_squeeze %dma_wait3A_105 : memref<1x10112x128xf32, #tpu.memory_space<hbm>> -> memref<10112x128xf32, #tpu.memory_space<hbm>>
      %dma_wait3A_107 = arith.constant 0 : i32
      %dma_wait3A_108 = tpu.memref_slice %dma_wait3A_106[%add3A_77, %dma_wait3A_107] : memref<10112x128xf32, #tpu.memory_space<hbm>> -> memref<128x128xf32, #tpu.memory_space<hbm>>
      %dma_wait3A_109 = arith.constant 0 : i32
      %dma_wait3A_110 = arith.constant 0 : i32
      %dma_wait3A_111 = tpu.memref_slice %arg7[%arg0, %dma_wait3A_109, %dma_wait3A_110] : memref<2x10112x128xf32, #tpu.memory_space<hbm>> -> memref<1x10112x128xf32, #tpu.memory_space<hbm>>
      %dma_wait3A_112 = tpu.memref_squeeze %dma_wait3A_111 : memref<1x10112x128xf32, #tpu.memory_space<hbm>> -> memref<10112x128xf32, #tpu.memory_space<hbm>>
      %dma_wait3A_113 = arith.constant 0 : i32
      %dma_wait3A_114 = tpu.memref_slice %dma_wait3A_112[%add3A_77, %dma_wait3A_113] : memref<10112x128xf32, #tpu.memory_space<hbm>> -> memref<128x128xf32, #tpu.memory_space<hbm>>
      %dma_wait3A_115 = arith.constant 0 : i32
      %dma_wait3A_116 = arith.constant 0 : i32
      %dma_wait3A_117 = tpu.memref_slice %arg15[%dma_wait3A_115, %dma_wait3A_116] : memref<128x128xf32, #tpu.memory_space<vmem>> -> memref<128x128xf32, #tpu.memory_space<vmem>>
      tpu.wait_dma2 semaphore(%run_scoped3A : memref<!tpu.dma_semaphore, #tpu.memory_space<semaphore_mem>>) src(%dma_wait3A_117 : memref<128x128xf32, #tpu.memory_space<vmem>>) dst(%dma_wait3A_114 : memref<128x128xf32, #tpu.memory_space<hbm>>)
      tpu.yield
    }) : () -> ()
    %add3A_78 = arith.constant 512 : i32
    %add3A_79 = arith.addi %mul3A_61, %add3A_78 : i32
    "tpu.region"() ({
      %run_scoped3A = tpu.sem_alloc : memref<!tpu.dma_semaphore, #tpu.memory_space<semaphore_mem>>
      %dma_start3A_82 = arith.constant 0 : i32
      %dma_start3A_83 = arith.constant 0 : i32
      %dma_start3A_84 = tpu.memref_slice %arg15[%dma_start3A_82, %dma_start3A_83] : memref<128x128xf32, #tpu.memory_space<vmem>> -> memref<120x128xf32, #tpu.memory_space<vmem>>
      %dma_start3A_85 = arith.constant 0 : i32
      %dma_start3A_86 = tpu.memref_slice %arg17[%add3A_79, %dma_start3A_85] : memref<10112x128xf32, #tpu.memory_space<vmem_shared>> -> memref<120x128xf32, #tpu.memory_space<vmem_shared>>
      %dma_start3A_87 = arith.constant 0 : i32
      %dma_start3A_88 = arith.constant 0 : i32
      %dma_start3A_89 = tpu.memref_slice %arg15[%dma_start3A_87, %dma_start3A_88] : memref<128x128xf32, #tpu.memory_space<vmem>> -> memref<120x128xf32, #tpu.memory_space<vmem>>
      %dma_start3A_90 = arith.constant 0 : i32
      %dma_start3A_91 = tpu.memref_slice %arg17[%add3A_79, %dma_start3A_90] : memref<10112x128xf32, #tpu.memory_space<vmem_shared>> -> memref<120x128xf32, #tpu.memory_space<vmem_shared>>
      tpu.enqueue_dma source(%dma_start3A_91 : memref<120x128xf32, #tpu.memory_space<vmem_shared>>) target(%dma_start3A_89 : memref<120x128xf32, #tpu.memory_space<vmem>>) target_semaphore(%run_scoped3A : memref<!tpu.dma_semaphore, #tpu.memory_space<semaphore_mem>>)
      %dma_wait3A_92 = arith.constant 0 : i32
      %dma_wait3A_93 = arith.constant 0 : i32
      %dma_wait3A_94 = tpu.memref_slice %arg15[%dma_wait3A_92, %dma_wait3A_93] : memref<128x128xf32, #tpu.memory_space<vmem>> -> memref<120x128xf32, #tpu.memory_space<vmem>>
      %dma_wait3A_95 = arith.constant 0 : i32
      %dma_wait3A_96 = tpu.memref_slice %arg17[%add3A_79, %dma_wait3A_95] : memref<10112x128xf32, #tpu.memory_space<vmem_shared>> -> memref<120x128xf32, #tpu.memory_space<vmem_shared>>
      %dma_wait3A_97 = arith.constant 0 : i32
      %dma_wait3A_98 = arith.constant 0 : i32
      %dma_wait3A_99 = tpu.memref_slice %arg15[%dma_wait3A_97, %dma_wait3A_98] : memref<128x128xf32, #tpu.memory_space<vmem>> -> memref<120x128xf32, #tpu.memory_space<vmem>>
      %dma_wait3A_100 = arith.constant 0 : i32
      %dma_wait3A_101 = tpu.memref_slice %arg17[%add3A_79, %dma_wait3A_100] : memref<10112x128xf32, #tpu.memory_space<vmem_shared>> -> memref<120x128xf32, #tpu.memory_space<vmem_shared>>
      tpu.wait_dma2 semaphore(%run_scoped3A : memref<!tpu.dma_semaphore, #tpu.memory_space<semaphore_mem>>) src(%dma_wait3A_101 : memref<120x128xf32, #tpu.memory_space<vmem_shared>>) dst(%dma_wait3A_99 : memref<120x128xf32, #tpu.memory_space<vmem>>)
      tpu.yield
    }) : () -> ()
    %add3A_80 = arith.constant 512 : i32
    %add3A_81 = arith.addi %mul3A_61, %add3A_80 : i32
    "tpu.region"() ({
      %run_scoped3A = tpu.sem_alloc : memref<!tpu.dma_semaphore, #tpu.memory_space<semaphore_mem>>
      %dma_start3A_82 = arith.constant 0 : i32
      %dma_start3A_83 = arith.constant 0 : i32
      %dma_start3A_84 = tpu.memref_slice %arg15[%dma_start3A_82, %dma_start3A_83] : memref<128x128xf32, #tpu.memory_space<vmem>> -> memref<120x128xf32, #tpu.memory_space<vmem>>
      %dma_start3A_85 = arith.constant 0 : i32
      %dma_start3A_86 = arith.constant 0 : i32
      %dma_start3A_87 = tpu.memref_slice %arg7[%arg0, %dma_start3A_85, %dma_start3A_86] : memref<2x10112x128xf32, #tpu.memory_space<hbm>> -> memref<1x10112x128xf32, #tpu.memory_space<hbm>>
      %dma_start3A_88 = tpu.memref_squeeze %dma_start3A_87 : memref<1x10112x128xf32, #tpu.memory_space<hbm>> -> memref<10112x128xf32, #tpu.memory_space<hbm>>
      %dma_start3A_89 = arith.constant 0 : i32
      %dma_start3A_90 = tpu.memref_slice %dma_start3A_88[%add3A_81, %dma_start3A_89] : memref<10112x128xf32, #tpu.memory_space<hbm>> -> memref<120x128xf32, #tpu.memory_space<hbm>>
      %dma_start3A_91 = arith.constant 0 : i32
      %dma_start3A_92 = arith.constant 0 : i32
      %dma_start3A_93 = tpu.memref_slice %arg7[%arg0, %dma_start3A_91, %dma_start3A_92] : memref<2x10112x128xf32, #tpu.memory_space<hbm>> -> memref<1x10112x128xf32, #tpu.memory_space<hbm>>
      %dma_start3A_94 = tpu.memref_squeeze %dma_start3A_93 : memref<1x10112x128xf32, #tpu.memory_space<hbm>> -> memref<10112x128xf32, #tpu.memory_space<hbm>>
      %dma_start3A_95 = arith.constant 0 : i32
      %dma_start3A_96 = tpu.memref_slice %dma_start3A_94[%add3A_81, %dma_start3A_95] : memref<10112x128xf32, #tpu.memory_space<hbm>> -> memref<120x128xf32, #tpu.memory_space<hbm>>
      %dma_start3A_97 = arith.constant 0 : i32
      %dma_start3A_98 = arith.constant 0 : i32
      %dma_start3A_99 = tpu.memref_slice %arg15[%dma_start3A_97, %dma_start3A_98] : memref<128x128xf32, #tpu.memory_space<vmem>> -> memref<120x128xf32, #tpu.memory_space<vmem>>
      tpu.enqueue_dma source(%dma_start3A_99 : memref<120x128xf32, #tpu.memory_space<vmem>>) target(%dma_start3A_96 : memref<120x128xf32, #tpu.memory_space<hbm>>) target_semaphore(%run_scoped3A : memref<!tpu.dma_semaphore, #tpu.memory_space<semaphore_mem>>)
      %dma_wait3A_100 = arith.constant 0 : i32
      %dma_wait3A_101 = arith.constant 0 : i32
      %dma_wait3A_102 = tpu.memref_slice %arg15[%dma_wait3A_100, %dma_wait3A_101] : memref<128x128xf32, #tpu.memory_space<vmem>> -> memref<120x128xf32, #tpu.memory_space<vmem>>
      %dma_wait3A_103 = arith.constant 0 : i32
      %dma_wait3A_104 = arith.constant 0 : i32
      %dma_wait3A_105 = tpu.memref_slice %arg7[%arg0, %dma_wait3A_103, %dma_wait3A_104] : memref<2x10112x128xf32, #tpu.memory_space<hbm>> -> memref<1x10112x128xf32, #tpu.memory_space<hbm>>
      %dma_wait3A_106 = tpu.memref_squeeze %dma_wait3A_105 : memref<1x10112x128xf32, #tpu.memory_space<hbm>> -> memref<10112x128xf32, #tpu.memory_space<hbm>>
      %dma_wait3A_107 = arith.constant 0 : i32
      %dma_wait3A_108 = tpu.memref_slice %dma_wait3A_106[%add3A_81, %dma_wait3A_107] : memref<10112x128xf32, #tpu.memory_space<hbm>> -> memref<120x128xf32, #tpu.memory_space<hbm>>
      %dma_wait3A_109 = arith.constant 0 : i32
      %dma_wait3A_110 = arith.constant 0 : i32
      %dma_wait3A_111 = tpu.memref_slice %arg7[%arg0, %dma_wait3A_109, %dma_wait3A_110] : memref<2x10112x128xf32, #tpu.memory_space<hbm>> -> memref<1x10112x128xf32, #tpu.memory_space<hbm>>
      %dma_wait3A_112 = tpu.memref_squeeze %dma_wait3A_111 : memref<1x10112x128xf32, #tpu.memory_space<hbm>> -> memref<10112x128xf32, #tpu.memory_space<hbm>>
      %dma_wait3A_113 = arith.constant 0 : i32
      %dma_wait3A_114 = tpu.memref_slice %dma_wait3A_112[%add3A_81, %dma_wait3A_113] : memref<10112x128xf32, #tpu.memory_space<hbm>> -> memref<120x128xf32, #tpu.memory_space<hbm>>
      %dma_wait3A_115 = arith.constant 0 : i32
      %dma_wait3A_116 = arith.constant 0 : i32
      %dma_wait3A_117 = tpu.memref_slice %arg15[%dma_wait3A_115, %dma_wait3A_116] : memref<128x128xf32, #tpu.memory_space<vmem>> -> memref<120x128xf32, #tpu.memory_space<vmem>>
      tpu.wait_dma2 semaphore(%run_scoped3A : memref<!tpu.dma_semaphore, #tpu.memory_space<semaphore_mem>>) src(%dma_wait3A_117 : memref<120x128xf32, #tpu.memory_space<vmem>>) dst(%dma_wait3A_114 : memref<120x128xf32, #tpu.memory_space<hbm>>)
      tpu.yield
    }) : () -> ()
    return
  }
}

module attributes {stable_mosaic.version = 14 : i64} {
  func.func @_tc_prep_body(%arg0: memref<10000x128xf32, #tpu.memory_space<vmem>>, %arg1: memref<10000x128xf32, #tpu.memory_space<vmem>>, %arg2: memref<128x128xf32, #tpu.memory_space<vmem>>, %arg3: memref<128x1xf32, #tpu.memory_space<vmem>>, %arg4: memref<128x1xf32, #tpu.memory_space<vmem>>, %arg5: memref<10000x128xf32, #tpu.memory_space<vmem>>, %arg6: memref<10000x1xf32, #tpu.memory_space<vmem>>, %arg7: memref<10000x1xf32, #tpu.memory_space<vmem>>) attributes {dimension_semantics = [], scalar_prefetch = 0 : i64, scratch_operands = 0 : i64, tpu.core_type = #tpu.core_type<tc>} {
    %get3A = arith.constant 0 : index
    %get3A_0 = arith.constant 0 : index
    %get3A_1 = vector.load %arg0[%get3A, %get3A_0] : memref<10000x128xf32, #tpu.memory_space<vmem>>, vector<10000x128xf32>
    %get3A_2 = arith.constant 0 : index
    %get3A_3 = arith.constant 0 : index
    %get3A_4 = vector.load %arg2[%get3A_2, %get3A_3] : memref<128x128xf32, #tpu.memory_space<vmem>>, vector<128x128xf32>
    %dot_general3A = arith.constant dense<0.000000e+00> : vector<10000x128xf32>
    %dot_general3A_5 = tpu.matmul %get3A_1, %get3A_4, %dot_general3A {dimension_numbers = #tpu.dot_dimension_numbers<[1], [0], [0], [1], [0, 0, 1, 1], [], []>, transpose_lhs_hint = false} : vector<10000x128xf32>, vector<128x128xf32>, vector<10000x128xf32> -> vector<10000x128xf32>
    %swap3A = arith.constant 0 : index
    %swap3A_6 = arith.constant 0 : index
    %swap3A_7 = vector.load %arg5[%swap3A, %swap3A_6] : memref<10000x128xf32, #tpu.memory_space<vmem>>, vector<10000x128xf32>
    tpu.vector_store %arg5[%swap3A, %swap3A_6], %dot_general3A_5 {strides = array<i32>} : memref<10000x128xf32, #tpu.memory_space<vmem>>, vector<10000x128xf32>,
    %get3A_8 = arith.constant 0 : index
    %get3A_9 = arith.constant 0 : index
    %get3A_10 = vector.load %arg1[%get3A_8, %get3A_9] : memref<10000x128xf32, #tpu.memory_space<vmem>>, vector<10000x128xf32>
    %get3A_11 = arith.constant 0 : index
    %get3A_12 = arith.constant 0 : index
    %get3A_13 = vector.load %arg3[%get3A_11, %get3A_12] : memref<128x1xf32, #tpu.memory_space<vmem>>, vector<128x1xf32>
    %dot_general3A_14 = arith.constant dense<0.000000e+00> : vector<10000x1xf32>
    %dot_general3A_15 = tpu.matmul %get3A_10, %get3A_13, %dot_general3A_14 {dimension_numbers = #tpu.dot_dimension_numbers<[1], [0], [0], [1], [0, 0, 1, 1], [], []>, transpose_lhs_hint = false} : vector<10000x128xf32>, vector<128x1xf32>, vector<10000x1xf32> -> vector<10000x1xf32>
    %swap3A_16 = arith.constant 0 : index
    %swap3A_17 = arith.constant 0 : index
    %swap3A_18 = vector.load %arg6[%swap3A_16, %swap3A_17] : memref<10000x1xf32, #tpu.memory_space<vmem>>, vector<10000x1xf32>
    tpu.vector_store %arg6[%swap3A_16, %swap3A_17], %dot_general3A_15 {strides = array<i32>} : memref<10000x1xf32, #tpu.memory_space<vmem>>, vector<10000x1xf32>,
    %get3A_19 = arith.constant 0 : index
    %get3A_20 = arith.constant 0 : index
    %get3A_21 = vector.load %arg4[%get3A_19, %get3A_20] : memref<128x1xf32, #tpu.memory_space<vmem>>, vector<128x1xf32>
    %dot_general3A_22 = arith.constant dense<0.000000e+00> : vector<10000x1xf32>
    %dot_general3A_23 = tpu.matmul %dot_general3A_5, %get3A_21, %dot_general3A_22 {dimension_numbers = #tpu.dot_dimension_numbers<[1], [0], [0], [1], [0, 0, 1, 1], [], []>, transpose_lhs_hint = false} : vector<10000x128xf32>, vector<128x1xf32>, vector<10000x1xf32> -> vector<10000x1xf32>
    %swap3A_24 = arith.constant 0 : index
    %swap3A_25 = arith.constant 0 : index
    %swap3A_26 = vector.load %arg7[%swap3A_24, %swap3A_25] : memref<10000x1xf32, #tpu.memory_space<vmem>>, vector<10000x1xf32>
    tpu.vector_store %arg7[%swap3A_24, %swap3A_25], %dot_general3A_23 {strides = array<i32>} : memref<10000x1xf32, #tpu.memory_space<vmem>>, vector<10000x1xf32>,
    return
  }
}

module attributes {stable_mosaic.version = 14 : i64} {
  func.func @_tc_den_body(%arg0: memref<2x79x128xf32, #tpu.memory_space<vmem>>, %arg1: memref<79x128xf32, #tpu.memory_space<vmem>>) attributes {dimension_semantics = [], scalar_prefetch = 0 : i64, scratch_operands = 0 : i64, tpu.core_type = #tpu.core_type<tc>} {
    %get3A = arith.constant 0 : index
    %get3A_0 = arith.constant 0 : index
    %get3A_1 = arith.constant 0 : index
    %get3A_2 = vector.load %arg0[%get3A, %get3A_0, %get3A_1] : memref<2x79x128xf32, #tpu.memory_space<vmem>>, vector<1x79x128xf32>
    %get3A_3 = vector.shape_cast %get3A_2 : vector<1x79x128xf32> to vector<79x128xf32>
    %get3A_4 = arith.constant 1 : index
    %get3A_5 = arith.constant 0 : index
    %get3A_6 = arith.constant 0 : index
    %get3A_7 = vector.load %arg0[%get3A_4, %get3A_5, %get3A_6] : memref<2x79x128xf32, #tpu.memory_space<vmem>>, vector<1x79x128xf32>
    %get3A_8 = vector.shape_cast %get3A_7 : vector<1x79x128xf32> to vector<79x128xf32>
    %add3A = arith.addf %get3A_3, %get3A_8 : vector<79x128xf32>
    %swap3A = arith.constant 0 : index
    %swap3A_9 = arith.constant 0 : index
    %swap3A_10 = vector.load %arg1[%swap3A, %swap3A_9] : memref<79x128xf32, #tpu.memory_space<vmem>>, vector<79x128xf32>
    tpu.vector_store %arg1[%swap3A, %swap3A_9], %add3A {strides = array<i32>} : memref<79x128xf32, #tpu.memory_space<vmem>>, vector<79x128xf32>,
    return
  }
}

module attributes {stable_mosaic.version = 14 : i64} {
  func.func @_tc_final_body(%arg0: memref<10000x128xf32, #tpu.memory_space<vmem>>, %arg1: memref<2x10112x128xf32, #tpu.memory_space<vmem>>, %arg2: memref<2x10112x1xf32, #tpu.memory_space<vmem>>, %arg3: memref<10000x128xf32, #tpu.memory_space<vmem>>) attributes {dimension_semantics = [], scalar_prefetch = 0 : i64, scratch_operands = 0 : i64, tpu.core_type = #tpu.core_type<tc>} {
    %get3A = arith.constant 0 : index
    %get3A_0 = arith.constant 0 : index
    %get3A_1 = arith.constant 0 : index
    %get3A_2 = vector.load %arg2[%get3A, %get3A_0, %get3A_1] : memref<2x10112x1xf32, #tpu.memory_space<vmem>>, vector<1x10000x1xf32>
    %get3A_3 = vector.shape_cast %get3A_2 : vector<1x10000x1xf32> to vector<10000x1xf32>
    %get3A_4 = arith.constant 1 : index
    %get3A_5 = arith.constant 0 : index
    %get3A_6 = arith.constant 0 : index
    %get3A_7 = vector.load %arg2[%get3A_4, %get3A_5, %get3A_6] : memref<2x10112x1xf32, #tpu.memory_space<vmem>>, vector<1x10000x1xf32>
    %get3A_8 = vector.shape_cast %get3A_7 : vector<1x10000x1xf32> to vector<10000x1xf32>
    %add3A = arith.addf %get3A_3, %get3A_8 : vector<10000x1xf32>
    %max3A = arith.constant 1.000000e+00 : f32
    %max3A_9 = vector.broadcast %max3A : f32 to vector<10000x1xf32>
    %max3A_10 = arith.maximumf %add3A, %max3A_9 : vector<10000x1xf32>
    %get3A_11 = arith.constant 0 : index
    %get3A_12 = arith.constant 0 : index
    %get3A_13 = arith.constant 0 : index
    %get3A_14 = vector.load %arg1[%get3A_11, %get3A_12, %get3A_13] : memref<2x10112x128xf32, #tpu.memory_space<vmem>>, vector<1x10000x128xf32>
    %get3A_15 = vector.shape_cast %get3A_14 : vector<1x10000x128xf32> to vector<10000x128xf32>
    %get3A_16 = arith.constant 1 : index
    %get3A_17 = arith.constant 0 : index
    %get3A_18 = arith.constant 0 : index
    %get3A_19 = vector.load %arg1[%get3A_16, %get3A_17, %get3A_18] : memref<2x10112x128xf32, #tpu.memory_space<vmem>>, vector<1x10000x128xf32>
    %get3A_20 = vector.shape_cast %get3A_19 : vector<1x10000x128xf32> to vector<10000x128xf32>
    %add3A_21 = arith.addf %get3A_15, %get3A_20 : vector<10000x128xf32>
    %mul3A = arith.mulf %max3A_10, %max3A_10 : vector<10000x1xf32>
    %div3A = arith.divf %add3A, %mul3A : vector<10000x1xf32>
    %get3A_22 = arith.constant 0 : index
    %get3A_23 = arith.constant 0 : index
    %get3A_24 = vector.load %arg0[%get3A_22, %get3A_23] : memref<10000x128xf32, #tpu.memory_space<vmem>>, vector<10000x128xf32>
    %mul3A_25 = vector.broadcast %div3A : vector<10000x1xf32> to vector<10000x128xf32>
    %mul3A_26 = arith.mulf %mul3A_25, %get3A_24 : vector<10000x128xf32>
    %add3A_27 = arith.addf %mul3A_26, %add3A_21 : vector<10000x128xf32>
    %swap3A = arith.constant 0 : index
    %swap3A_28 = arith.constant 0 : index
    %swap3A_29 = vector.load %arg3[%swap3A, %swap3A_28] : memref<10000x128xf32, #tpu.memory_space<vmem>>, vector<10000x128xf32>
    tpu.vector_store %arg3[%swap3A, %swap3A_28], %add3A_27 {strides = array<i32>} : memref<10000x128xf32, #tpu.memory_space<vmem>>, vector<10000x128xf32>,
    return
  }
}

</mosaic_0001>

<sc_bundles>
// kernel: kernel.10.cloned.1.call-start
scs
__scs_entry_jumppad:
0x0: {  	(pc) =	sbr.rel $0x88, $3  }
0x1: {  	(tag) =	ssettag $0x0;
	lr =	simm.s32 $0x1  }
0x2: {  	[smem:$0x3F9C] =	sst lr;
	_ =	strace $0xD0000000  }
0x3: {  	_ = 	snop  }
0x4: {  	_ = 	snop  }
0x5: {  	_ = 	snop  }
0x6: {  	_ = 	snop  }
0x7: {  	_ = 	snop  }
__scs_overlays_trampoline_lowered:
0x8: {  	[smem:$0x3FAB] =	sst s0  }
0x9: {  	[smem:$0x3FAC] =	sst s1  }
0xa: {  	[smem:$0x3FAD] =	sst s2  }
0xb: {  	[smem:$0x3FAE] =	sst s3  }
0xc: {  	[smem:$0x3FAF] =	sst s4  }
0xd: {  	[smem:$0x3FB0] =	sst s5  }
0xe: {  	[smem:$0x3FB1] =	sst s6  }
0xf: {  	[smem:$0x3FB2] =	sst s7  }
0x10: {  	[smem:$0x3FB3] =	sst s8  }
0x11: {  	[smem:$0x3FB4] =	sst s9;
	s0 =	simm.s32 @!p0 $0x0  }
0x12: {  	s1 =	sld [smem:$0x3F9A];
	s0 =	simm.s32 @p0 $0x1  }
0x13: {  	[smem:$0x3FB5] =	sst s0;
	s0 =	simm.s32 @!p1 $0x0  }
0x14: {  	s2 =	sld [smem:$0x3F99];
	s0 =	simm.s32 @p1 $0x1  }
0x15: {  	[smem:$0x3FB6] =	sst s0;
	s0 =	simm.s32 @!p2 $0x0  }
0x16: {  	s3 =	sld [smem:$0x3FDB];
	s0 =	simm.s32 @p2 $0x1  }
0x17: {  	s4 =	simm.s32 $0x1BF5;
	[smem:$0x3FB8] =	sst s0  }
0x18: {  	s0 =	sld [smem:$0x3F9B];
	_ =	swait.ge [sflag:s4], $0x0  }
0x19: {  	s7 =	sld [smem:$0x3F9C]  }
0x1a: {  	s8 =	sadd.s32 $0xFFFFE003, lr  }
0x1b: {  	s9 =	sadd.s32 $0xFFFFFEF7, lr;
	s5 =	simm.s32 $0xFFFFFFFF;
	p2 =	slt.u32 s8, $0xFFFFF086  }
0x1c: {  	p1 =	slt.u32 s9, $0xF7A;
	s5 =	simm.s32 @!p2 $0x0  }
0x1d: {  	s5 =	simm.s32 @p1 $0x1;
	p0 =	seq.s32 s7, s2  }
0x1e: {  	s7 =	smul.u32 @!p0 $0xF7A, s2;
	p2 =	seq.s32 @!p0 s5, $0x0  }
0x1f: {  	s9 =	smul.u32 $0xF7A, s1;
	s8 =	simm.s32 @!p0 $0x1BF5;
	p2 =	por !p2, p0  }
0x20: {  	[sflag:s8] =	ssyncset.s32 @!p0 $0xFFFFF086;
	s6 =	sadd.s32 @!p0 s3, s7;
	s7 =	simm.s32 @!p0 $0x108  }
0x21: {  	s3 =	sadd.s32 s3, s9;
	s6 =	sadd.s32 @!p0 $0x88, s6;
	s7 =	simm.s32 @p2 $0x1082  }
0x22: {  	[simem:s7], [sflag:s8] =	dma.local @!p0 [hbm:s6], $0xF7A  }
0x23: {  	s9 =	sor.u32 $0xD0000000, s2;
	s6 =	simm.s32 $0x108;
	_ =	swait.ge @!p0 [sflag:s8], $0x0  }
0x24: {  	s3 =	sadd.s32 $0x88, s3;
	s6 =	simm.s32 @!p1 $0x1082;
	[sflag:s4] =	ssyncset.s32 $0xFFFFF086  }
0x25: {  	[simem:s6], [sflag:s4] =	dma.local [hbm:s3], $0xF7A  }
0x26: {  	[smem:$0x3F9C] =	sst s1;
	(tag) =	ssettag s2;
	_ =	strace s9  }
0x27: {  	s1 =	sld [smem:$0x3FAC]  }
0x28: {  	s2 =	sld [smem:$0x3FAD]  }
0x29: {  	s4 =	sld [smem:$0x3FAF]  }
0x2a: {  	p0 =	seq.s32 s5, $0x0;
	s5 =	sld [smem:$0x3FB0]  }
0x2b: {  	s6 =	sld [smem:$0x3FB1]  }
0x2c: {  	s7 =	sld [smem:$0x3FB2]  }
0x2d: {  	s3 =	simm.s32 $0x108;
	s8 =	sld [smem:$0x3FB3]  }
0x2e: {  	s3 =	simm.s32 @!p0 $0x1082;
	s9 =	sld [smem:$0x3FB4]  }
0x2f: {  	lr =	sadd.s32 s0, s3;
	s0 =	sld [smem:$0x3FAB]  }
0x30: {  	s3 =	sld [smem:$0x3FAE]  }
0x31: {  	[smem:$0x3FB7] =	sst s10  }
0x32: {  	s10 =	sld [smem:$0x3FB5];
	_ =	sdelay $0x3  }
0x33: {  	p0 =	seq.s32 s10, $0x1;
	s10 =	sld [smem:$0x3FB7];
	_ =	sdelay $0x3  }
0x34: {  	[smem:$0x3FB7] =	sst s10  }
0x35: {  	s10 =	sld [smem:$0x3FB6];
	_ =	sdelay $0x3  }
0x36: {  	p1 =	seq.s32 s10, $0x1;
	s10 =	sld [smem:$0x3FB7];
	_ =	sdelay $0x3  }
0x37: {  	[smem:$0x3FB7] =	sst s10  }
0x38: {  	s10 =	sld [smem:$0x3FB8]  }
0x39: {  	_ = 	snop;
	(pc) =	sbr.ind lr, $3  }
0x3a: {  	_ = 	snop  }
0x3b: {  	_ = 	snop  }
0x3c: {  	p2 =	seq.s32 s10, $0x1;
	s10 =	sld [smem:$0x3FB7]  }
0x3d: {  	_ =	shalt  }
0x3e: {  	_ =	shalt  }
0x3f: {  	_ =	shalt  }
0x40: {  	_ =	shalt  }
0x41: {  	_ =	shalt  }
0x42: {  	_ =	shalt  }
0x43: {  	_ =	shalt  }
0x44: {  	_ =	shalt  }
0x45: {  	_ =	shalt  }
0x46: {  	_ =	shalt  }
0x47: {  	_ =	shalt  }
0x48: {  	_ =	shalt  }
0x49: {  	_ =	shalt  }
0x4a: {  	_ =	shalt  }
0x4b: {  	_ =	shalt  }
0x4c: {  	_ =	shalt  }
0x4d: {  	_ =	shalt  }
0x4e: {  	_ =	shalt  }
0x4f: {  	_ =	shalt  }
0x50: {  	_ =	shalt  }
0x51: {  	_ =	shalt  }
0x52: {  	_ =	shalt  }
0x53: {  	_ =	shalt  }
0x54: {  	_ =	shalt  }
0x55: {  	_ =	shalt  }
0x56: {  	_ =	shalt  }
0x57: {  	_ =	shalt  }
0x58: {  	_ =	shalt  }
0x59: {  	_ =	shalt  }
0x5a: {  	_ =	shalt  }
0x5b: {  	_ =	shalt  }
0x5c: {  	_ =	shalt  }
0x5d: {  	_ =	shalt  }
0x5e: {  	_ =	shalt  }
0x5f: {  	_ =	shalt  }
0x60: {  	_ =	shalt  }
0x61: {  	_ =	shalt  }
0x62: {  	_ =	shalt  }
0x63: {  	_ =	shalt  }
0x64: {  	_ =	shalt  }
0x65: {  	_ =	shalt  }
0x66: {  	_ =	shalt  }
0x67: {  	_ =	shalt  }
0x68: {  	_ =	shalt  }
0x69: {  	_ =	shalt  }
0x6a: {  	_ =	shalt  }
0x6b: {  	_ =	shalt  }
0x6c: {  	_ =	shalt  }
0x6d: {  	_ =	shalt  }
0x6e: {  	_ =	shalt  }
0x6f: {  	_ =	shalt  }
0x70: {  	_ =	shalt  }
0x71: {  	_ =	shalt  }
0x72: {  	_ =	shalt  }
0x73: {  	_ =	shalt  }
0x74: {  	_ =	shalt  }
0x75: {  	_ =	shalt  }
0x76: {  	_ =	shalt  }
0x77: {  	_ =	shalt  }
0x78: {  	_ =	shalt  }
0x79: {  	_ =	shalt  }
0x7a: {  	_ =	shalt  }
0x7b: {  	_ =	shalt  }
0x7c: {  	_ =	shalt  }
0x7d: {  	_ =	shalt  }
0x7e: {  	_ =	shalt  }
0x7f: {  	_ =	shalt  }
0x80: {  	_ =	shalt  }
0x81: {  	_ =	shalt  }
0x82: {  	_ =	shalt  }
0x83: {  	_ =	shalt  }
0x84: {  	_ =	shalt  }
0x85: {  	_ =	shalt  }
0x86: {  	_ =	shalt  }
0x87: {  	_ =	shalt  }
.Lfunc_end0:
.L_simem_size_0:
called_computation.1_lowered:
.L_overlay_start_0:
0x88: {  	s2 =	sld [smem:$0x3FD9]  }
0x89: {  	s3 =	sld [smem:$0x3FFE];
	_ =	sdelay $0x1  }
0x8a: {  	s1 =	srdreg.scid  }
0x8b: {  	s0 =	sand.u32 $0x1, s1  }
0x8c: {  	s17 =	sshll.u32 s0, $0xA;
	s2 =	sadd.s32 s3, s2  }
0x8d: {  	s2 =	sadd.s32 s2, s17  }
0x8e: {  	[smem:$0x3FC3] =	sst s2  }
0x8f: {  	_ = 	snop  }
0x90: {  	s2 =	sld [smem:$0x3FC8]  }
0x91: {  	s18 =	sld [smem:$0x3FD0];
	(tm) =	ssettm $0x1  }
0x92: {  	s4 =	sld [smem:$0x3FFB];
	_ =	sdelay $0x3  }
0x93: {  	_ =	strace s4  }
0x94: {  	s4 =	sld [smem:$0x3FFC];
	_ =	sdelay $0x3  }
0x95: {  	_ =	strace s4  }
0x96: {  	s4 =	sld [smem:$0x3FFD];
	_ =	sdelay $0x3  }
0x97: {  	_ =	strace s4  }
0x98: {  	_ =	strace $0x8FFFFFFF  }
0x99: {  	s19 =	sld [smem:$0x3FDB];
	_ =	sdelay $0x1  }
0x9a: {  	s5 =	simm.s32 $_scs_section_size  }
0x9b: {  	s6 =	simm.s32 $_size__tile_overlayer_lowered;
	s7 =	simm.s32 $_tile_overlayer_lowered  }
0x9c: {  	s22 =	simm.s32 $0x1BFF;
	s21 =	sshll.u32 s7, $0x1;
	s4 =	sadd.s32 s5, s19  }
0x9d: {  	s8 =	simm.s32 $0x0;
	s20 =	sshll.u32 s6, $0x1;
	s6 =	sadd.s32 s21, s4  }
0x9e: {  	[timem:s8], [sflag:s22] =	dma.local [hbm:s6], s20  }
0x9f: {  	_ =	swait.ge [sflag:s22], s20  }
0xa0: {  	s5 =	ssub.s32 $0x0, s20;
	[sflag:s22] =	ssyncset.done $0x0  }
0xa1: {  	[sflag:s22] =	ssyncadd.s32 s5;
	_ =	sdelay $0x1  }
0xa2: {  	s23 =	simm.s32 $0x1B8B  }
0xa3: {  	_ =	swait.ge [sflag:s23], $0x1  }
0xa4: {  	[sflag:s23] =	ssyncset.done $0x0  }
0xa5: {  	s25 =	simm.s32 $0x1B8E;
	s24 =	sld [smem:$0x3FFE];
	[sflag:s23] =	ssyncadd.s32 $0xFFFFFFFF  }
0xa6: {  	s26 =	simm.s32 $execute0_lowered;
	[smem:$0x3FD2] =	sst s25  }
0xa7: {  	s6 =	sshll.u32 s26, $0x1;
	_ =	strace $0x80000049;
	[dreg:$0x1] =	wrdreg $0xFFFFFFFF  }
0xa8: {  	s28 =	simm.s32 $_size_execute0_lowered;
	s4 =	sadd.s32 s4, s6;
	[dreg:$0x0] =	wrdreg $0x0  }
0xa9: {  	s6 =	sshll.u32 s28, $0x1;
	[dreg:$0x2] =	wrdreg s4  }
0xaa: {  	[dreg:$0x3] =	wrdreg s6  }
0xab: {  	[dreg:$0x4] =	wrdreg $0xC0  }
0xac: {  	_ =	task [dreg:s8], $0x5FFFF  }
0xad: {  	[dreg:$0x1] =	wrdreg $0xFFFFFFFF  }
0xae: {  	[dreg:$0x0] =	wrdreg $0x60  }
0xaf: {  	[dreg:$0x2] =	wrdreg s2  }
0xb0: {  	[dreg:$0x3] =	wrdreg s24  }
0xb1: {  	[dreg:$0x4] =	wrdreg s18  }
0xb2: {  	[dreg:$0x5] =	wrdreg $0xAA800  }
0xb3: {  	[dreg:$0x6] =	wrdreg $0x9  }
0xb4: {  	_ =	task.clear_ibuf [dreg:s8], $0x7FFFF;
	_ =	strace $0x90000049  }
0xb5: {  	s29 =	simm.s32 $0x9;
	_ =	strace $0x8000004B  }
0xb6: {  	_ =	swait.ge [sflag:s29], $0x1  }
0xb7: {  	[sflag:s29] =	ssyncadd.s32 $0xFFFFFFFF  }
0xb8: {  	_ =	strace $0x9000004B  }
0xb9: {  	_ =	sfence  }
0xba: {  	s30 =	sld [smem:$0x0];
	_ =	sdelay $0x2  }
0xbb: {  	s31 =	sshll.u32 s1, $0xD;
	s1 =	sshrl.u32 s1, $0x2  }
0xbc: {  	s3 =	sand.u32 $0x4000, s31;
	s1 =	sadd.s32 s1, s30  }
0xbd: {  	s0 =	sor.u32 s3, s0;
	s1 =	sshll.u32 s1, $0x11  }
0xbe: {  	s0 =	sor.u32 s1, s0  }
0xbf: {  	s0 =	sadd.s32 $0x8F2B, s0  }
0xc0: {  	[sflag:s0] =	ssyncadd.remote.s32 $0x1  }
0xc1: {  	_ =	sfence.sel $0xFFFF  }
0xc2: {  	[dreg:$0x0] =	wrdreg $0xFFFFFFFF;
	(pc) =	sbr.abs _section_cstart, $3  }
0xc3: {  	[dreg:$0x1] =	wrdreg $0xFFFFFFFF  }
0xc4: {  	_ =	task.clear_ibuf [dreg:s8], $0x2FFFF;
	_ =	strace $0x9FFFFFFF  }
0xc5: {  	(tm) =	ssettm $0x7FFFFFFF  }
tec
execute0_lowered:
.L_overlay_start_1:
0x0: {  	(tag) =	ssettag $0x1  }
0x1: {  	s1 =	rddreg [dreg:$0x0]  }
0x2: {  	s0 =	rddreg [dreg:$0x1]  }
0x3: {  	s2 =	rddreg [dreg:$0x2]  }
0x4: {  	s3 =	rddreg [dreg:$0x3];
	s4 =	simm.s32 $0x0  }
0x5: {  	s5 =	srdreg.scid;
	s15 =	stileid.u32;
	s29 =	simm.s32 $0x300  }
0x6: {  	s30 =	simm.s32 $0x9;
	s31 =	simm.s32 $0x2A80;
	s28 =	simm.s32 $0x0  }
0x7: {  	[smem:$0x7FF] =	sst s4;
	s5 =	sand.u32 $0x1, s5;
	s20 =	smul.u32 $0x278, s15  }
0x8: {  	s6 =	sadd.s32 $0xC400, s0;
	s7 =	sadd.s32 $0x1000, s0;
	s11 =	smul.u32 $0x4F000, s15  }
0x9: {  	s9 =	sadd.s32 $0xB000, s0;
	_ =	strace $0x8000004A;
	s8 =	smul.u32 $0x27800, s5  }
0xa: {  	[dreg:$0x5] =	wrdreg s9;
	s19 =	ssub.s32 $0x2, s5;
	s5 =	sshll.u32 s5, $0x4  }
0xb: {  	s10 =	sshrl.u32 s19, $0x1;
	s5 =	sor.u32 s15, s5;
	s21 =	sadd.s32 $0x80, s20  }
0xc: {  	s11 =	sshrl.u32 s11, $0x2;
	s23 =	sadd.s32 $0x100, s20;
	s14 =	sadd.s32 $0x180, s20  }
0xd: {  	s9 =	sadd.s32 $0x200, s20;
	s15 =	smul.u32 $0x2780, s15;
	s0 =	sadd.s32 s8, s0  }
0xe: {  	s8 =	ssub.s32 s19, s10;
	s5 =	smul.u32 $0x2800, s5;
	s12 =	sshll.u32 s21, $0x7  }
0xf: {  	s11 =	sadd.s32 s11, s3;
	s24 =	sshll.u32 s23, $0x7;
	s25 =	sshll.u32 s14, $0x7  }
0x10: {  	s13 =	sshll.u32 s9, $0x7;
	s10 =	sshll.u32 s21, $0x4;
	s14 =	sshll.u32 s14, $0x4  }
0x11: {  	s9 =	sshll.u32 s9, $0x4;
	[dreg:$0x6] =	wrdreg s11;
	s22 =	sadd.s32 s12, s3  }
0x12: {  	s12 =	sadd.s32 s24, s3;
	s13 =	sadd.s32 s13, s3;
	[dreg:$0x7] =	wrdreg s22  }
0x13: {  	s0 =	sadd.s32 $0x16400, s0;
	s24 =	smax.u32 s8, $0x1;
	[dreg:$0x8] =	wrdreg s12  }
0x14: {  	s11 =	sshll.u32 s23, $0x4;
	s12 =	sadd.s32 s25, s3;
	[dreg:$0x15] =	wrdreg s24  }
0x15: {  	s26 =	sshrl.u32 s5, $0x3;
	s15 =	sadd.s32 s15, s0;
	[dreg:$0x9] =	wrdreg s12  }
0x16: {  	s10 =	sadd.s32 s10, s0;
	s19 =	sadd.s32 s11, s0;
	[dreg:$0xd] =	wrdreg s15  }
0x17: {  	s20 =	sadd.s32 s14, s0;
	s0 =	sadd.s32 s9, s0;
	[dreg:$0xe] =	wrdreg s10  }
0x18: {  	s25 =	sor.u32 $0x100, s5;
	s24 =	simm.s32 $0x8;
	[dreg:$0xf] =	wrdreg s19  }
0x19: {  	s16 =	sadd.s32 s2, s26;
	s17 =	sadd.s32 s7, s26;
	[dreg:$0x10] =	wrdreg s20  }
0x1a: {  	s18 =	sadd.s32 s6, s26;
	s12 =	sor.u32 $0x10, s26;
	[dreg:$0x11] =	wrdreg s0  }
0x1b: {  	s26 =	sor.u32 $0x180, s5;
	s0 =	simm.s32 $0x100;
	[dreg:$0xa] =	wrdreg s16  }
0x1c: {  	s5 =	simm.s32 $0x200;
	s19 =	simm.s32 $0x2;
	[dreg:$0xb] =	wrdreg s17  }
.Ltmp0:
0x1d: {  	[dreg:$0xc] =	wrdreg s18;
	s21 =	sadd.s32 s2, s12;
	(pc) =	sbr.rel .LBB2_1-.Ltmp0, $4  }
0x1e: {  	s20 =	simm.s32 $0x4;
	s22 =	sadd.s32 s7, s12;
	[dreg:$0x12] =	wrdreg s21  }
0x1f: {  	s23 =	sadd.s32 s6, s12;
	s16 =	simm.s32 $0x80;
	[dreg:$0x13] =	wrdreg s22  }
0x20: {  	s17 =	simm.s32 $0x180;
	s18 =	simm.s32 $0x280;
	[dreg:$0x14] =	wrdreg s23  }
0x21: {  	v0 =	vimm.f32 $0.0e+00;
	s21 =	simm.s32 $0x6;
	s22 =	simm.s32 $0x6A80;
	s23 =	simm.s32 $0x7  }
.LBB2_10:
0x22: {  	[bflag:$0x0] =	sbarrier.arrive $0xFFFF  }
0x23: {  	s8 =	rddreg [dreg:$0x6]  }
0x24: {  	[tilespmem:s31], [sflag:$0x9] =	stream.linear.gather [spmem:s8], $0x4000, $0x38;
	[tilespmem:$0x1E680] =	vst v63  }
0x25: {  	_ =	swait.ge [sflag:s30], $0x4000  }
0x26: {  	[sflag:s30] =	ssyncset.done $0x0  }
0x27: {  	s12 =	rddreg [dreg:$0xd];
	[sflag:s30] =	ssyncadd.s32 $0xFFFFC000  }
0x28: {  	[hbm4b:s12+s4] =	stream.linear.scatter [tilespmem:s31], [sflag:$0x9], $0x4000, $0x38;
	[tilespmem:$0x1E680] =	vst v63  }
0x29: {  	_ =	swait.ge [sflag:s30], $0x4000  }
0x2a: {  	[sflag:s30] =	ssyncset.done $0x0  }
0x2b: {  	s14 =	rddreg [dreg:$0x7];
	[sflag:s30] =	ssyncadd.s32 $0xFFFFC000  }
0x2c: {  	[tilespmem:s31], [sflag:$0x9] =	stream.linear.gather [spmem:s14], $0x4000, $0x38;
	[tilespmem:$0x1E680] =	vst v63  }
0x2d: {  	_ =	swait.ge [sflag:s30], $0x4000  }
0x2e: {  	[sflag:s30] =	ssyncset.done $0x0  }
0x2f: {  	s15 =	rddreg [dreg:$0xe];
	[sflag:s30] =	ssyncadd.s32 $0xFFFFC000  }
0x30: {  	[hbm4b:s15+s4] =	stream.linear.scatter [tilespmem:s31], [sflag:$0x9], $0x4000, $0x38;
	[tilespmem:$0x1E680] =	vst v63  }
0x31: {  	_ =	swait.ge [sflag:s30], $0x4000  }
0x32: {  	[sflag:s30] =	ssyncset.done $0x0  }
0x33: {  	s9 =	rddreg [dreg:$0x8];
	[sflag:s30] =	ssyncadd.s32 $0xFFFFC000  }
0x34: {  	[tilespmem:s31], [sflag:$0x9] =	stream.linear.gather [spmem:s9], $0x4000, $0x38;
	[tilespmem:$0x1E680] =	vst v63  }
0x35: {  	_ =	swait.ge [sflag:s30], $0x4000  }
0x36: {  	[sflag:s30] =	ssyncset.done $0x0  }
0x37: {  	s10 =	rddreg [dreg:$0xf];
	[sflag:s30] =	ssyncadd.s32 $0xFFFFC000  }
0x38: {  	[hbm4b:s10+s4] =	stream.linear.scatter [tilespmem:s31], [sflag:$0x9], $0x4000, $0x38;
	[tilespmem:$0x1E680] =	vst v63  }
0x39: {  	_ =	swait.ge [sflag:s30], $0x4000  }
0x3a: {  	[sflag:s30] =	ssyncset.done $0x0  }
0x3b: {  	s11 =	rddreg [dreg:$0x9];
	[sflag:s30] =	ssyncadd.s32 $0xFFFFC000  }
0x3c: {  	[tilespmem:s31], [sflag:$0x9] =	stream.linear.gather [spmem:s11], $0x4000, $0x38;
	[tilespmem:$0x1E680] =	vst v63  }
0x3d: {  	_ =	swait.ge [sflag:s30], $0x4000  }
0x3e: {  	[sflag:s30] =	ssyncset.done $0x0  }
0x3f: {  	s12 =	rddreg [dreg:$0x10];
	[sflag:s30] =	ssyncadd.s32 $0xFFFFC000  }
0x40: {  	[hbm4b:s12+s4] =	stream.linear.scatter [tilespmem:s31], [sflag:$0x9], $0x4000, $0x38;
	[tilespmem:$0x1E680] =	vst v63  }
0x41: {  	_ =	swait.ge [sflag:s30], $0x4000  }
0x42: {  	[sflag:s30] =	ssyncset.done $0x0  }
0x43: {  	[sflag:s30] =	ssyncadd.s32 $0xFFFFC000  }
0x44: {  	[tilespmem:s31], [sflag:$0x9] =	stream.linear.gather [spmem:s13], $0x3C00, $0x38;
	[tilespmem:$0x1E680] =	vst v63  }
0x45: {  	_ =	swait.ge [sflag:s30], $0x3C00  }
0x46: {  	[sflag:s30] =	ssyncset.done $0x0  }
0x47: {  	s14 =	rddreg [dreg:$0x11];
	[sflag:s30] =	ssyncadd.s32 $0xFFFFC400  }
0x48: {  	[hbm4b:s14+s4] =	stream.linear.scatter [tilespmem:s31], [sflag:$0x9], $0x3C00, $0x38;
	[tilespmem:$0x1E680] =	vst v63  }
0x49: {  	_ =	swait.ge [sflag:s30], $0x3C00  }
0x4a: {  	s28 =	sadd.s32 $0x1, s28;
	s15 =	rddreg [dreg:$0x15]  }
0x4b: {  	p0 =	sne.s32 s28, s15  }
.Ltmp1:
0x4c: {  	_ = 	snop;
	(pc) =	sbr.rel @!p0 .LBB2_11-.Ltmp1, $3  }
0x4d: {  	_ =	sdelay $0x1  }
0x4e: {  	[sflag:s30] =	ssyncset.done $0x0  }
0x4f: {  	[sflag:s30] =	ssyncadd.s32 $0xFFFFC400  }
.LBB2_1:
0x50: {  	s8 =	rddreg [dreg:$0x5]  }
0x51: {  	[tilespmem:s29], [sflag:$0x9] =	stream.linear.gather [hbm4b:s8+s4], $0x2780, $0x38;
	[tilespmem:$0x1E680] =	vst v63  }
0x52: {  	s15 =	sand.u32 $0xFE00, s4;
	s9 =	sand.u32 $0x70, s4;
	_ =	swait.ge [sflag:s30], $0x2780  }
0x53: {  	s10 =	sshrl.u32 s15, $0x2;
	s8 =	simm.s32 $0x40;
	[sflag:s30] =	ssyncset.done $0x0  }
0x54: {  	s10 =	sor.u32 s9, s10;
	s9 =	simm.s32 $0x0;
	[sflag:s30] =	ssyncadd.s32 $0xFFFFD880  }
.LBB2_2:
0x55: {  	p0 =	sne.s32 s8, $0xFFC0  }
0x56: {  	[tilespmem:s10+$0x2A80] =	vst v0;
	s9 =	sadd.s32 $0x10, s9;
	s10 =	smov.u32 s8;
	s8 =	sadd.s32 $0x40, s8  }
.Ltmp2:
0x57: {  	(pc) =	sbr.rel @p0 .LBB2_2-.Ltmp2, $4  }
0x58: {  	_ = 	snop  }
0x59: {  	s10 =	sand.u32 $0xFE00, s10  }
0x5a: {  	s11 =	sand.u32 $0x70, s9;
	s10 =	sshrl.u32 s10, $0x2  }
0x5b: {  	s10 =	sor.u32 s11, s10  }
0x5c: {  	[tilespmem:s10+$0x2A80] =	vst v0;
	s8 =	rddreg [dreg:$0x6]  }
0x5d: {  	[spmem:s8] =	stream.linear.scatter [tilespmem:s31], [sflag:$0x9], $0x4000, $0x38;
	[tilespmem:$0x1E680] =	vst v63  }
0x5e: {  	_ =	swait.ge [sflag:s30], $0x4000  }
0x5f: {  	[sflag:s30] =	ssyncset.done $0x0  }
0x60: {  	s9 =	rddreg [dreg:$0x7];
	[sflag:s30] =	ssyncadd.s32 $0xFFFFC000  }
0x61: {  	[spmem:s9] =	stream.linear.scatter [tilespmem:s31], [sflag:$0x9], $0x4000, $0x38;
	[tilespmem:$0x1E680] =	vst v63  }
0x62: {  	_ =	swait.ge [sflag:s30], $0x4000  }
0x63: {  	[sflag:s30] =	ssyncset.done $0x0  }
0x64: {  	s10 =	rddreg [dreg:$0x8];
	[sflag:s30] =	ssyncadd.s32 $0xFFFFC000  }
0x65: {  	[spmem:s10] =	stream.linear.scatter [tilespmem:s31], [sflag:$0x9], $0x4000, $0x38;
	[tilespmem:$0x1E680] =	vst v63  }
0x66: {  	_ =	swait.ge [sflag:s30], $0x4000  }
0x67: {  	[sflag:s30] =	ssyncset.done $0x0  }
0x68: {  	s11 =	rddreg [dreg:$0x9];
	[sflag:s30] =	ssyncadd.s32 $0xFFFFC000  }
0x69: {  	[spmem:s11] =	stream.linear.scatter [tilespmem:s31], [sflag:$0x9], $0x4000, $0x38;
	[tilespmem:$0x1E680] =	vst v63  }
0x6a: {  	_ =	swait.ge [sflag:s30], $0x4000  }
0x6b: {  	[sflag:s30] =	ssyncset.done $0x0  }
0x6c: {  	[sflag:s30] =	ssyncadd.s32 $0xFFFFC000  }
0x6d: {  	[spmem:s13] =	stream.linear.scatter [tilespmem:s31], [sflag:$0x9], $0x3C00, $0x38;
	[tilespmem:$0x1E680] =	vst v63  }
0x6e: {  	_ =	swait.ge [sflag:s30], $0x3C00  }
0x6f: {  	[sflag:s30] =	ssyncset.done $0x0  }
0x70: {  	[sflag:s30] =	ssyncadd.s32 $0xFFFFC400  }
0x71: {  	[bflag:$0x0] =	sbarrier.arrive $0xFFFF  }
0x72: {  	s8 =	simm.s32 $0x0;
	s9 =	rddreg [dreg:$0xa]  }
0x73: {  	[tilespmem:s8], [sflag:$0x1] =	stream.linear.gather [hbm4b:s9+s8], $0x80, $0x38;
	[tilespmem:$0x1E680] =	vst v63  }
0x74: {  	s12 =	rddreg [dreg:$0xb]  }
0x75: {  	[tilespmem:s0], [sflag:$0x3] =	stream.linear.gather [hbm4b:s12+s8], $0x80, $0x38;
	[tilespmem:$0x1E680] =	vst v63  }
0x76: {  	s15 =	simm.s32 $0x1;
	s14 =	rddreg [dreg:$0xc]  }
0x77: {  	[tilespmem:s5], [sflag:$0x5] =	stream.linear.gather [hbm4b:s14+s8], $0x80, $0x38;
	[tilespmem:$0x1E680] =	vst v63  }
0x78: {  	_ =	swait.ge [sflag:s15], $0x80  }
0x79: {  	[sflag:s15] =	ssyncset.done $0x0  }
0x7a: {  	s10 =	simm.s32 $0x3;
	[sflag:s15] =	ssyncadd.s32 $0xFFFFFF80  }
0x7b: {  	_ =	swait.ge [sflag:s10], $0x80  }
0x7c: {  	[sflag:s10] =	ssyncset.done $0x0  }
0x7d: {  	s11 =	simm.s32 $0x5;
	[sflag:s10] =	ssyncadd.s32 $0xFFFFFF80  }
0x7e: {  	_ =	swait.ge [sflag:s11], $0x80  }
0x7f: {  	[sflag:s11] =	ssyncset.done $0x0  }
0x80: {  	[sflag:s11] =	ssyncadd.s32 $0xFFFFFF80  }
0x81: {  	[tilespmem:s31], [sflag:$0x7] =	stream.indirect.gather [hbm4b:s1+s16], $0x80, s8, s16, $0xb8;
	[tilespmem:$0x1E680] =	vst v63  }
0x82: {  	s12 =	rddreg [dreg:$0x12]  }
0x83: {  	[tilespmem:s16], [sflag:$0x2] =	stream.linear.gather [hbm4b:s12+s8], $0x80, $0x38;
	[tilespmem:$0x1E680] =	vst v63  }
0x84: {  	s14 =	rddreg [dreg:$0x13]  }
0x85: {  	[tilespmem:s17], [sflag:$0x4] =	stream.linear.gather [hbm4b:s14+s8], $0x80, $0x38;
	[tilespmem:$0x1E680] =	vst v63  }
0x86: {  	s15 =	rddreg [dreg:$0x14];
	s14 =	simm.s32 $0x0  }
0x87: {  	[tilespmem:s18], [sflag:$0x6] =	stream.linear.gather [hbm4b:s15+s8], $0x80, $0x38;
	[tilespmem:$0x1E680] =	vst v63  }
.LBB2_4:
0x88: {  	_ =	swait.ge [sflag:s19], $0x80  }
0x89: {  	[sflag:s19] =	ssyncset.done $0x0  }
0x8a: {  	[sflag:s19] =	ssyncadd.s32 $0xFFFFFF80  }
0x8b: {  	_ =	swait.ge [sflag:s20], $0x80  }
0x8c: {  	[sflag:s20] =	ssyncset.done $0x0  }
0x8d: {  	[sflag:s20] =	ssyncadd.s32 $0xFFFFFF80  }
0x8e: {  	_ =	swait.ge [sflag:s21], $0x80  }
0x8f: {  	[sflag:s21] =	ssyncset.done $0x0  }
0x90: {  	[sflag:s21] =	ssyncadd.s32 $0xFFFFFF80  }
0x91: {  	[tilespmem:s22], [sflag:$0x8] =	stream.indirect.gather [hbm4b:s1+s16], $0x80, s16, s16, $0xb8;
	[tilespmem:$0x1E680] =	vst v63  }
0x92: {  	_ =	swait.ge [sflag:s23], $0x4000  }
0x93: {  	[sflag:s23] =	ssyncset.done $0x0  }
0x94: {  	[sflag:s23] =	ssyncadd.s32 $0xFFFFC000  }
0x95: {  	v1 =	vld [tilespmem:$0x100];
	_ =	sdelay $0x7  }
0x96: {  	v1 =	vld.idx.msk [tilespmem:v1+s29+$0x0], $0xffff;
	_ =	sdelay $0x4  }
0x97: {  	v1 =	vmax.f32 v1, $1.000000020e-16  }
0x98: {  	(erf) = vrcp.f32 v1;
	_ =	sdelay $0x3  }
0x99: {  	v2 =	vld [tilespmem:$0x110]  }
0x9a: {  	v1 =	vld [tilespmem:$0x200];
	_ =	sdelay $0x3  }
0x9b: {  	v3 =	vpop (erf)  }
0x9c: {  	v1 =	vmul.f32 v3, v1;
	_ =	sdelay $0x1  }
0x9d: {  	[tilespmem:$0x200] =	vst v1  }
0x9e: {  	v1 =	vld.idx.msk [tilespmem:v2+s29+$0x0], $0xffff;
	_ =	sdelay $0x4  }
0x9f: {  	v1 =	vmax.f32 v1, $1.000000020e-16  }
0xa0: {  	(erf) = vrcp.f32 v1;
	_ =	sdelay $0x3  }
0xa1: {  	v2 =	vld [tilespmem:$0x120]  }
0xa2: {  	v1 =	vld [tilespmem:$0x210];
	_ =	sdelay $0x3  }
0xa3: {  	v3 =	vpop (erf)  }
0xa4: {  	v1 =	vmul.f32 v3, v1;
	_ =	sdelay $0x1  }
0xa5: {  	[tilespmem:$0x210] =	vst v1  }
0xa6: {  	v1 =	vld.idx.msk [tilespmem:v2+s29+$0x0], $0xffff;
	_ =	sdelay $0x4  }
0xa7: {  	v1 =	vmax.f32 v1, $1.000000020e-16  }
0xa8: {  	(erf) = vrcp.f32 v1;
	_ =	sdelay $0x3  }
0xa9: {  	v2 =	vld [tilespmem:$0x130]  }
0xaa: {  	v1 =	vld [tilespmem:$0x220];
	_ =	sdelay $0x3  }
0xab: {  	v3 =	vpop (erf)  }
0xac: {  	v1 =	vmul.f32 v3, v1;
	_ =	sdelay $0x1  }
0xad: {  	[tilespmem:$0x220] =	vst v1  }
0xae: {  	v1 =	vld.idx.msk [tilespmem:v2+s29+$0x0], $0xffff;
	_ =	sdelay $0x4  }
0xaf: {  	v1 =	vmax.f32 v1, $1.000000020e-16  }
0xb0: {  	(erf) = vrcp.f32 v1;
	_ =	sdelay $0x3  }
0xb1: {  	v2 =	vld [tilespmem:$0x140]  }
0xb2: {  	v1 =	vld [tilespmem:$0x230];
	_ =	sdelay $0x3  }
0xb3: {  	v3 =	vpop (erf)  }
0xb4: {  	v1 =	vmul.f32 v3, v1;
	_ =	sdelay $0x1  }
0xb5: {  	[tilespmem:$0x230] =	vst v1  }
0xb6: {  	v1 =	vld.idx.msk [tilespmem:v2+s29+$0x0], $0xffff;
	_ =	sdelay $0x4  }
0xb7: {  	v1 =	vmax.f32 v1, $1.000000020e-16  }
0xb8: {  	(erf) = vrcp.f32 v1;
	_ =	sdelay $0x3  }
0xb9: {  	v2 =	vld [tilespmem:$0x150]  }
0xba: {  	v1 =	vld [tilespmem:$0x240];
	_ =	sdelay $0x3  }
0xbb: {  	v3 =	vpop (erf)  }
0xbc: {  	v1 =	vmul.f32 v3, v1;
	_ =	sdelay $0x1  }
0xbd: {  	[tilespmem:$0x240] =	vst v1  }
0xbe: {  	v1 =	vld.idx.msk [tilespmem:v2+s29+$0x0], $0xffff;
	_ =	sdelay $0x4  }
0xbf: {  	v1 =	vmax.f32 v1, $1.000000020e-16  }
0xc0: {  	(erf) = vrcp.f32 v1;
	_ =	sdelay $0x3  }
0xc1: {  	v2 =	vld [tilespmem:$0x160]  }
0xc2: {  	v1 =	vld [tilespmem:$0x250];
	_ =	sdelay $0x3  }
0xc3: {  	v3 =	vpop (erf)  }
0xc4: {  	v1 =	vmul.f32 v3, v1;
	_ =	sdelay $0x1  }
0xc5: {  	[tilespmem:$0x250] =	vst v1  }
0xc6: {  	v1 =	vld.idx.msk [tilespmem:v2+s29+$0x0], $0xffff;
	_ =	sdelay $0x4  }
0xc7: {  	v1 =	vmax.f32 v1, $1.000000020e-16  }
0xc8: {  	(erf) = vrcp.f32 v1;
	_ =	sdelay $0x3  }
0xc9: {  	v2 =	vld [tilespmem:$0x170]  }
0xca: {  	v1 =	vld [tilespmem:$0x260];
	_ =	sdelay $0x3  }
0xcb: {  	v3 =	vpop (erf)  }
0xcc: {  	v1 =	vmul.f32 v3, v1;
	_ =	sdelay $0x1  }
0xcd: {  	[tilespmem:$0x260] =	vst v1  }
0xce: {  	v1 =	vld.idx.msk [tilespmem:v2+s29+$0x0], $0xffff;
	_ =	sdelay $0x4  }
0xcf: {  	v1 =	vmax.f32 v1, $1.000000020e-16  }
0xd0: {  	(erf) = vrcp.f32 v1;
	_ =	sdelay $0x4  }
0xd1: {  	v2 =	vld [tilespmem:$0x270];
	_ =	sdelay $0x3  }
0xd2: {  	v1 =	vmov s8;
	v3 =	vpop (erf)  }
0xd3: {  	v2 =	vmul.f32 v3, v2;
	_ =	sdelay $0x1  }
0xd4: {  	s15 =	simm.s32 $0x2B80;
	[tilespmem:$0x270] =	vst v2  }
0xd5: {  	v2 =	vld [tilespmem:s15+$0xFFFFFF60]  }
0xd6: {  	v3 =	vld.idx.msk [tilespmem:v1+s5+$0x0], $0xffff  }
0xd7: {  	v4 =	vld [tilespmem:s15+$0xFFFFFF40]  }
0xd8: {  	v5 =	vld [tilespmem:s15+$0xFFFFFF20]  }
0xd9: {  	v6 =	vld [tilespmem:s15+$0xFFFFFF70]  }
0xda: {  	v7 =	vld [tilespmem:s15+$0xFFFFFF10]  }
0xdb: {  	v8 =	vld [tilespmem:s15+$0xFFFFFF50];
	v2 =	vmul.f32 v2, v3  }
0xdc: {  	v9 =	vld [tilespmem:s15+$0xFFFFFF30];
	v4 =	vmul.f32 v4, v3  }
0xdd: {  	v10 =	vld [tilespmem:s15+$0xFFFFFF00];
	v5 =	vmul.f32 v5, v3;
	[tilespmem:s15+$0xFFFFFF60] =	vst v2  }
0xde: {  	v2 =	vmul.f32 v6, v3;
	[tilespmem:s15+$0xFFFFFF40] =	vst v4  }
0xdf: {  	v4 =	vmul.f32 v7, v3;
	[tilespmem:s15+$0xFFFFFF20] =	vst v5  }
0xe0: {  	v6 =	vor.u32 $0x1, v1;
	v5 =	vmul.f32 v8, v3;
	[tilespmem:s15+$0xFFFFFF70] =	vst v2  }
0xe1: {  	v7 =	vld [tilespmem:s15+$0xFFFFFF80];
	v2 =	vmul.f32 v9, v3;
	[tilespmem:s15+$0xFFFFFF10] =	vst v4  }
0xe2: {  	v8 =	vld [tilespmem:s15+$0xFFFFFFD0];
	v4 =	vmul.f32 v10, v3;
	[tilespmem:s15+$0xFFFFFF50] =	vst v5  }
0xe3: {  	v3 =	vld [tilespmem:s15+$0xFFFFFFA0];
	[tilespmem:s15+$0xFFFFFF30] =	vst v2  }
0xe4: {  	[tilespmem:s15+$0xFFFFFF00] =	vst v4;
	v4 =	vld [tilespmem:s15+$0xFFFFFF90]  }
0xe5: {  	v2 =	vld.idx.msk [tilespmem:v6+s5+$0x0], $0xffff  }
0xe6: {  	v5 =	vld [tilespmem:s15+$0xFFFFFFB0]  }
0xe7: {  	s9 =	simm.s32 $0x4;
	s10 =	simm.s32 $0x2B80;
	v6 =	vld [tilespmem:s15+$0xFFFFFFC0]  }
.LBB2_5:
0xe8: {  	_ = 	snop  }
0xe9: {  	p0 =	sne.s32 s9, $0x7C  }
0xea: {  	v9 =	vld [tilespmem:s15+$0xFFFFFFF0];
	s10 =	sadd.s32 $0x200, s10;
	s11 =	smov.u32 s9;
	s9 =	sadd.s32 $0x4, s9;
	v7 =	vmul.f32 v7, v2;
	v4 =	vmul.f32 v4, v2  }
0xeb: {  	v5 =	vmul.f32 v5, v2;
	v8 =	vmul.f32 v8, v2;
	v10 =	vld [tilespmem:s15+$0xFFFFFFE0]  }
0xec: {  	v3 =	vmul.f32 v3, v2;
	[tilespmem:s15+$0xFFFFFF80] =	vst v7;
	v6 =	vmul.f32 v6, v2  }
0xed: {  	[tilespmem:s15+$0xFFFFFFB0] =	vst v5  }
0xee: {  	[tilespmem:s15+$0xFFFFFFA0] =	vst v3  }
0xef: {  	v3 =	vor.u32 $0x2, v1;
	[tilespmem:s15+$0xFFFFFFD0] =	vst v8  }
0xf0: {  	[tilespmem:s15+$0xFFFFFFC0] =	vst v6;
	v5 =	vmul.f32 v10, v2;
	v2 =	vmul.f32 v9, v2;
	v6 =	vld [tilespmem:s15+$0x50]  }
0xf1: {  	[tilespmem:s15+$0xFFFFFF90] =	vst v4;
	v4 =	vld [tilespmem:s15+$0x30]  }
0xf2: {  	[tilespmem:s15+$0xFFFFFFF0] =	vst v2;
	v2 =	vld [tilespmem:s15+$0x70]  }
0xf3: {  	[tilespmem:s15+$0xFFFFFFE0] =	vst v5;
	v5 =	vld [tilespmem:s15+$0x0]  }
0xf4: {  	v3 =	vld.idx.msk [tilespmem:v3+s5+$0x0], $0xffff  }
0xf5: {  	v7 =	vld [tilespmem:s15+$0x10]  }
0xf6: {  	v8 =	vld [tilespmem:s15+$0x20]  }
0xf7: {  	v9 =	vld [tilespmem:s15+$0x40]  }
0xf8: {  	v10 =	vld [tilespmem:s15+$0x60];
	_ =	sdelay $0x1  }
0xf9: {  	v5 =	vmul.f32 v5, v3;
	v7 =	vmul.f32 v7, v3  }
0xfa: {  	v4 =	vmul.f32 v4, v3;
	v8 =	vmul.f32 v8, v3  }
0xfb: {  	v6 =	vmul.f32 v6, v3;
	[tilespmem:s15+$0x0] =	vst v5;
	v5 =	vmul.f32 v9, v3  }
0xfc: {  	v2 =	vmul.f32 v2, v3;
	[tilespmem:s15+$0x30] =	vst v4;
	v4 =	vmul.f32 v10, v3  }
0xfd: {  	[tilespmem:s15+$0x40] =	vst v5  }
0xfe: {  	v3 =	vor.u32 $0x3, v1;
	[tilespmem:s15+$0x50] =	vst v6  }
0xff: {  	[tilespmem:s15+$0x10] =	vst v7;
	v5 =	vld [tilespmem:s15+$0x90]  }
0x100: {  	[tilespmem:s15+$0x60] =	vst v4;
	v4 =	vld [tilespmem:s15+$0xC0]  }
0x101: {  	v1 =	vmov s11;
	[tilespmem:s15+$0x70] =	vst v2;
	v2 =	vld [tilespmem:s15+$0xA0]  }
0x102: {  	[tilespmem:s15+$0x20] =	vst v8;
	v6 =	vld [tilespmem:s15+$0xF0]  }
0x103: {  	v3 =	vld.idx.msk [tilespmem:v3+s5+$0x0], $0xffff  }
0x104: {  	v7 =	vld [tilespmem:s15+$0x80]  }
0x105: {  	v8 =	vld [tilespmem:s15+$0xB0]  }
0x106: {  	v9 =	vld [tilespmem:s15+$0xD0]  }
0x107: {  	v10 =	vld [tilespmem:s15+$0xE0];
	_ =	sdelay $0x1  }
0x108: {  	v5 =	vmul.f32 v5, v3;
	v7 =	vmul.f32 v7, v3  }
0x109: {  	v2 =	vmul.f32 v2, v3;
	v8 =	vmul.f32 v8, v3  }
0x10a: {  	v4 =	vmul.f32 v4, v3;
	[tilespmem:s15+$0x80] =	vst v7;
	v7 =	vmul.f32 v9, v3  }
0x10b: {  	[tilespmem:s15+$0xA0] =	vst v2;
	v2 =	vmul.f32 v10, v3;
	v3 =	vmul.f32 v6, v3  }
0x10c: {  	[tilespmem:s15+$0xC0] =	vst v4  }
0x10d: {  	[tilespmem:s15+$0xD0] =	vst v7  }
0x10e: {  	[tilespmem:s15+$0xE0] =	vst v2  }
0x10f: {  	v2 =	vld [tilespmem:s10+$0xFFFFFF20];
	[tilespmem:s15+$0xF0] =	vst v3  }
0x110: {  	v3 =	vld [tilespmem:s10+$0xFFFFFF70];
	[tilespmem:s15+$0x90] =	vst v5  }
0x111: {  	v4 =	vld [tilespmem:s10+$0xFFFFFF60];
	[tilespmem:s15+$0xB0] =	vst v8;
	s15 =	smov.u32 s10  }
0x112: {  	v6 =	vor.u32 $0x1, v1;
	v5 =	vld.idx.msk [tilespmem:v1+s5+$0x0], $0xffff  }
0x113: {  	v7 =	vld [tilespmem:s10+$0xFFFFFF50]  }
0x114: {  	v8 =	vld [tilespmem:s10+$0xFFFFFF40]  }
0x115: {  	v9 =	vld [tilespmem:s10+$0xFFFFFF00]  }
0x116: {  	v10 =	vld [tilespmem:s10+$0xFFFFFF30]  }
0x117: {  	v11 =	vld [tilespmem:s10+$0xFFFFFF10]  }
0x118: {  	v4 =	vmul.f32 v4, v5;
	v7 =	vmul.f32 v7, v5  }
0x119: {  	v3 =	vmul.f32 v3, v5;
	v8 =	vmul.f32 v8, v5  }
0x11a: {  	v2 =	vmul.f32 v2, v5;
	v9 =	vmul.f32 v9, v5;
	[tilespmem:s10+$0xFFFFFF60] =	vst v4  }
0x11b: {  	v4 =	vmul.f32 v10, v5;
	[tilespmem:s10+$0xFFFFFF40] =	vst v8  }
0x11c: {  	v5 =	vmul.f32 v11, v5;
	[tilespmem:s10+$0xFFFFFF20] =	vst v2  }
0x11d: {  	[tilespmem:s10+$0xFFFFFF70] =	vst v3  }
0x11e: {  	[tilespmem:s10+$0xFFFFFF10] =	vst v5  }
0x11f: {  	[tilespmem:s10+$0xFFFFFF50] =	vst v7;
	v3 =	vld [tilespmem:s10+$0xFFFFFFA0]  }
0x120: {  	[tilespmem:s10+$0xFFFFFF30] =	vst v4;
	v7 =	vld [tilespmem:s10+$0xFFFFFF80]  }
.Ltmp3:
0x121: {  	[tilespmem:s10+$0xFFFFFF00] =	vst v9;
	v5 =	vld [tilespmem:s10+$0xFFFFFFB0];
	(pc) =	sbr.rel @p0 .LBB2_5-.Ltmp3, $4  }
0x122: {  	v2 =	vld.idx.msk [tilespmem:v6+s5+$0x0], $0xffff  }
0x123: {  	v4 =	vld [tilespmem:s10+$0xFFFFFF90]  }
0x124: {  	v8 =	vld [tilespmem:s10+$0xFFFFFFD0]  }
0x125: {  	v6 =	vld [tilespmem:s10+$0xFFFFFFC0]  }
0x126: {  	_ = 	snop  }
0x127: {  	v9 =	vld [tilespmem:s15+$0xFFFFFFF0];
	v7 =	vmul.f32 v7, v2  }
0x128: {  	v10 =	vld [tilespmem:s15+$0xFFFFFFE0];
	v5 =	vmul.f32 v5, v2  }
0x129: {  	v3 =	vmul.f32 v3, v2;
	[tilespmem:s15+$0xFFFFFF80] =	vst v7  }
0x12a: {  	v7 =	vmul.f32 v8, v2;
	[tilespmem:s15+$0xFFFFFFB0] =	vst v5  }
0x12b: {  	[tilespmem:s15+$0xFFFFFFA0] =	vst v3;
	v5 =	vmul.f32 v6, v2  }
0x12c: {  	v3 =	vor.u32 $0x2, v1;
	[tilespmem:s15+$0xFFFFFFD0] =	vst v7;
	v6 =	vmul.f32 v9, v2  }
0x12d: {  	[tilespmem:s15+$0xFFFFFFC0] =	vst v5;
	v5 =	vmul.f32 v10, v2  }
0x12e: {  	v2 =	vmul.f32 v4, v2;
	[tilespmem:s15+$0xFFFFFFF0] =	vst v6  }
0x12f: {  	[tilespmem:s15+$0xFFFFFFE0] =	vst v5  }
0x130: {  	[tilespmem:s15+$0xFFFFFF90] =	vst v2;
	v2 =	vld [tilespmem:s15+$0x0]  }
0x131: {  	v3 =	vld.idx.msk [tilespmem:v3+s5+$0x0], $0xffff  }
0x132: {  	v5 =	vld [tilespmem:s15+$0x30]  }
0x133: {  	v4 =	vld [tilespmem:s15+$0x50]  }
0x134: {  	v6 =	vld [tilespmem:s15+$0x40]  }
0x135: {  	v8 =	vld [tilespmem:s15+$0x10]  }
0x136: {  	v7 =	vld [tilespmem:s15+$0x70];
	v2 =	vmul.f32 v2, v3  }
0x137: {  	v9 =	vld [tilespmem:s15+$0x60];
	v5 =	vmul.f32 v5, v3  }
0x138: {  	v10 =	vld [tilespmem:s15+$0x20];
	v4 =	vmul.f32 v4, v3;
	[tilespmem:s15+$0x0] =	vst v2  }
0x139: {  	v2 =	vmul.f32 v6, v3;
	[tilespmem:s15+$0x30] =	vst v5  }
0x13a: {  	v5 =	vmul.f32 v8, v3;
	[tilespmem:s15+$0x50] =	vst v4  }
0x13b: {  	v1 =	vor.u32 $0x3, v1;
	v4 =	vmul.f32 v7, v3;
	[tilespmem:s15+$0x40] =	vst v2  }
0x13c: {  	v2 =	vmul.f32 v9, v3;
	[tilespmem:s15+$0x10] =	vst v5  }
0x13d: {  	v3 =	vmul.f32 v10, v3;
	[tilespmem:s15+$0x70] =	vst v4  }
0x13e: {  	[tilespmem:s15+$0x60] =	vst v2  }
0x13f: {  	[tilespmem:s15+$0x20] =	vst v3;
	v2 =	vld [tilespmem:s15+$0x80]  }
0x140: {  	v1 =	vld.idx.msk [tilespmem:v1+s5+$0x0], $0xffff  }
0x141: {  	v3 =	vld [tilespmem:s15+$0xA0]  }
0x142: {  	v4 =	vld [tilespmem:s15+$0xC0]  }
0x143: {  	v6 =	vld [tilespmem:s15+$0xD0]  }
0x144: {  	v7 =	vld [tilespmem:s15+$0xE0]  }
0x145: {  	v8 =	vld [tilespmem:s15+$0xF0];
	v2 =	vmul.f32 v2, v1  }
0x146: {  	v5 =	vld [tilespmem:s15+$0x90];
	v3 =	vmul.f32 v3, v1  }
0x147: {  	v9 =	vld [tilespmem:s15+$0xB0];
	[tilespmem:s15+$0x80] =	vst v2;
	v2 =	vmul.f32 v4, v1  }
0x148: {  	v4 =	vmul.f32 v6, v1;
	[tilespmem:s15+$0xA0] =	vst v3  }
0x149: {  	v3 =	vmul.f32 v7, v1;
	[tilespmem:s15+$0xC0] =	vst v2  }
0x14a: {  	v2 =	vmul.f32 v8, v1;
	[tilespmem:s15+$0xD0] =	vst v4  }
0x14b: {  	v4 =	vmul.f32 v5, v1;
	[tilespmem:s15+$0xE0] =	vst v3  }
0x14c: {  	v1 =	vmul.f32 v9, v1;
	[tilespmem:s15+$0xF0] =	vst v2  }
0x14d: {  	[tilespmem:s15+$0x90] =	vst v4  }
0x14e: {  	p0 =	seq.s32 s14, $0x27;
	[tilespmem:s15+$0xB0] =	vst v1;
	s15 =	sshll.u32 s14, $0x8  }
0x14f: {  	[spmem:s3] =	stream.indirect.scatter.add.f32 [tilespmem:s31], [sflag:$0x9], $0x80, s0, s16, $0xb8;
	[tilespmem:$0x1E680] =	vst v63  }
0x150: {  	s9 =	sadd.s32 @!p0 s15, s25;
	_ =	swait.ge [sflag:s30], $0x4000  }
0x151: {  	s9 =	sshrl.u32 @!p0 s9, $0x3;
	[sflag:s30] =	ssyncset.done $0x0  }
0x152: {  	s11 =	simm.s32 @!p0 $0x0;
	s10 =	sadd.s32 @!p0 s2, s9;
	[sflag:s30] =	ssyncadd.s32 $0xFFFFC000  }
0x153: {  	[tilespmem:s11], [sflag:$0x1] =	stream.linear.gather @!p0 [hbm4b:s10+s11], $0x80, $0x38;
	[tilespmem:$0x1E680] =	vst v63  }
0x154: {  	s12 =	simm.s32 @!p0 $0x100;
	s10 =	sadd.s32 @!p0 s7, s9  }
0x155: {  	[tilespmem:s12], [sflag:$0x3] =	stream.linear.gather @!p0 [hbm4b:s10+s11], $0x80, $0x38;
	[tilespmem:$0x1E680] =	vst v63  }
0x156: {  	s9 =	sadd.s32 @!p0 s6, s9;
	s10 =	simm.s32 @!p0 $0x200  }
0x157: {  	[tilespmem:s10], [sflag:$0x5] =	stream.linear.gather @!p0 [hbm4b:s9+s11], $0x80, $0x38;
	[tilespmem:$0x1E680] =	vst v63  }
0x158: {  	s9 =	simm.s32 @!p0 $0x1  }
0x159: {  	_ =	swait.ge @!p0 [sflag:s9], $0x80  }
0x15a: {  	[sflag:s9] =	ssyncset.done @!p0 $0x0  }
0x15b: {  	[sflag:s9] =	ssyncadd.s32 @!p0 $0xFFFFFF80;
	s9 =	simm.s32 @!p0 $0x3  }
0x15c: {  	_ =	swait.ge @!p0 [sflag:s9], $0x80  }
0x15d: {  	[sflag:s9] =	ssyncset.done @!p0 $0x0  }
0x15e: {  	[sflag:s9] =	ssyncadd.s32 @!p0 $0xFFFFFF80;
	s9 =	simm.s32 @!p0 $0x5  }
0x15f: {  	_ =	swait.ge @!p0 [sflag:s9], $0x80  }
0x160: {  	[sflag:s9] =	ssyncset.done @!p0 $0x0  }
0x161: {  	s10 =	simm.s32 @!p0 $0x2A80;
	[sflag:s9] =	ssyncadd.s32 @!p0 $0xFFFFFF80;
	s9 =	simm.s32 @!p0 $0x80  }
0x162: {  	[tilespmem:s10], [sflag:$0x7] =	stream.indirect.gather @!p0 [hbm4b:s1+s9], $0x80, s11, s9, $0xb8;
	[tilespmem:$0x1E680] =	vst v63  }
0x163: {  	_ =	swait.ge [sflag:s24], $0x4000  }
0x164: {  	[sflag:s24] =	ssyncset.done $0x0  }
0x165: {  	[sflag:s24] =	ssyncadd.s32 $0xFFFFC000  }
0x166: {  	v1 =	vld [tilespmem:$0x180];
	_ =	sdelay $0x7  }
0x167: {  	v1 =	vld.idx.msk [tilespmem:v1+s29+$0x0], $0xffff;
	_ =	sdelay $0x4  }
0x168: {  	v1 =	vmax.f32 v1, $1.000000020e-16  }
0x169: {  	(erf) = vrcp.f32 v1;
	_ =	sdelay $0x3  }
0x16a: {  	v2 =	vld [tilespmem:$0x190]  }
0x16b: {  	v1 =	vld [tilespmem:$0x280];
	_ =	sdelay $0x3  }
0x16c: {  	v3 =	vpop (erf)  }
0x16d: {  	v1 =	vmul.f32 v3, v1;
	_ =	sdelay $0x1  }
0x16e: {  	[tilespmem:$0x280] =	vst v1  }
0x16f: {  	v1 =	vld.idx.msk [tilespmem:v2+s29+$0x0], $0xffff;
	_ =	sdelay $0x4  }
0x170: {  	v1 =	vmax.f32 v1, $1.000000020e-16  }
0x171: {  	(erf) = vrcp.f32 v1;
	_ =	sdelay $0x3  }
0x172: {  	v2 =	vld [tilespmem:$0x1A0]  }
0x173: {  	v1 =	vld [tilespmem:$0x290];
	_ =	sdelay $0x3  }
0x174: {  	v3 =	vpop (erf)  }
0x175: {  	v1 =	vmul.f32 v3, v1;
	_ =	sdelay $0x1  }
0x176: {  	[tilespmem:$0x290] =	vst v1  }
0x177: {  	v1 =	vld.idx.msk [tilespmem:v2+s29+$0x0], $0xffff;
	_ =	sdelay $0x4  }
0x178: {  	v1 =	vmax.f32 v1, $1.000000020e-16  }
0x179: {  	(erf) = vrcp.f32 v1;
	_ =	sdelay $0x3  }
0x17a: {  	v2 =	vld [tilespmem:$0x1B0]  }
0x17b: {  	v1 =	vld [tilespmem:$0x2A0];
	_ =	sdelay $0x3  }
0x17c: {  	v3 =	vpop (erf)  }
0x17d: {  	v1 =	vmul.f32 v3, v1;
	_ =	sdelay $0x1  }
0x17e: {  	[tilespmem:$0x2A0] =	vst v1  }
0x17f: {  	v1 =	vld.idx.msk [tilespmem:v2+s29+$0x0], $0xffff;
	_ =	sdelay $0x4  }
0x180: {  	v1 =	vmax.f32 v1, $1.000000020e-16  }
0x181: {  	(erf) = vrcp.f32 v1;
	_ =	sdelay $0x3  }
0x182: {  	v2 =	vld [tilespmem:$0x1C0]  }
0x183: {  	v1 =	vld [tilespmem:$0x2B0];
	_ =	sdelay $0x3  }
0x184: {  	v3 =	vpop (erf)  }
0x185: {  	v1 =	vmul.f32 v3, v1;
	_ =	sdelay $0x1  }
0x186: {  	[tilespmem:$0x2B0] =	vst v1  }
0x187: {  	v1 =	vld.idx.msk [tilespmem:v2+s29+$0x0], $0xffff;
	_ =	sdelay $0x4  }
0x188: {  	v1 =	vmax.f32 v1, $1.000000020e-16  }
0x189: {  	(erf) = vrcp.f32 v1;
	_ =	sdelay $0x3  }
0x18a: {  	v2 =	vld [tilespmem:$0x1D0]  }
0x18b: {  	v1 =	vld [tilespmem:$0x2C0];
	_ =	sdelay $0x3  }
0x18c: {  	v3 =	vpop (erf)  }
0x18d: {  	v1 =	vmul.f32 v3, v1;
	_ =	sdelay $0x1  }
0x18e: {  	[tilespmem:$0x2C0] =	vst v1  }
0x18f: {  	v1 =	vld.idx.msk [tilespmem:v2+s29+$0x0], $0xffff;
	_ =	sdelay $0x4  }
0x190: {  	v1 =	vmax.f32 v1, $1.000000020e-16  }
0x191: {  	(erf) = vrcp.f32 v1;
	_ =	sdelay $0x3  }
0x192: {  	v2 =	vld [tilespmem:$0x1E0]  }
0x193: {  	v1 =	vld [tilespmem:$0x2D0];
	_ =	sdelay $0x3  }
0x194: {  	v3 =	vpop (erf)  }
0x195: {  	v1 =	vmul.f32 v3, v1;
	_ =	sdelay $0x1  }
0x196: {  	[tilespmem:$0x2D0] =	vst v1  }
0x197: {  	v1 =	vld.idx.msk [tilespmem:v2+s29+$0x0], $0xffff;
	_ =	sdelay $0x4  }
0x198: {  	v1 =	vmax.f32 v1, $1.000000020e-16  }
0x199: {  	(erf) = vrcp.f32 v1;
	_ =	sdelay $0x3  }
0x19a: {  	v2 =	vld [tilespmem:$0x1F0]  }
0x19b: {  	v1 =	vld [tilespmem:$0x2E0];
	_ =	sdelay $0x3  }
0x19c: {  	v3 =	vpop (erf)  }
0x19d: {  	v1 =	vmul.f32 v3, v1;
	_ =	sdelay $0x1  }
0x19e: {  	[tilespmem:$0x2E0] =	vst v1  }
0x19f: {  	v1 =	vld.idx.msk [tilespmem:v2+s29+$0x0], $0xffff;
	_ =	sdelay $0x4  }
0x1a0: {  	v1 =	vmax.f32 v1, $1.000000020e-16  }
0x1a1: {  	(erf) = vrcp.f32 v1;
	_ =	sdelay $0x4  }
0x1a2: {  	v2 =	vld [tilespmem:$0x2F0];
	_ =	sdelay $0x2  }
0x1a3: {  	s12 =	simm.s32 $0x0  }
0x1a4: {  	v1 =	vmov s12;
	v3 =	vpop (erf)  }
0x1a5: {  	v2 =	vmul.f32 v3, v2;
	_ =	sdelay $0x1  }
0x1a6: {  	s9 =	simm.s32 $0x6B80;
	[tilespmem:$0x2F0] =	vst v2  }
0x1a7: {  	v2 =	vld [tilespmem:s9+$0xFFFFFF60]  }
0x1a8: {  	v3 =	vld.idx.msk [tilespmem:v1+s18+$0x0], $0xffff  }
0x1a9: {  	v4 =	vld [tilespmem:s9+$0xFFFFFF40]  }
0x1aa: {  	v5 =	vld [tilespmem:s9+$0xFFFFFF20]  }
0x1ab: {  	v6 =	vld [tilespmem:s9+$0xFFFFFF70]  }
0x1ac: {  	v7 =	vld [tilespmem:s9+$0xFFFFFF10]  }
0x1ad: {  	v8 =	vld [tilespmem:s9+$0xFFFFFF50];
	v2 =	vmul.f32 v2, v3  }
0x1ae: {  	v9 =	vld [tilespmem:s9+$0xFFFFFF30];
	v4 =	vmul.f32 v4, v3  }
0x1af: {  	v10 =	vld [tilespmem:s9+$0xFFFFFF00];
	v5 =	vmul.f32 v5, v3;
	[tilespmem:s9+$0xFFFFFF60] =	vst v2  }
0x1b0: {  	v2 =	vmul.f32 v6, v3;
	[tilespmem:s9+$0xFFFFFF40] =	vst v4  }
0x1b1: {  	v4 =	vmul.f32 v7, v3;
	[tilespmem:s9+$0xFFFFFF20] =	vst v5  }
0x1b2: {  	v6 =	vor.u32 $0x1, v1;
	v5 =	vmul.f32 v8, v3;
	[tilespmem:s9+$0xFFFFFF70] =	vst v2  }
0x1b3: {  	v7 =	vld [tilespmem:s9+$0xFFFFFF80];
	v2 =	vmul.f32 v9, v3;
	[tilespmem:s9+$0xFFFFFF10] =	vst v4  }
0x1b4: {  	v8 =	vld [tilespmem:s9+$0xFFFFFFD0];
	v4 =	vmul.f32 v10, v3;
	[tilespmem:s9+$0xFFFFFF50] =	vst v5  }
0x1b5: {  	v3 =	vld [tilespmem:s9+$0xFFFFFFA0];
	[tilespmem:s9+$0xFFFFFF30] =	vst v2  }
0x1b6: {  	[tilespmem:s9+$0xFFFFFF00] =	vst v4;
	v4 =	vld [tilespmem:s9+$0xFFFFFF90]  }
0x1b7: {  	v2 =	vld.idx.msk [tilespmem:v6+s18+$0x0], $0xffff  }
0x1b8: {  	v5 =	vld [tilespmem:s9+$0xFFFFFFB0]  }
0x1b9: {  	s10 =	simm.s32 $0x4;
	s11 =	simm.s32 $0x6B80;
	v6 =	vld [tilespmem:s9+$0xFFFFFFC0]  }
.LBB2_7:
0x1ba: {  	_ = 	snop  }
0x1bb: {  	p1 =	sne.s32 s10, $0x7C  }
0x1bc: {  	v9 =	vld [tilespmem:s9+$0xFFFFFFF0];
	s11 =	sadd.s32 $0x200, s11;
	s12 =	smov.u32 s10;
	s10 =	sadd.s32 $0x4, s10;
	v7 =	vmul.f32 v7, v2;
	v4 =	vmul.f32 v4, v2  }
0x1bd: {  	v5 =	vmul.f32 v5, v2;
	v8 =	vmul.f32 v8, v2;
	v10 =	vld [tilespmem:s9+$0xFFFFFFE0]  }
0x1be: {  	v3 =	vmul.f32 v3, v2;
	[tilespmem:s9+$0xFFFFFF80] =	vst v7;
	v6 =	vmul.f32 v6, v2  }
0x1bf: {  	[tilespmem:s9+$0xFFFFFFB0] =	vst v5  }
0x1c0: {  	[tilespmem:s9+$0xFFFFFFA0] =	vst v3  }
0x1c1: {  	v3 =	vor.u32 $0x2, v1;
	[tilespmem:s9+$0xFFFFFFD0] =	vst v8  }
0x1c2: {  	[tilespmem:s9+$0xFFFFFFC0] =	vst v6;
	v5 =	vmul.f32 v10, v2;
	v2 =	vmul.f32 v9, v2;
	v6 =	vld [tilespmem:s9+$0x50]  }
0x1c3: {  	[tilespmem:s9+$0xFFFFFF90] =	vst v4;
	v4 =	vld [tilespmem:s9+$0x30]  }
0x1c4: {  	[tilespmem:s9+$0xFFFFFFF0] =	vst v2;
	v2 =	vld [tilespmem:s9+$0x70]  }
0x1c5: {  	[tilespmem:s9+$0xFFFFFFE0] =	vst v5;
	v5 =	vld [tilespmem:s9+$0x0]  }
0x1c6: {  	v3 =	vld.idx.msk [tilespmem:v3+s18+$0x0], $0xffff  }
0x1c7: {  	v7 =	vld [tilespmem:s9+$0x10]  }
0x1c8: {  	v8 =	vld [tilespmem:s9+$0x20]  }
0x1c9: {  	v9 =	vld [tilespmem:s9+$0x40]  }
0x1ca: {  	v10 =	vld [tilespmem:s9+$0x60];
	_ =	sdelay $0x1  }
0x1cb: {  	v5 =	vmul.f32 v5, v3;
	v7 =	vmul.f32 v7, v3  }
0x1cc: {  	v4 =	vmul.f32 v4, v3;
	v8 =	vmul.f32 v8, v3  }
0x1cd: {  	v6 =	vmul.f32 v6, v3;
	[tilespmem:s9+$0x0] =	vst v5;
	v5 =	vmul.f32 v9, v3  }
0x1ce: {  	v2 =	vmul.f32 v2, v3;
	[tilespmem:s9+$0x30] =	vst v4;
	v4 =	vmul.f32 v10, v3  }
0x1cf: {  	[tilespmem:s9+$0x40] =	vst v5  }
0x1d0: {  	v3 =	vor.u32 $0x3, v1;
	[tilespmem:s9+$0x50] =	vst v6  }
0x1d1: {  	[tilespmem:s9+$0x10] =	vst v7;
	v5 =	vld [tilespmem:s9+$0x90]  }
0x1d2: {  	[tilespmem:s9+$0x60] =	vst v4;
	v4 =	vld [tilespmem:s9+$0xC0]  }
0x1d3: {  	v1 =	vmov s12;
	[tilespmem:s9+$0x70] =	vst v2;
	v2 =	vld [tilespmem:s9+$0xA0]  }
0x1d4: {  	[tilespmem:s9+$0x20] =	vst v8;
	v6 =	vld [tilespmem:s9+$0xF0]  }
0x1d5: {  	v3 =	vld.idx.msk [tilespmem:v3+s18+$0x0], $0xffff  }
0x1d6: {  	v7 =	vld [tilespmem:s9+$0x80]  }
0x1d7: {  	v8 =	vld [tilespmem:s9+$0xB0]  }
0x1d8: {  	v9 =	vld [tilespmem:s9+$0xD0]  }
0x1d9: {  	v10 =	vld [tilespmem:s9+$0xE0];
	_ =	sdelay $0x1  }
0x1da: {  	v5 =	vmul.f32 v5, v3;
	v7 =	vmul.f32 v7, v3  }
0x1db: {  	v2 =	vmul.f32 v2, v3;
	v8 =	vmul.f32 v8, v3  }
0x1dc: {  	v4 =	vmul.f32 v4, v3;
	[tilespmem:s9+$0x80] =	vst v7;
	v7 =	vmul.f32 v9, v3  }
0x1dd: {  	[tilespmem:s9+$0xA0] =	vst v2;
	v2 =	vmul.f32 v10, v3;
	v3 =	vmul.f32 v6, v3  }
0x1de: {  	[tilespmem:s9+$0xC0] =	vst v4  }
0x1df: {  	[tilespmem:s9+$0xD0] =	vst v7  }
0x1e0: {  	[tilespmem:s9+$0xE0] =	vst v2  }
0x1e1: {  	v2 =	vld [tilespmem:s11+$0xFFFFFF20];
	[tilespmem:s9+$0xF0] =	vst v3  }
0x1e2: {  	v3 =	vld [tilespmem:s11+$0xFFFFFF70];
	[tilespmem:s9+$0x90] =	vst v5  }
0x1e3: {  	v4 =	vld [tilespmem:s11+$0xFFFFFF60];
	[tilespmem:s9+$0xB0] =	vst v8;
	s9 =	smov.u32 s11  }
0x1e4: {  	v6 =	vor.u32 $0x1, v1;
	v5 =	vld.idx.msk [tilespmem:v1+s18+$0x0], $0xffff  }
0x1e5: {  	v7 =	vld [tilespmem:s11+$0xFFFFFF50]  }
0x1e6: {  	v8 =	vld [tilespmem:s11+$0xFFFFFF40]  }
0x1e7: {  	v9 =	vld [tilespmem:s11+$0xFFFFFF00]  }
0x1e8: {  	v10 =	vld [tilespmem:s11+$0xFFFFFF30]  }
0x1e9: {  	v11 =	vld [tilespmem:s11+$0xFFFFFF10]  }
0x1ea: {  	v4 =	vmul.f32 v4, v5;
	v7 =	vmul.f32 v7, v5  }
0x1eb: {  	v3 =	vmul.f32 v3, v5;
	v8 =	vmul.f32 v8, v5  }
0x1ec: {  	v2 =	vmul.f32 v2, v5;
	v9 =	vmul.f32 v9, v5;
	[tilespmem:s11+$0xFFFFFF60] =	vst v4  }
0x1ed: {  	v4 =	vmul.f32 v10, v5;
	[tilespmem:s11+$0xFFFFFF40] =	vst v8  }
0x1ee: {  	v5 =	vmul.f32 v11, v5;
	[tilespmem:s11+$0xFFFFFF20] =	vst v2  }
0x1ef: {  	[tilespmem:s11+$0xFFFFFF70] =	vst v3  }
0x1f0: {  	[tilespmem:s11+$0xFFFFFF10] =	vst v5  }
0x1f1: {  	[tilespmem:s11+$0xFFFFFF50] =	vst v7;
	v3 =	vld [tilespmem:s11+$0xFFFFFFA0]  }
0x1f2: {  	[tilespmem:s11+$0xFFFFFF30] =	vst v4;
	v7 =	vld [tilespmem:s11+$0xFFFFFF80]  }
.Ltmp4:
0x1f3: {  	[tilespmem:s11+$0xFFFFFF00] =	vst v9;
	v5 =	vld [tilespmem:s11+$0xFFFFFFB0];
	(pc) =	sbr.rel @p1 .LBB2_7-.Ltmp4, $4  }
0x1f4: {  	v2 =	vld.idx.msk [tilespmem:v6+s18+$0x0], $0xffff  }
0x1f5: {  	v4 =	vld [tilespmem:s11+$0xFFFFFF90]  }
0x1f6: {  	v8 =	vld [tilespmem:s11+$0xFFFFFFD0]  }
0x1f7: {  	v6 =	vld [tilespmem:s11+$0xFFFFFFC0]  }
0x1f8: {  	_ = 	snop  }
0x1f9: {  	v9 =	vld [tilespmem:s9+$0xFFFFFFF0];
	v7 =	vmul.f32 v7, v2  }
0x1fa: {  	v10 =	vld [tilespmem:s9+$0xFFFFFFE0];
	v5 =	vmul.f32 v5, v2  }
0x1fb: {  	v3 =	vmul.f32 v3, v2;
	[tilespmem:s9+$0xFFFFFF80] =	vst v7  }
0x1fc: {  	v43 =	vmul.f32 v8, v2;
	[tilespmem:s9+$0xFFFFFFB0] =	vst v5  }
0x1fd: {  	[tilespmem:s9+$0xFFFFFFA0] =	vst v3;
	v44 =	vmul.f32 v6, v2  }
0x1fe: {  	v3 =	vor.u32 $0x2, v1;
	[tilespmem:s9+$0xFFFFFFD0] =	vst v43;
	v45 =	vmul.f32 v9, v2  }
0x1ff: {  	v46 =	vmul.f32 v10, v2;
	[tilespmem:s9+$0xFFFFFFC0] =	vst v44  }
0x200: {  	v2 =	vmul.f32 v4, v2;
	[tilespmem:s9+$0xFFFFFFF0] =	vst v45  }
0x201: {  	[tilespmem:s9+$0xFFFFFFE0] =	vst v46  }
0x202: {  	[tilespmem:s9+$0xFFFFFF90] =	vst v2;
	v2 =	vld [tilespmem:s9+$0x0]  }
0x203: {  	v3 =	vld.idx.msk [tilespmem:v3+s18+$0x0], $0xffff  }
0x204: {  	v48 =	vld [tilespmem:s9+$0x30]  }
0x205: {  	v47 =	vld [tilespmem:s9+$0x50]  }
0x206: {  	v51 =	vld [tilespmem:s9+$0x10]  }
0x207: {  	v49 =	vld [tilespmem:s9+$0x40]  }
0x208: {  	v50 =	vld [tilespmem:s9+$0x70];
	v2 =	vmul.f32 v2, v3  }
0x209: {  	v52 =	vld [tilespmem:s9+$0x60];
	v5 =	vmul.f32 v48, v3  }
0x20a: {  	v53 =	vld [tilespmem:s9+$0x20];
	v4 =	vmul.f32 v47, v3;
	[tilespmem:s9+$0x0] =	vst v2  }
0x20b: {  	v54 =	vmul.f32 v51, v3;
	[tilespmem:s9+$0x30] =	vst v5  }
0x20c: {  	v2 =	vmul.f32 v49, v3;
	[tilespmem:s9+$0x50] =	vst v4  }
0x20d: {  	v1 =	vor.u32 $0x3, v1;
	v55 =	vmul.f32 v50, v3;
	[tilespmem:s9+$0x10] =	vst v54  }
0x20e: {  	[tilespmem:s9+$0x40] =	vst v2;
	v2 =	vmul.f32 v52, v3  }
0x20f: {  	[tilespmem:s9+$0x70] =	vst v55;
	v3 =	vmul.f32 v53, v3  }
0x210: {  	[tilespmem:s9+$0x60] =	vst v2  }
0x211: {  	[tilespmem:s9+$0x20] =	vst v3;
	v2 =	vld [tilespmem:s9+$0x80]  }
0x212: {  	v1 =	vld.idx.msk [tilespmem:v1+s18+$0x0], $0xffff  }
0x213: {  	v3 =	vld [tilespmem:s9+$0xA0]  }
0x214: {  	v58 =	vld [tilespmem:s9+$0xD0]  }
0x215: {  	v56 =	vld [tilespmem:s9+$0x90]  }
0x216: {  	v57 =	vld [tilespmem:s9+$0xC0]  }
0x217: {  	v59 =	vld [tilespmem:s9+$0xE0];
	v2 =	vmul.f32 v2, v1  }
0x218: {  	v60 =	vld [tilespmem:s9+$0xF0];
	v3 =	vmul.f32 v3, v1  }
0x219: {  	v61 =	vld [tilespmem:s9+$0xB0];
	v62 =	vmul.f32 v58, v1;
	[tilespmem:s9+$0x80] =	vst v2  }
0x21a: {  	v63 =	vmul.f32 v56, v1;
	[tilespmem:s9+$0xA0] =	vst v3  }
0x21b: {  	v2 =	vmul.f32 v57, v1;
	[tilespmem:s9+$0xD0] =	vst v62  }
0x21c: {  	v3 =	vmul.f32 v59, v1;
	[tilespmem:s9+$0x90] =	vst v63  }
0x21d: {  	[tilespmem:s9+$0xC0] =	vst v2;
	v2 =	vmul.f32 v60, v1  }
0x21e: {  	[tilespmem:s9+$0xE0] =	vst v3;
	v1 =	vmul.f32 v61, v1  }
0x21f: {  	[tilespmem:s9+$0xF0] =	vst v2  }
.Ltmp5:
0x220: {  	[tilespmem:s9+$0xB0] =	vst v1;
	(pc) =	sbr.rel @p0 .LBB2_10-.Ltmp5, $4  }
0x221: {  	[spmem:s3] =	stream.indirect.scatter.add.f32 [tilespmem:s22], [sflag:$0x9], $0x80, s17, s16, $0xb8;
	[tilespmem:$0x1E680] =	vst v63  }
0x222: {  	_ =	swait.ge [sflag:s30], $0x4000  }
0x223: {  	[sflag:s30] =	ssyncset.done $0x0  }
0x224: {  	[sflag:s30] =	ssyncadd.s32 $0xFFFFC000  }
0x225: {  	s9 =	sadd.s32 s15, s26  }
0x226: {  	s9 =	sshrl.u32 s9, $0x3  }
0x227: {  	s10 =	sadd.s32 s2, s9  }
0x228: {  	[tilespmem:s16], [sflag:$0x2] =	stream.linear.gather [hbm4b:s10+s4], $0x80, $0x38;
	[tilespmem:$0x1E680] =	vst v63  }
.Ltmp6:
0x229: {  	_ = 	snop;
	(pc) =	sbr.rel .LBB2_4-.Ltmp6, $4  }
0x22a: {  	s15 =	sadd.s32 s7, s9  }
0x22b: {  	[tilespmem:s17], [sflag:$0x4] =	stream.linear.gather [hbm4b:s15+s4], $0x80, $0x38;
	[tilespmem:$0x1E680] =	vst v63  }
0x22c: {  	s14 =	sadd.s32 $0x1, s14;
	s9 =	sadd.s32 s6, s9  }
0x22d: {  	[tilespmem:s18], [sflag:$0x6] =	stream.linear.gather [hbm4b:s9+s4], $0x80, $0x38;
	[tilespmem:$0x1E680] =	vst v63  }
.LBB2_11:
0x22e: {  	_ =	sfence.sel $0x180000  }
0x22f: {  	[bflag:$0x0] =	sbarrier.arrive $0xFFFF  }
0x230: {  	_ =	strace $0x9000004A  }
0x231: {  	s0 =	stileid.u32;
	[bflag:$0x2] =	sbarrier.arrive $0xFFFF  }
0x232: {  	p0 =	sne.s32 s0, $0x0;
	s0 =	rddreg [dreg:$0x4]  }
0x233: {  	s0 =	sadd.s32 @!p0 $0x100000, s0  }
0x234: {  	[sflag:s0] =	ssyncadd.tile.s32 @!p0 $0x1;
	_ =	shalt  }
.Lfunc_end2:
_tile_overlayer_lowered:
.L_overlay_start_2:
0x235: {  	(tag) =	ssettag $0x2  }
0x236: {  	s0 =	rddreg [dreg:$0x0];
	s2 =	stileid.u32  }
0x237: {  	s1 =	rddreg [dreg:$0x1];
	p0 =	sne.s32 s2, $0x0  }
0x238: {  	s3 =	rddreg [dreg:$0x2];
	[bflag:$0x3] =	sbarrier.arrive $0xFFFF;
	s2 =	simm.s32 @!p0 $0x1C09  }
0x239: {  	[timem:s3], [sflag:s2] =	dma.local @!p0 [hbm:s0], s1  }
0x23a: {  	s0 =	simm.s32 @!p0 $0x9  }
0x23b: {  	_ =	swait.ge @!p0 [sflag:s0], s1  }
0x23c: {  	s1 =	ssub.s32 @!p0 $0x0, s1;
	[sflag:s0] =	ssyncset.done @!p0 $0x0  }
0x23d: {  	[sflag:s0] =	ssyncadd.s32 @!p0 s1  }
0x23e: {  	[bflag:$0x3] =	sbarrier.arrive $0xFFFF  }
0x23f: {  	_ =	shalt  }

// kernel: kernel.7.cloned.1.call-start
scs
__scs_entry_jumppad:
0x0: {  	(pc) =	sbr.rel $0x88, $3  }
0x1: {  	(tag) =	ssettag $0x0;
	lr =	simm.s32 $0x1  }
0x2: {  	[smem:$0x3F9C] =	sst lr;
	_ =	strace $0xD0000000  }
0x3: {  	_ = 	snop  }
0x4: {  	_ = 	snop  }
0x5: {  	_ = 	snop  }
0x6: {  	_ = 	snop  }
0x7: {  	_ = 	snop  }
__scs_overlays_trampoline_lowered:
0x8: {  	[smem:$0x3FAB] =	sst s0  }
0x9: {  	[smem:$0x3FAC] =	sst s1  }
0xa: {  	[smem:$0x3FAD] =	sst s2  }
0xb: {  	[smem:$0x3FAE] =	sst s3  }
0xc: {  	[smem:$0x3FAF] =	sst s4  }
0xd: {  	[smem:$0x3FB0] =	sst s5  }
0xe: {  	[smem:$0x3FB1] =	sst s6  }
0xf: {  	[smem:$0x3FB2] =	sst s7  }
0x10: {  	[smem:$0x3FB3] =	sst s8  }
0x11: {  	[smem:$0x3FB4] =	sst s9;
	s0 =	simm.s32 @!p0 $0x0  }
0x12: {  	s1 =	sld [smem:$0x3F9A];
	s0 =	simm.s32 @p0 $0x1  }
0x13: {  	[smem:$0x3FB5] =	sst s0;
	s0 =	simm.s32 @!p1 $0x0  }
0x14: {  	s2 =	sld [smem:$0x3F99];
	s0 =	simm.s32 @p1 $0x1  }
0x15: {  	[smem:$0x3FB6] =	sst s0;
	s0 =	simm.s32 @!p2 $0x0  }
0x16: {  	s3 =	sld [smem:$0x3FDB];
	s0 =	simm.s32 @p2 $0x1  }
0x17: {  	s4 =	simm.s32 $0x1BF5;
	[smem:$0x3FB8] =	sst s0  }
0x18: {  	s0 =	sld [smem:$0x3F9B];
	_ =	swait.ge [sflag:s4], $0x0  }
0x19: {  	s7 =	sld [smem:$0x3F9C]  }
0x1a: {  	s8 =	sadd.s32 $0xFFFFE003, lr  }
0x1b: {  	s9 =	sadd.s32 $0xFFFFFEF7, lr;
	s5 =	simm.s32 $0xFFFFFFFF;
	p2 =	slt.u32 s8, $0xFFFFF086  }
0x1c: {  	p1 =	slt.u32 s9, $0xF7A;
	s5 =	simm.s32 @!p2 $0x0  }
0x1d: {  	s5 =	simm.s32 @p1 $0x1;
	p0 =	seq.s32 s7, s2  }
0x1e: {  	s7 =	smul.u32 @!p0 $0xF7A, s2;
	p2 =	seq.s32 @!p0 s5, $0x0  }
0x1f: {  	s9 =	smul.u32 $0xF7A, s1;
	s8 =	simm.s32 @!p0 $0x1BF5;
	p2 =	por !p2, p0  }
0x20: {  	[sflag:s8] =	ssyncset.s32 @!p0 $0xFFFFF086;
	s6 =	sadd.s32 @!p0 s3, s7;
	s7 =	simm.s32 @!p0 $0x108  }
0x21: {  	s3 =	sadd.s32 s3, s9;
	s6 =	sadd.s32 @!p0 $0x88, s6;
	s7 =	simm.s32 @p2 $0x1082  }
0x22: {  	[simem:s7], [sflag:s8] =	dma.local @!p0 [hbm:s6], $0xF7A  }
0x23: {  	s9 =	sor.u32 $0xD0000000, s2;
	s6 =	simm.s32 $0x108;
	_ =	swait.ge @!p0 [sflag:s8], $0x0  }
0x24: {  	s3 =	sadd.s32 $0x88, s3;
	s6 =	simm.s32 @!p1 $0x1082;
	[sflag:s4] =	ssyncset.s32 $0xFFFFF086  }
0x25: {  	[simem:s6], [sflag:s4] =	dma.local [hbm:s3], $0xF7A  }
0x26: {  	[smem:$0x3F9C] =	sst s1;
	(tag) =	ssettag s2;
	_ =	strace s9  }
0x27: {  	s1 =	sld [smem:$0x3FAC]  }
0x28: {  	s2 =	sld [smem:$0x3FAD]  }
0x29: {  	s4 =	sld [smem:$0x3FAF]  }
0x2a: {  	p0 =	seq.s32 s5, $0x0;
	s5 =	sld [smem:$0x3FB0]  }
0x2b: {  	s6 =	sld [smem:$0x3FB1]  }
0x2c: {  	s7 =	sld [smem:$0x3FB2]  }
0x2d: {  	s3 =	simm.s32 $0x108;
	s8 =	sld [smem:$0x3FB3]  }
0x2e: {  	s3 =	simm.s32 @!p0 $0x1082;
	s9 =	sld [smem:$0x3FB4]  }
0x2f: {  	lr =	sadd.s32 s0, s3;
	s0 =	sld [smem:$0x3FAB]  }
0x30: {  	s3 =	sld [smem:$0x3FAE]  }
0x31: {  	[smem:$0x3FB7] =	sst s10  }
0x32: {  	s10 =	sld [smem:$0x3FB5];
	_ =	sdelay $0x3  }
0x33: {  	p0 =	seq.s32 s10, $0x1;
	s10 =	sld [smem:$0x3FB7];
	_ =	sdelay $0x3  }
0x34: {  	[smem:$0x3FB7] =	sst s10  }
0x35: {  	s10 =	sld [smem:$0x3FB6];
	_ =	sdelay $0x3  }
0x36: {  	p1 =	seq.s32 s10, $0x1;
	s10 =	sld [smem:$0x3FB7];
	_ =	sdelay $0x3  }
0x37: {  	[smem:$0x3FB7] =	sst s10  }
0x38: {  	s10 =	sld [smem:$0x3FB8]  }
0x39: {  	_ = 	snop;
	(pc) =	sbr.ind lr, $3  }
0x3a: {  	_ = 	snop  }
0x3b: {  	_ = 	snop  }
0x3c: {  	p2 =	seq.s32 s10, $0x1;
	s10 =	sld [smem:$0x3FB7]  }
0x3d: {  	_ =	shalt  }
0x3e: {  	_ =	shalt  }
0x3f: {  	_ =	shalt  }
0x40: {  	_ =	shalt  }
0x41: {  	_ =	shalt  }
0x42: {  	_ =	shalt  }
0x43: {  	_ =	shalt  }
0x44: {  	_ =	shalt  }
0x45: {  	_ =	shalt  }
0x46: {  	_ =	shalt  }
0x47: {  	_ =	shalt  }
0x48: {  	_ =	shalt  }
0x49: {  	_ =	shalt  }
0x4a: {  	_ =	shalt  }
0x4b: {  	_ =	shalt  }
0x4c: {  	_ =	shalt  }
0x4d: {  	_ =	shalt  }
0x4e: {  	_ =	shalt  }
0x4f: {  	_ =	shalt  }
0x50: {  	_ =	shalt  }
0x51: {  	_ =	shalt  }
0x52: {  	_ =	shalt  }
0x53: {  	_ =	shalt  }
0x54: {  	_ =	shalt  }
0x55: {  	_ =	shalt  }
0x56: {  	_ =	shalt  }
0x57: {  	_ =	shalt  }
0x58: {  	_ =	shalt  }
0x59: {  	_ =	shalt  }
0x5a: {  	_ =	shalt  }
0x5b: {  	_ =	shalt  }
0x5c: {  	_ =	shalt  }
0x5d: {  	_ =	shalt  }
0x5e: {  	_ =	shalt  }
0x5f: {  	_ =	shalt  }
0x60: {  	_ =	shalt  }
0x61: {  	_ =	shalt  }
0x62: {  	_ =	shalt  }
0x63: {  	_ =	shalt  }
0x64: {  	_ =	shalt  }
0x65: {  	_ =	shalt  }
0x66: {  	_ =	shalt  }
0x67: {  	_ =	shalt  }
0x68: {  	_ =	shalt  }
0x69: {  	_ =	shalt  }
0x6a: {  	_ =	shalt  }
0x6b: {  	_ =	shalt  }
0x6c: {  	_ =	shalt  }
0x6d: {  	_ =	shalt  }
0x6e: {  	_ =	shalt  }
0x6f: {  	_ =	shalt  }
0x70: {  	_ =	shalt  }
0x71: {  	_ =	shalt  }
0x72: {  	_ =	shalt  }
0x73: {  	_ =	shalt  }
0x74: {  	_ =	shalt  }
0x75: {  	_ =	shalt  }
0x76: {  	_ =	shalt  }
0x77: {  	_ =	shalt  }
0x78: {  	_ =	shalt  }
0x79: {  	_ =	shalt  }
0x7a: {  	_ =	shalt  }
0x7b: {  	_ =	shalt  }
0x7c: {  	_ =	shalt  }
0x7d: {  	_ =	shalt  }
0x7e: {  	_ =	shalt  }
0x7f: {  	_ =	shalt  }
0x80: {  	_ =	shalt  }
0x81: {  	_ =	shalt  }
0x82: {  	_ =	shalt  }
0x83: {  	_ =	shalt  }
0x84: {  	_ =	shalt  }
0x85: {  	_ =	shalt  }
0x86: {  	_ =	shalt  }
0x87: {  	_ =	shalt  }
.Lfunc_end0:
.L_simem_size_0:
called_computation_lowered:
.L_overlay_start_0:
0x88: {  	s2 =	sld [smem:$0x3FD9]  }
0x89: {  	s3 =	sld [smem:$0x3FFE];
	_ =	sdelay $0x1  }
0x8a: {  	s1 =	srdreg.scid  }
0x8b: {  	s0 =	sand.u32 $0x1, s1  }
0x8c: {  	s17 =	sshll.u32 s0, $0xA;
	s2 =	sadd.s32 s3, s2  }
0x8d: {  	s2 =	sadd.s32 s2, s17  }
0x8e: {  	[smem:$0x3FC3] =	sst s2  }
0x8f: {  	_ = 	snop  }
0x90: {  	s2 =	sld [smem:$0x3FD0];
	(tm) =	ssettm $0x1  }
0x91: {  	s18 =	sld [smem:$0x3FFB];
	_ =	sdelay $0x3  }
0x92: {  	_ =	strace s18  }
0x93: {  	s3 =	sld [smem:$0x3FFC];
	_ =	sdelay $0x3  }
0x94: {  	_ =	strace s3  }
0x95: {  	s3 =	sld [smem:$0x3FFD];
	_ =	sdelay $0x3  }
0x96: {  	_ =	strace s3  }
0x97: {  	_ =	strace $0x8FFFFFFF  }
0x98: {  	s19 =	sld [smem:$0x3FDB];
	_ =	sdelay $0x1  }
0x99: {  	s4 =	simm.s32 $_scs_section_size  }
0x9a: {  	s5 =	simm.s32 $_size__tile_overlayer_lowered;
	s6 =	simm.s32 $_tile_overlayer_lowered  }
0x9b: {  	s22 =	simm.s32 $0x1BFF;
	s21 =	sshll.u32 s6, $0x1;
	s3 =	sadd.s32 s4, s19  }
0x9c: {  	s7 =	simm.s32 $0x0;
	s20 =	sshll.u32 s5, $0x1;
	s5 =	sadd.s32 s21, s3  }
0x9d: {  	[timem:s7], [sflag:s22] =	dma.local [hbm:s5], s20  }
0x9e: {  	_ =	swait.ge [sflag:s22], s20  }
0x9f: {  	s4 =	ssub.s32 $0x0, s20;
	[sflag:s22] =	ssyncset.done $0x0  }
0xa0: {  	[sflag:s22] =	ssyncadd.s32 s4;
	_ =	sdelay $0x1  }
0xa1: {  	s23 =	simm.s32 $0x1B8B  }
0xa2: {  	_ =	swait.ge [sflag:s23], $0x1  }
0xa3: {  	[sflag:s23] =	ssyncset.done $0x0  }
0xa4: {  	s25 =	simm.s32 $0x1B8E;
	s24 =	sld [smem:$0x3FFE];
	[sflag:s23] =	ssyncadd.s32 $0xFFFFFFFF  }
0xa5: {  	s26 =	simm.s32 $execute0_lowered;
	[smem:$0x3FD2] =	sst s25  }
0xa6: {  	s5 =	sshll.u32 s26, $0x1;
	_ =	strace $0x80000046;
	[dreg:$0x1] =	wrdreg $0xFFFFFFFF  }
0xa7: {  	s28 =	simm.s32 $_size_execute0_lowered;
	s3 =	sadd.s32 s3, s5;
	[dreg:$0x0] =	wrdreg $0x0  }
0xa8: {  	s5 =	sshll.u32 s28, $0x1;
	[dreg:$0x2] =	wrdreg s3  }
0xa9: {  	[dreg:$0x3] =	wrdreg s5  }
0xaa: {  	[dreg:$0x4] =	wrdreg $0xC0  }
0xab: {  	_ =	task [dreg:s7], $0x5FFFF  }
0xac: {  	[dreg:$0x1] =	wrdreg $0xFFFFFFFF  }
0xad: {  	[dreg:$0x0] =	wrdreg $0x60  }
0xae: {  	[dreg:$0x2] =	wrdreg s24  }
0xaf: {  	[dreg:$0x3] =	wrdreg s2  }
0xb0: {  	[dreg:$0x4] =	wrdreg $0xCB000  }
0xb1: {  	[dreg:$0x5] =	wrdreg $0xCD780  }
0xb2: {  	[dreg:$0x6] =	wrdreg $0x9  }
0xb3: {  	_ =	task.clear_ibuf [dreg:s7], $0x7FFFF;
	_ =	strace $0x90000046  }
0xb4: {  	s29 =	simm.s32 $0x9;
	_ =	strace $0x80000048  }
0xb5: {  	_ =	swait.ge [sflag:s29], $0x1  }
0xb6: {  	[sflag:s29] =	ssyncadd.s32 $0xFFFFFFFF  }
0xb7: {  	_ =	strace $0x90000048  }
0xb8: {  	_ =	sfence  }
0xb9: {  	s30 =	sld [smem:$0x0];
	_ =	sdelay $0x2  }
0xba: {  	s31 =	sshll.u32 s1, $0xD;
	s1 =	sshrl.u32 s1, $0x2  }
0xbb: {  	s3 =	sand.u32 $0x4000, s31;
	s1 =	sadd.s32 s1, s30  }
0xbc: {  	s0 =	sor.u32 s3, s0;
	s1 =	sshll.u32 s1, $0x11  }
0xbd: {  	s0 =	sor.u32 s1, s0  }
0xbe: {  	s0 =	sadd.s32 $0x8F2B, s0  }
0xbf: {  	[sflag:s0] =	ssyncadd.remote.s32 $0x1  }
0xc0: {  	_ =	sfence.sel $0xFFFF  }
0xc1: {  	[dreg:$0x0] =	wrdreg $0xFFFFFFFF;
	(pc) =	sbr.abs _section_cstart, $3  }
0xc2: {  	[dreg:$0x1] =	wrdreg $0xFFFFFFFF  }
0xc3: {  	_ =	task.clear_ibuf [dreg:s7], $0x2FFFF;
	_ =	strace $0x9FFFFFFF  }
0xc4: {  	(tm) =	ssettm $0x7FFFFFFF  }
0xc5: {  	_ =	shalt  }
tec
execute0_lowered:
.L_overlay_start_1:
0x0: {  	(tag) =	ssettag $0x1  }
0x1: {  	s7 =	rddreg [dreg:$0x0]  }
0x2: {  	s8 =	rddreg [dreg:$0x1]  }
0x3: {  	s1 =	rddreg [dreg:$0x2]  }
0x4: {  	s3 =	rddreg [dreg:$0x3]  }
0x5: {  	s0 =	rddreg [dreg:$0x4];
	v0 =	vimm.s32 $0xFEDCBA98  }
0x6: {  	s4 =	simm.s32 $0x0;
	s5 =	srdreg.scid;
	s2 =	stileid.u32;
	v1 =	vimm.s32 $0x76543210;
	v2 =	vimm.s32 $0xBA98FEDC;
	v3 =	vimm.s32 $0x32107654  }
0x7: {  	v4 =	vimm.s32 $0xDCFE98BA;
	s16 =	simm.s32 $0x2780;
	s17 =	simm.s32 $0x4F00;
	s18 =	simm.s32 $0x7700  }
0x8: {  	v5 =	vimm.s32 $0x54761032;
	v6 =	vimm.s32 $0xEFCDAB89;
	s19 =	simm.s32 $0xC800;
	s20 =	simm.s32 $0xCA80;
	s21 =	simm.s32 $0x80  }
0x9: {  	v7 =	vimm.s32 $0x67452301;
	s22 =	simm.s32 $0xC700;
	s23 =	simm.s32 $0xC780;
	s24 =	simm.s32 $0x9F00  }
0xa: {  	s25 =	simm.s32 $0x0;
	[smem:$0x7FF] =	sst s4;
	s9 =	sand.u32 $0x1, s5;
	v0 =	vunpack.c.l.s4.s8 v0;
	v1 =	vunpack.c.l.s4.s8 v1;
	v2 =	vunpack.c.l.s4.s8 v2  }
0xb: {  	s10 =	smul.u32 $0x278, s2;
	s5 =	sadd.s32 $0xA00, s7;
	s6 =	sadd.s32 $0x400, s7;
	v3 =	vunpack.c.l.s4.s8 v3;
	v4 =	vunpack.c.l.s4.s8 v4;
	v5 =	vunpack.c.l.s4.s8 v5  }
0xc: {  	v6 =	vunpack.c.l.s4.s8 v6;
	v7 =	vunpack.c.l.s4.s8 v7;
	s11 =	smul.u32 $0x2780, s9;
	s12 =	sshll.u32 s9, $0x4;
	s9 =	ssub.s32 $0x2, s9;
	v0 =	vunpack.c.0.s8.s32 v0  }
0xd: {  	_ =	strace $0x80000047;
	s12 =	sor.u32 s2, s12;
	s31 =	sshrl.u32 s9, $0x1;
	v2 =	vunpack.c.0.s8.s32 v2;
	v3 =	vunpack.c.0.s8.s32 v3;
	v4 =	vunpack.c.0.s8.s32 v4  }
0xe: {  	v5 =	vunpack.c.0.s8.s32 v5;
	v6 =	vunpack.c.0.s8.s32 v6;
	v7 =	vunpack.c.0.s8.s32 v7;
	s11 =	sadd.s32 s10, s11;
	s12 =	smul.u32 $0x500, s12;
	s15 =	ssub.s32 s9, s31  }
0xf: {  	s9 =	sadd.s32 s10, s1;
	s10 =	sadd.s32 s10, s3;
	s11 =	sshrl.u32 s11, $0x3;
	v3 =	vcombine.low v3, v2;
	v2 =	vunpack.c.0.s8.s32 v1  }
0x10: {  	v8 =	vand.u32 $0xF, v0;
	v4 =	vcombine.low v5, v4;
	v5 =	vcombine.low v7, v6;
	s13 =	sadd.s32 s11, s7;
	s14 =	sadd.s32 s12, s7;
	s7 =	sadd.s32 s8, s12  }
0x11: {  	v0 =	vimm.f32 $0.0e+00;
	v1 =	vimm.f32 $1.000000000e+00;
	s8 =	sadd.s32 $0x1000, s14;
	s11 =	sadd.s32 $0xB000, s13;
	s12 =	sadd.s32 $0xBA00, s13;
	v2 =	vcombine.low v8, v2  }
0x12: {  	s13 =	sadd.s32 $0xC400, s14;
	s14 =	smax.u32 s15, $0x1;
	s15 =	simm.s32 $0x1;
	v3 =	vand.u32 $0xF, v3;
	v4 =	vand.u32 $0xF, v4;
	v5 =	vand.u32 $0xF, v5  }
.LBB2_1:
0x13: {  	[tilespmem:s4], [sflag:$0x1] =	stream.linear.gather [hbm4b:s5+s4], $0x2780, $0x38;
	[tilespmem:$0xCFF0] =	vst v63  }
0x14: {  	_ =	swait.ge [sflag:s15], $0x2780  }
0x15: {  	[sflag:s15] =	ssyncset.done $0x0  }
0x16: {  	[sflag:s15] =	ssyncadd.s32 $0xFFFFD880  }
0x17: {  	[tilespmem:s16], [sflag:$0x1] =	stream.linear.gather [hbm4b:s6+s4], $0x2780, $0x38;
	[tilespmem:$0xCFF0] =	vst v63  }
0x18: {  	_ =	swait.ge [sflag:s15], $0x2780  }
0x19: {  	[sflag:s15] =	ssyncset.done $0x0  }
0x1a: {  	[sflag:s15] =	ssyncadd.s32 $0xFFFFD880  }
0x1b: {  	[tilespmem:s17], [sflag:$0x1] =	stream.linear.gather [hbm4b:s7+s4], $0x2800, $0x38;
	[tilespmem:$0xCFF0] =	vst v63  }
0x1c: {  	_ =	swait.ge [sflag:s15], $0x2800  }
0x1d: {  	[sflag:s15] =	ssyncset.done $0x0  }
0x1e: {  	[sflag:s15] =	ssyncadd.s32 $0xFFFFD800  }
0x1f: {  	[tilespmem:s18], [sflag:$0x1] =	stream.linear.gather [hbm4b:s8+s4], $0x2800, $0x38;
	[tilespmem:$0xCFF0] =	vst v63  }
0x20: {  	_ =	swait.ge [sflag:s15], $0x2800  }
0x21: {  	[sflag:s15] =	ssyncset.done $0x0  }
0x22: {  	[sflag:s15] =	ssyncadd.s32 $0xFFFFD800  }
0x23: {  	[tilespmem:$0xC800] =	vst v0  }
0x24: {  	[tilespmem:$0xC810] =	vst v0  }
0x25: {  	[tilespmem:$0xC820] =	vst v0  }
0x26: {  	[tilespmem:$0xC830] =	vst v0  }
0x27: {  	[tilespmem:$0xC840] =	vst v0  }
0x28: {  	[tilespmem:$0xC850] =	vst v0  }
0x29: {  	[tilespmem:$0xC860] =	vst v0  }
0x2a: {  	[tilespmem:$0xC870] =	vst v0  }
0x2b: {  	[tilespmem:$0xC880] =	vst v0  }
0x2c: {  	[tilespmem:$0xC890] =	vst v0  }
0x2d: {  	[tilespmem:$0xC8A0] =	vst v0  }
0x2e: {  	[tilespmem:$0xC8B0] =	vst v0  }
0x2f: {  	[tilespmem:$0xC8C0] =	vst v0  }
0x30: {  	[tilespmem:$0xC8D0] =	vst v0  }
0x31: {  	[tilespmem:$0xC8E0] =	vst v0  }
0x32: {  	[tilespmem:$0xC8F0] =	vst v0  }
0x33: {  	[tilespmem:$0xC900] =	vst v0  }
0x34: {  	[tilespmem:$0xC910] =	vst v0  }
0x35: {  	[tilespmem:$0xC920] =	vst v0  }
0x36: {  	[tilespmem:$0xC930] =	vst v0  }
0x37: {  	[tilespmem:$0xC940] =	vst v0  }
0x38: {  	[tilespmem:$0xC950] =	vst v0  }
0x39: {  	[tilespmem:$0xC960] =	vst v0  }
0x3a: {  	[tilespmem:$0xC970] =	vst v0  }
0x3b: {  	[tilespmem:$0xC980] =	vst v0  }
0x3c: {  	[tilespmem:$0xC990] =	vst v0  }
0x3d: {  	[tilespmem:$0xC9A0] =	vst v0  }
0x3e: {  	[tilespmem:$0xC9B0] =	vst v0  }
0x3f: {  	[tilespmem:$0xC9C0] =	vst v0  }
0x40: {  	[tilespmem:$0xC9D0] =	vst v0  }
0x41: {  	[tilespmem:$0xC9E0] =	vst v0  }
0x42: {  	[tilespmem:$0xC9F0] =	vst v0  }
0x43: {  	[tilespmem:$0xCA00] =	vst v0  }
0x44: {  	[tilespmem:$0xCA10] =	vst v0  }
0x45: {  	[tilespmem:$0xCA20] =	vst v0  }
0x46: {  	[tilespmem:$0xCA30] =	vst v0  }
0x47: {  	[tilespmem:$0xCA40] =	vst v0  }
0x48: {  	[tilespmem:$0xCA50] =	vst v0  }
0x49: {  	[tilespmem:$0xCA60] =	vst v0  }
0x4a: {  	[tilespmem:$0xCA70] =	vst v0  }
0x4b: {  	[tilespmem:$0xC780] =	vst v1  }
0x4c: {  	[tilespmem:$0xC790] =	vst v1  }
0x4d: {  	[tilespmem:$0xC7A0] =	vst v1  }
0x4e: {  	[tilespmem:$0xC7B0] =	vst v1  }
0x4f: {  	[tilespmem:$0xC7C0] =	vst v1  }
0x50: {  	[tilespmem:$0xC7D0] =	vst v1  }
0x51: {  	[tilespmem:$0xC7E0] =	vst v1  }
0x52: {  	[tilespmem:$0xC7F0] =	vst v1  }
0x53: {  	[spmem:s9] =	stream.linear.scatter [tilespmem:s19], [sflag:$0x1], $0x278, $0x38;
	[tilespmem:$0xCFF0] =	vst v63  }
0x54: {  	_ =	swait.ge [sflag:s15], $0x278  }
0x55: {  	[sflag:s15] =	ssyncset.done $0x0  }
0x56: {  	[sflag:s15] =	ssyncadd.s32 $0xFFFFFD88  }
0x57: {  	[spmem:s10] =	stream.linear.scatter [tilespmem:s19], [sflag:$0x1], $0x278, $0x38;
	[tilespmem:$0xCFF0] =	vst v63  }
0x58: {  	_ =	swait.ge [sflag:s15], $0x278  }
0x59: {  	[sflag:s15] =	ssyncset.done $0x0  }
0x5a: {  	[sflag:s15] =	ssyncadd.s32 $0xFFFFFD88  }
0x5b: {  	s28 =	simm.s32 $0x0;
	[bflag:$0x0] =	sbarrier.arrive $0xFFFF  }
0x5c: {  	v7 =	vld [tilespmem:s28+$0x2780]  }
0x5d: {  	v6 =	vimm.f32 $-3.000000010e+38;
	s26 =	simm.s32 $0x40;
	v8 =	vimm.f32 $-3.000000010e+38;
	v9 =	vld [tilespmem:s28+$0x0]  }
.LBB2_2:
0x5e: {  	p0 =	sne.s32 s26, $0x9DC0  }
.Ltmp0:
0x5f: {  	_ = 	snop;
	(pc) =	sbr.rel @p0 .LBB2_2-.Ltmp0, $4  }
0x60: {  	_ = 	snop  }
0x61: {  	s28 =	sshra.s32 s26, $0x2;
	s26 =	sadd.s32 $0x40, s26;
	v6 =	vmax.f32 v6, v7  }
0x62: {  	v7 =	vld [tilespmem:s28+$0x2780];
	v8 =	vmax.f32 v8, v9  }
0x63: {  	v9 =	vld [tilespmem:s28+$0x0]  }
0x64: {  	_ =	sdelay $0x3  }
0x65: {  	v8 =	vmax.f32 v8, v9  }
0x66: {  	[tilespmem:$0xCA80] =	vst v8  }
0x67: {  	v57 =	vld.idx.msk [tilespmem:v2+s20+$0x0], $0xffff;
	_ =	sdelay $0x4  }
0x68: {  	v8 =	vmax.f32 v8, v57  }
0x69: {  	[tilespmem:$0xCA80] =	vst v8  }
0x6a: {  	v58 =	vld.idx.msk [tilespmem:v3+s20+$0x0], $0xffff;
	_ =	sdelay $0x4  }
0x6b: {  	v8 =	vmax.f32 v8, v58  }
0x6c: {  	[tilespmem:$0xCA80] =	vst v8  }
0x6d: {  	v59 =	vld.idx.msk [tilespmem:v4+s20+$0x0], $0xffff;
	_ =	sdelay $0x4  }
0x6e: {  	v8 =	vmax.f32 v8, v59  }
0x6f: {  	v6 =	vmax.f32 v6, v7;
	[tilespmem:$0xCA80] =	vst v8  }
0x70: {  	v7 =	vld.idx.msk [tilespmem:v5+s20+$0x0], $0xffff;
	[tilespmem:$0xCA80] =	vst v6  }
0x71: {  	v60 =	vld.idx.msk [tilespmem:v2+s20+$0x0], $0xffff;
	_ =	sdelay $0x4  }
0x72: {  	v6 =	vmax.f32 v6, v60  }
0x73: {  	[tilespmem:$0xCA80] =	vst v6  }
0x74: {  	v61 =	vld.idx.msk [tilespmem:v3+s20+$0x0], $0xffff;
	_ =	sdelay $0x4  }
0x75: {  	v6 =	vmax.f32 v6, v61  }
0x76: {  	[tilespmem:$0xCA80] =	vst v6  }
0x77: {  	v62 =	vld.idx.msk [tilespmem:v4+s20+$0x0], $0xffff;
	_ =	sdelay $0x4  }
0x78: {  	v6 =	vmax.f32 v6, v62  }
0x79: {  	s26 =	simm.s32 $0x0;
	[tilespmem:$0xCA80] =	vst v6  }
0x7a: {  	v63 =	vld [tilespmem:s26+$0x7700]  }
0x7b: {  	v10 =	vld [tilespmem:s26+$0x4F00];
	_ =	sdelay $0x5  }
0x7c: {  	v11 =	vld.idx.msk [tilespmem:v5+s20+$0x0], $0xffff  }
0x7d: {  	s28 =	simm.s32 $0x0;
	v9 =	vld.idx.msk [tilespmem:v63+s16+$0x0], $0xffff  }
0x7e: {  	v10 =	vld.idx.msk [tilespmem:v10+s28+$0x0], $0xffff;
	_ =	sdelay $0x3  }
0x7f: {  	v7 =	vmax.f32 v8, v7;
	v6 =	vmax.f32 v6, v11  }
0x80: {  	v6 =	vadd.f32 v6, v7;
	v7 =	vadd.f32 v9, v10;
	_ =	sdelay $0x1  }
0x81: {  	v8 =	vmul.f32 $9.999999770e-03, v6;
	v9 =	vmul.f32 $9.999999770e-03, v7  }
0x82: {  	vm0 =	vgt.f32 v6, $0.0e+00;
	vm1 =	vgt.f32 v7, $0.0e+00  }
0x83: {  	v6 =	vsel vm0, v6, v8;
	v7 =	vsel vm1, v7, v9  }
0x84: {  	v7 =	vsub.f32 v7, v6;
	_ =	sdelay $0x1  }
0x85: {  	v7 =	vmul.f32 $1.442695020e+00, v7;
	_ =	sdelay $0x1  }
0x86: {  	(erf) = vpow2.f32 v7;
	_ =	sdelay $0x1  }
0x87: {  	s30 =	simm.s32 $0x10  }
0x88: {  	s29 =	simm.s32 $0x80;
	v7 =	vld [tilespmem:s30+$0x7700]  }
.LBB2_4:
0x89: {  	p0 =	sne.s32 s29, $0x9FC0;
	v8 =	vld [tilespmem:s30+$0x4F00];
	_ =	sdelay $0x4  }
0x8a: {  	v9 =	vpop (erf)  }
0x8b: {  	[tilespmem:s26+$0x9F00] =	vst v9;
	s26 =	smov.u32 s30  }
0x8c: {  	v7 =	vld.idx.msk [tilespmem:v7+s16+$0x0], $0xffff  }
0x8d: {  	v8 =	vld.idx.msk [tilespmem:v8+s28+$0x0], $0xffff;
	_ =	sdelay $0x5  }
0x8e: {  	v7 =	vadd.f32 v7, v8;
	_ =	sdelay $0x1  }
0x8f: {  	v8 =	vmul.f32 $9.999999770e-03, v7  }
0x90: {  	vm0 =	vgt.f32 v7, $0.0e+00  }
0x91: {  	v7 =	vsel vm0, v7, v8  }
0x92: {  	v7 =	vsub.f32 v7, v6;
	_ =	sdelay $0x1  }
0x93: {  	v7 =	vmul.f32 $1.442695020e+00, v7  }
.Ltmp1:
0x94: {  	(pc) =	sbr.rel @p0 .LBB2_4-.Ltmp1, $3  }
0x95: {  	(erf) = vpow2.f32 v7;
	_ =	sdelay $0x1  }
0x96: {  	s30 =	sshra.s32 s29, $0x2  }
0x97: {  	s29 =	sadd.s32 $0x40, s29;
	v7 =	vld [tilespmem:s30+$0x7700]  }
0x98: {  	_ = 	snop  }
0x99: {  	v8 =	vld [tilespmem:s30+$0x4F00];
	_ =	sdelay $0x4  }
0x9a: {  	v9 =	vpop (erf)  }
0x9b: {  	[tilespmem:s26+$0x9F00] =	vst v9  }
0x9c: {  	v7 =	vld.idx.msk [tilespmem:v7+s16+$0x0], $0xffff  }
0x9d: {  	v8 =	vld.idx.msk [tilespmem:v8+s28+$0x0], $0xffff;
	_ =	sdelay $0x4  }
0x9e: {  	v7 =	vadd.f32 v7, v8;
	_ =	sdelay $0x1  }
0x9f: {  	v8 =	vmul.f32 $9.999999770e-03, v7  }
0xa0: {  	vm0 =	vgt.f32 v7, $0.0e+00  }
0xa1: {  	v7 =	vsel vm0, v7, v8  }
0xa2: {  	v6 =	vsub.f32 v7, v6;
	_ =	sdelay $0x1  }
0xa3: {  	v6 =	vmul.f32 $1.442695020e+00, v6;
	_ =	sdelay $0x1  }
0xa4: {  	(erf) = vpow2.f32 v6;
	_ =	sdelay $0x8  }
0xa5: {  	v6 =	vpop (erf)  }
0xa6: {  	s29 =	simm.s32 $0x0;
	[tilespmem:s30+$0x9F00] =	vst v6  }
0xa7: {  	v6 =	vld [tilespmem:s29+$0x7700];
	_ =	sdelay $0x4  }
0xa8: {  	[tilespmem:$0xC700] =	vst v6  }
0xa9: {  	v6 =	vld [tilespmem:s29+$0x7710];
	_ =	sdelay $0x4  }
0xaa: {  	[tilespmem:$0xC710] =	vst v6  }
0xab: {  	v6 =	vld [tilespmem:s29+$0x7720];
	_ =	sdelay $0x4  }
0xac: {  	[tilespmem:$0xC720] =	vst v6  }
0xad: {  	v6 =	vld [tilespmem:s29+$0x7730];
	_ =	sdelay $0x4  }
0xae: {  	[tilespmem:$0xC730] =	vst v6  }
0xaf: {  	v6 =	vld [tilespmem:s29+$0x7740];
	_ =	sdelay $0x4  }
0xb0: {  	[tilespmem:$0xC740] =	vst v6  }
0xb1: {  	v6 =	vld [tilespmem:s29+$0x7750];
	_ =	sdelay $0x4  }
0xb2: {  	[tilespmem:$0xC750] =	vst v6  }
0xb3: {  	v6 =	vld [tilespmem:s29+$0x7760];
	_ =	sdelay $0x4  }
0xb4: {  	[tilespmem:$0xC760] =	vst v6  }
0xb5: {  	v6 =	vld [tilespmem:s29+$0x7770];
	_ =	sdelay $0x4  }
0xb6: {  	s31 =	simm.s32 $0x9F00;
	[tilespmem:$0xC770] =	vst v6  }
0xb7: {  	[spmem:s1] =	stream.indirect.scatter.add.f32 [tilespmem:s31], [sflag:$0x1], $0x1, s22, s21, $0xb8;
	[tilespmem:$0xCFF0] =	vst v63  }
0xb8: {  	_ =	swait.ge [sflag:s15], $0x80  }
0xb9: {  	[sflag:s15] =	ssyncset.done $0x0  }
0xba: {  	[sflag:s15] =	ssyncadd.s32 $0xFFFFFF80  }
0xbb: {  	[spmem:s3] =	stream.indirect.scatter.add.f32 [tilespmem:s23], [sflag:$0x1], $0x1, s22, s21, $0xb8;
	[tilespmem:$0xCFF0] =	vst v63  }
0xbc: {  	_ =	swait.ge [sflag:s15], $0x80  }
0xbd: {  	s26 =	simm.s32 $0x200;
	s30 =	simm.s32 $0x400;
	[sflag:s15] =	ssyncset.done $0x0  }
.LBB2_6:
0xbe: {  	s29 =	sshra.s32 s26, $0x2  }
0xbf: {  	[sflag:s15] =	ssyncadd.s32 $0xFFFFFF80;
	s26 =	smov.u32 s30;
	s28 =	sadd.s32 $0x200, s30  }
0xc0: {  	p0 =	sne.s32 s30, $0x9E00;
	v6 =	vld [tilespmem:s29+$0x7700];
	_ =	sdelay $0x4  }
0xc1: {  	[tilespmem:$0xC700] =	vst v6  }
0xc2: {  	v6 =	vld [tilespmem:s29+$0x7710];
	_ =	sdelay $0x4  }
0xc3: {  	[tilespmem:$0xC710] =	vst v6  }
0xc4: {  	v6 =	vld [tilespmem:s29+$0x7720];
	_ =	sdelay $0x4  }
0xc5: {  	[tilespmem:$0xC720] =	vst v6  }
0xc6: {  	v6 =	vld [tilespmem:s29+$0x7730];
	_ =	sdelay $0x4  }
0xc7: {  	[tilespmem:$0xC730] =	vst v6  }
0xc8: {  	v6 =	vld [tilespmem:s29+$0x7740];
	_ =	sdelay $0x4  }
0xc9: {  	[tilespmem:$0xC740] =	vst v6  }
0xca: {  	v6 =	vld [tilespmem:s29+$0x7750];
	_ =	sdelay $0x4  }
0xcb: {  	[tilespmem:$0xC750] =	vst v6  }
0xcc: {  	v6 =	vld [tilespmem:s29+$0x7760];
	_ =	sdelay $0x4  }
0xcd: {  	[tilespmem:$0xC760] =	vst v6  }
0xce: {  	v6 =	vld [tilespmem:s29+$0x7770];
	_ =	sdelay $0x4  }
0xcf: {  	s29 =	sadd.s32 $0x9F00, s29;
	[tilespmem:$0xC770] =	vst v6  }
0xd0: {  	[spmem:s1] =	stream.indirect.scatter.add.f32 [tilespmem:s29], [sflag:$0x1], $0x1, s22, s21, $0xb8;
	[tilespmem:$0xCFF0] =	vst v63  }
0xd1: {  	_ =	swait.ge [sflag:s15], $0x80  }
.Ltmp2:
0xd2: {  	[sflag:s15] =	ssyncset.done $0x0;
	(pc) =	sbr.rel @p0 .LBB2_6-.Ltmp2, $4  }
0xd3: {  	[sflag:s15] =	ssyncadd.s32 $0xFFFFFF80  }
0xd4: {  	[spmem:s3] =	stream.indirect.scatter.add.f32 [tilespmem:s23], [sflag:$0x1], $0x1, s22, s21, $0xb8;
	[tilespmem:$0xCFF0] =	vst v63  }
0xd5: {  	_ =	swait.ge [sflag:s15], $0x80  }
0xd6: {  	s30 =	smov.u32 s28;
	[sflag:s15] =	ssyncset.done $0x0  }
0xd7: {  	s26 =	sshra.s32 s26, $0x2;
	[sflag:s15] =	ssyncadd.s32 $0xFFFFFF80  }
0xd8: {  	v6 =	vld [tilespmem:s26+$0x7700];
	_ =	sdelay $0x4  }
0xd9: {  	[tilespmem:$0xC700] =	vst v6  }
0xda: {  	v6 =	vld [tilespmem:s26+$0x7710];
	_ =	sdelay $0x4  }
0xdb: {  	[tilespmem:$0xC710] =	vst v6  }
0xdc: {  	v6 =	vld [tilespmem:s26+$0x7720];
	_ =	sdelay $0x4  }
0xdd: {  	[tilespmem:$0xC720] =	vst v6  }
0xde: {  	v6 =	vld [tilespmem:s26+$0x7730];
	_ =	sdelay $0x4  }
0xdf: {  	[tilespmem:$0xC730] =	vst v6  }
0xe0: {  	v6 =	vld [tilespmem:s26+$0x7740];
	_ =	sdelay $0x4  }
0xe1: {  	[tilespmem:$0xC740] =	vst v6  }
0xe2: {  	v6 =	vld [tilespmem:s26+$0x7750];
	_ =	sdelay $0x4  }
0xe3: {  	[tilespmem:$0xC750] =	vst v6  }
0xe4: {  	v6 =	vld [tilespmem:s26+$0x7760];
	_ =	sdelay $0x4  }
0xe5: {  	[tilespmem:$0xC760] =	vst v6  }
0xe6: {  	v6 =	vld [tilespmem:s26+$0x7770];
	_ =	sdelay $0x4  }
0xe7: {  	s26 =	sadd.s32 $0x9F00, s26;
	[tilespmem:$0xC770] =	vst v6  }
0xe8: {  	[spmem:s1] =	stream.indirect.scatter.add.f32 [tilespmem:s26], [sflag:$0x1], $0x1, s22, s21, $0xb8;
	[tilespmem:$0xCFF0] =	vst v63  }
0xe9: {  	_ =	swait.ge [sflag:s15], $0x80  }
0xea: {  	[sflag:s15] =	ssyncset.done $0x0  }
0xeb: {  	[sflag:s15] =	ssyncadd.s32 $0xFFFFFF80  }
0xec: {  	[spmem:s3] =	stream.indirect.scatter.add.f32 [tilespmem:s23], [sflag:$0x1], $0x1, s22, s21, $0xb8;
	[tilespmem:$0xCFF0] =	vst v63  }
0xed: {  	_ =	swait.ge [sflag:s15], $0x80  }
0xee: {  	[sflag:s15] =	ssyncset.done $0x0  }
0xef: {  	[sflag:s15] =	ssyncadd.s32 $0xFFFFFF80  }
0xf0: {  	[bflag:$0x0] =	sbarrier.arrive $0xFFFF  }
0xf1: {  	[tilespmem:s19], [sflag:$0x1] =	stream.linear.gather [spmem:s9], $0x278, $0x38;
	[tilespmem:$0xCFF0] =	vst v63  }
0xf2: {  	_ =	swait.ge [sflag:s15], $0x278  }
0xf3: {  	[sflag:s15] =	ssyncset.done $0x0  }
0xf4: {  	[sflag:s15] =	ssyncadd.s32 $0xFFFFFD88  }
0xf5: {  	[hbm4b:s11+s4] =	stream.linear.scatter [tilespmem:s19], [sflag:$0x1], $0x278, $0x38;
	[tilespmem:$0xCFF0] =	vst v63  }
0xf6: {  	_ =	swait.ge [sflag:s15], $0x278  }
0xf7: {  	[sflag:s15] =	ssyncset.done $0x0  }
0xf8: {  	[sflag:s15] =	ssyncadd.s32 $0xFFFFFD88  }
0xf9: {  	[tilespmem:s19], [sflag:$0x1] =	stream.linear.gather [spmem:s10], $0x278, $0x38;
	[tilespmem:$0xCFF0] =	vst v63  }
0xfa: {  	_ =	swait.ge [sflag:s15], $0x278  }
0xfb: {  	[sflag:s15] =	ssyncset.done $0x0  }
0xfc: {  	[sflag:s15] =	ssyncadd.s32 $0xFFFFFD88  }
0xfd: {  	[hbm4b:s12+s4] =	stream.linear.scatter [tilespmem:s19], [sflag:$0x1], $0x278, $0x38;
	[tilespmem:$0xCFF0] =	vst v63  }
0xfe: {  	s25 =	sadd.s32 $0x1, s25;
	_ =	swait.ge [sflag:s15], $0x278  }
0xff: {  	p0 =	sne.s32 s25, s14;
	[sflag:s15] =	ssyncset.done $0x0  }
.Ltmp3:
0x100: {  	[sflag:s15] =	ssyncadd.s32 $0xFFFFFD88;
	(pc) =	sbr.rel @p0 .LBB2_1-.Ltmp3, $4  }
0x101: {  	[hbm4b:s13+s4] =	stream.linear.scatter [tilespmem:s24], [sflag:$0x1], $0x2800, $0x38;
	[tilespmem:$0xCFF0] =	vst v63  }
0x102: {  	_ =	swait.ge [sflag:s15], $0x2800  }
0x103: {  	[sflag:s15] =	ssyncset.done $0x0  }
0x104: {  	[sflag:s15] =	ssyncadd.s32 $0xFFFFD800  }
0x105: {  	_ =	sfence.sel $0x180000  }
0x106: {  	[bflag:$0x0] =	sbarrier.arrive $0xFFFF  }
0x107: {  	p0 =	sne.s32 s2, $0x0;
	_ =	strace $0x90000047  }
0x108: {  	s0 =	sadd.s32 @!p0 $0x100000, s0;
	[bflag:$0x2] =	sbarrier.arrive $0xFFFF  }
0x109: {  	[sflag:s0] =	ssyncadd.tile.s32 @!p0 $0x1;
	_ =	shalt  }
.Lfunc_end2:
_tile_overlayer_lowered:
.L_overlay_start_2:
0x10a: {  	(tag) =	ssettag $0x2  }
0x10b: {  	s0 =	rddreg [dreg:$0x0];
	s2 =	stileid.u32  }
0x10c: {  	s1 =	rddreg [dreg:$0x1];
	p0 =	sne.s32 s2, $0x0  }
0x10d: {  	s3 =	rddreg [dreg:$0x2];
	[bflag:$0x3] =	sbarrier.arrive $0xFFFF;
	s2 =	simm.s32 @!p0 $0x1C01  }
0x10e: {  	[timem:s3], [sflag:s2] =	dma.local @!p0 [hbm:s0], s1  }
0x10f: {  	s0 =	simm.s32 @!p0 $0x1  }
0x110: {  	_ =	swait.ge @!p0 [sflag:s0], s1  }
0x111: {  	s1 =	ssub.s32 @!p0 $0x0, s1;
	[sflag:s0] =	ssyncset.done @!p0 $0x0  }
0x112: {  	[sflag:s0] =	ssyncadd.s32 @!p0 s1  }
0x113: {  	[bflag:$0x3] =	sbarrier.arrive $0xFFFF  }
0x114: {  	_ =	shalt  }

</sc_bundles>
